<compile_context>
chip_gen: v7x
topology: tpu7x:2x2x1
jax: 0.10.2.dev20260603
libtpu: 0.0.44.dev20260713+nightly
codegen_flags: <defaults>
</compile_context>

<pallas_src>
import functools

import jax
import jax.numpy as jnp
from jax import lax
from jax.experimental import pallas as pl
from jax.experimental.pallas import tpu as pltpu
from jax.experimental.pallas import tpu_sc as plsc

D = 1024
H = 16
DH = 64
DFF = 4096
N = 2048
BC = 4
SC = 2
BS = 4
NSEL = 2
RT = 256
NRT = N // RT
RT3 = 512
RT35 = 512
NC2 = N // SC
NB = N // BS
SCALE = DH ** -0.5

_call = pl.pallas_call


def _s1_body(src_r, wq_r, wkv_r, wg_r, g1_r, b1_r, bg_r,
             q_r, kv_r, g_r):
    x = src_r[...]
    m = jnp.mean(x, -1, keepdims=True)
    va = jnp.mean((x - m) ** 2, -1, keepdims=True)
    xln = (x - m) / jnp.sqrt(va + 1e-5) * g1_r[...] + b1_r[...]
    q_r[...] = xln @ wq_r[...]
    kv_r[...] = xln @ wkv_r[...]
    g_r[...] = xln @ wg_r[...] + bg_r[...]


def _s1(src, wq, wkv, wg_r, ln1g, ln1b, bg_r):
    full = lambda a, b: pl.BlockSpec((a, b), lambda i: (0, 0))
    return _call(
        _s1_body,
        grid=(NRT,),
        in_specs=[
            pl.BlockSpec((RT, D), lambda i: (i, 0)),
            full(D, H * DH), full(D, 2 * H * DH), full(D, H * 3),
            full(1, D), full(1, D), full(1, H * 3),
        ],
        out_specs=[
            pl.BlockSpec((RT, H * DH), lambda i: (i, 0)),
            pl.BlockSpec((RT, 2 * H * DH), lambda i: (i, 0)),
            pl.BlockSpec((RT, H * 3), lambda i: (i, 0)),
        ],
        out_shape=[
            jax.ShapeDtypeStruct((N, H * DH), jnp.float32),
            jax.ShapeDtypeStruct((N, 2 * H * DH), jnp.float32),
            jax.ShapeDtypeStruct((N, H * 3), jnp.float32),
        ],
    )(src, wq, wkv, wg_r, ln1g.reshape(1, D), ln1b.reshape(1, D),
      bg_r.reshape(1, H * 3))


def _s2_body(ev_r, od_r, wkc_r, bkc_r, wvc_r, bvc_r, ck_r, cv_r):
    ev = ev_r[...]
    od = od_r[...]
    kev, vev = ev[:, :DH], ev[:, DH:]
    kod, vod = od[:, :DH], od[:, DH:]
    z = jnp.zeros((1, DH), jnp.float32)
    kev1 = jnp.concatenate([kev[1:], z], axis=0)
    kod1 = jnp.concatenate([kod[1:], z], axis=0)
    vev1 = jnp.concatenate([vev[1:], z], axis=0)
    vod1 = jnp.concatenate([vod[1:], z], axis=0)
    ckc = jnp.concatenate([kev, kod, kev1, kod1], axis=1)
    cvc = jnp.concatenate([vev, vod, vev1, vod1], axis=1)
    ck_r[0] = ckc @ wkc_r[...] + bkc_r[...]
    cv_r[0] = cvc @ wvc_r[...] + bvc_r[...]


def _s2(kv2, p):
    blk = pl.BlockSpec((1, NC2, DH), lambda h: (h, 0, 0))
    full = lambda a, b: pl.BlockSpec((a, b), lambda h: (0, 0))
    return _call(
        _s2_body,
        grid=(H,),
        in_specs=[pl.BlockSpec((NC2, 2 * DH), lambda h: (0, h)),
                  pl.BlockSpec((NC2, 2 * DH), lambda h: (0, H + h)),
                  full(BC * DH, DH), full(1, DH), full(BC * DH, DH), full(1, DH)],
        out_specs=[blk, blk],
        out_shape=[jax.ShapeDtypeStruct((H, NC2, DH), jnp.float32),
                   jax.ShapeDtypeStruct((H, NC2, DH), jnp.float32)],
    )(kv2, kv2, p['Wkc'], p['bkc'].reshape(1, DH),
      p['Wvc'], p['bvc'].reshape(1, DH))


def _s3_body(hoff, q_r, kv_r, kvb_r, ck_r, cv_r, cout_r, wout_r, gidx_r):
    h2 = pl.program_id(0)
    rt = pl.program_id(1)
    bprev = jnp.maximum(rt - 1, 0)
    brid = lax.broadcasted_iota(jnp.int32, (N // RT3, 4 * DH), 0)
    brow_all = jnp.sum(jnp.where(brid == bprev, kvb_r[...], 0.0),
                       axis=0, keepdims=True)
    irow = rt * RT3 + lax.broadcasted_iota(jnp.int32, (RT3, NC2), 0)
    col = lax.broadcasted_iota(jnp.int32, (RT3, NC2), 1)
    cmask = (2 * col + BC - 1) <= irow
    scond = (col % 2 == 0) & (2 * col <= irow)
    c2 = lax.broadcasted_iota(jnp.int32, (RT3, NSEL), 1)
    ipc = rt * RT3 + lax.broadcasted_iota(jnp.int32, (RT3, 1), 0)
    valid0 = ipc >= 1
    anyvis = ipc >= (BC - 1)

    for p in range(2):
        q = q_r[:, p * DH:(p + 1) * DH]
        ck = ck_r[p]
        cv = cv_r[p]
        clog = lax.dot_general(q, ck, (((1,), (1,)), ((), ()))) * SCALE
        clogm = jnp.where(cmask, clog, -1e9)
        rowmax = jnp.max(clogm, -1, keepdims=True)
        e = jnp.exp(clogm - rowmax)
        den = jnp.sum(e, -1, keepdims=True)
        cout = lax.dot_general(e, cv, (((1,), (0,)), ((), ())))
        cout_r[p] = jnp.where(anyvis, cout / den, 0.0)

        esh = jnp.concatenate([e[:, 1:], jnp.zeros((RT3, 1), jnp.float32)],
                              axis=1)
        pair = e + esh
        scores = jnp.where(scond, pair, -1.0)
        m1 = jnp.max(scores, -1, keepdims=True)
        i1 = jnp.min(jnp.where(scores == m1, col, NC2 * 4), -1, keepdims=True)
        scores2 = jnp.where(col == i1, -1.0, scores)
        m2 = jnp.max(scores2, -1, keepdims=True)
        i2 = jnp.min(jnp.where(scores2 == m2, col, NC2 * 4), -1, keepdims=True)
        sel1 = i1 // 2
        sel2 = i2 // 2
        gidx_r[p] = (jnp.where(c2 == 0, sel1, sel2)
                     + (hoff * (H // 2) + h2 * 2 + p) * NB)

        kvtile = kv_r[:, p * 2 * DH:(p + 1) * 2 * DH]
        brow = brow_all[:, p * 2 * DH:(p + 1) * 2 * DH]
        kvprev = jnp.concatenate([brow, kvtile[:-1]], axis=0)
        k = kvtile[:, :DH]
        v = kvtile[:, DH:]
        kp = kvprev[:, :DH]
        vp = kvprev[:, DH:]
        d1 = jnp.sum(q * k, -1, keepdims=True) * SCALE
        d0 = jnp.sum(q * kp, -1, keepdims=True) * SCALE
        d0m = jnp.where(valid0, d0, -1e9)
        mw = jnp.maximum(d0m, d1)
        e0 = jnp.where(valid0, jnp.exp(d0m - mw), 0.0)
        e1 = jnp.exp(d1 - mw)
        wout_r[p] = (e0 * vp + e1 * v) / (e0 + e1)


def _s3(q, kv, kvb, ck3, cv3, hoff):
    HH = H // 2
    ho4 = hoff * (HH // 2)
    hblk = pl.BlockSpec((2, RT3, DH), lambda h2, r: (h2, r, 0))
    return _call(
        functools.partial(_s3_body, hoff),
        grid=(HH // 2, N // RT3),
        in_specs=[pl.BlockSpec((RT3, 2 * DH), lambda h2, r: (r, ho4 + h2)),
                  pl.BlockSpec((RT3, 4 * DH), lambda h2, r: (r, ho4 + h2)),
                  pl.BlockSpec((N // RT3, 4 * DH),
                               lambda h2, r: (0, ho4 + h2)),
                  pl.BlockSpec((2, NC2, DH), lambda h2, r: (ho4 + h2, 0, 0)),
                  pl.BlockSpec((2, NC2, DH), lambda h2, r: (ho4 + h2, 0, 0))],
        out_specs=[hblk, hblk,
                   pl.BlockSpec((2, RT3, NSEL), lambda h2, r: (h2, r, 0))],
        out_shape=[jax.ShapeDtypeStruct((HH, N, DH), jnp.float32),
                   jax.ShapeDtypeStruct((HH, N, DH), jnp.float32),
                   jax.ShapeDtypeStruct((HH, N, NSEL), jnp.int32)],
    )(q, kv, kvb, ck3, cv3)


_NROWS = H * N * NSEL
_RW = BS * 2 * DH
_NW = 32
_CH = 64
_RPW = _NROWS // _NW
_NCHUNK = _RPW // _CH


def _scg_body(rpw, gidx_hbm, tab_hbm, out_hbm,
              idx0_v, idx1_v, rows0_v, rows1_v, sem0, sem1):
    wid = lax.axis_index("s") * 2 + lax.axis_index("c")
    base = wid * rpw

    def body(c2, carry):
        off0 = base + (2 * c2) * _CH
        off1 = off0 + _CH
        pltpu.sync_copy(gidx_hbm.at[pl.ds(off0, _CH)], idx0_v)
        g0 = pltpu.async_copy(tab_hbm.at[idx0_v], rows0_v, sem0)
        pltpu.sync_copy(gidx_hbm.at[pl.ds(off1, _CH)], idx1_v)
        g1 = pltpu.async_copy(tab_hbm.at[idx1_v], rows1_v, sem1)
        g0.wait()
        pltpu.sync_copy(rows0_v, out_hbm.at[pl.ds(off0, _CH)])
        g1.wait()
        pltpu.sync_copy(rows1_v, out_hbm.at[pl.ds(off1, _CH)])
        return carry

    lax.fori_loop(0, rpw // _CH // 2, body, 0)


def _gather(gidxt, tab, nrows):
    mesh = plsc.VectorSubcoreMesh(core_axis_name="c", subcore_axis_name="s")
    f = pl.kernel(
        functools.partial(_scg_body, nrows // _NW),
        mesh=mesh,
        out_type=jax.ShapeDtypeStruct((nrows, _RW), jnp.float32),
        scratch_types=[pltpu.VMEM((_CH,), jnp.int32),
                       pltpu.VMEM((_CH,), jnp.int32),
                       pltpu.VMEM((_CH, _RW), jnp.float32),
                       pltpu.VMEM((_CH, _RW), jnp.float32),
                       pltpu.SemaphoreType.DMA,
                       pltpu.SemaphoreType.DMA],
    )
    return f(gidxt, tab)


def _s35_body(hoff, q_r, gidx_r, kv_r, sout_r):
    h2 = pl.program_id(0)
    rt = pl.program_id(1)
    ipc = rt * RT35 + lax.broadcasted_iota(jnp.int32, (RT35, 1), 0)
    zpad = jnp.zeros((RT35, DH), jnp.float32)
    for p in range(2):
        q = q_r[:, p * DH:(p + 1) * DH]
        qz = jnp.concatenate([q, zpad], axis=1)
        sel = (gidx_r[p]
               - (hoff * (H // 2) + h2 * 2 + p) * NB)
        logs = []
        toks = []
        for s in range(NSEL):
            sel_s = sel[:, s:s + 1]
            for t in range(BS):
                kv_t = kv_r[p, s, :, t * 2 * DH:(t + 1) * 2 * DH]
                lj = jnp.sum(qz * kv_t, -1, keepdims=True) * SCALE
                tm = (sel_s * BS + t) <= ipc
                logs.append(jnp.where(tm, lj, -1e9))
                toks.append(kv_t)
        m = functools.reduce(jnp.maximum, logs)
        es = [jnp.exp(l - m) for l in logs]
        den = functools.reduce(jnp.add, es)
        acc = es[0] * toks[0]
        for j in range(1, NSEL * BS):
            acc = acc + es[j] * toks[j]
        sout_r[p] = acc[:, DH:] / den


def _s35(q, gidx, kvsel, hoff):
    HH = H // 2
    ho4 = hoff * (HH // 2)
    return _call(
        functools.partial(_s35_body, hoff),
        grid=(HH // 2, N // RT35),
        in_specs=[pl.BlockSpec((RT35, 2 * DH), lambda h2, r: (r, ho4 + h2)),
                  pl.BlockSpec((2, RT35, NSEL), lambda h2, r: (h2, r, 0)),
                  pl.BlockSpec((2, NSEL, RT35, _RW),
                               lambda h2, r: (h2, 0, r, 0))],
        out_specs=[pl.BlockSpec((2, RT35, DH), lambda h2, r: (h2, r, 0))],
        out_shape=[jax.ShapeDtypeStruct((HH, N, DH), jnp.float32)],
    )(q, gidx, kvsel)[0]


def _s4a_body(cout_r, sout_r, wout_r, g_r, ex_r, wo_r, src_r, bo_r, h1_r):
    j = pl.program_id(1)
    gx = jax.nn.sigmoid(g_r[...]) @ ex_r[0]
    cat = lambda x_r: jnp.concatenate([x_r[0], x_r[1], x_r[2], x_r[3]], axis=1)
    o4 = (gx[:, 0:4 * DH] * cat(cout_r)
          + gx[:, 4 * DH:8 * DH] * cat(sout_r)
          + gx[:, 8 * DH:12 * DH] * cat(wout_r))
    part = o4 @ wo_r[...]

    @pl.when(j == 0)
    def _():
        h1_r[...] = src_r[...] + bo_r[...] + part

    @pl.when(j != 0)
    def _():
        h1_r[...] += part


def _s4a(cout, sout, wout, g, ex, wo, src, bo):
    hblk = pl.BlockSpec((4, RT, DH), lambda r, j: (j, r, 0))
    return _call(
        _s4a_body,
        grid=(NRT, 4),
        in_specs=[hblk, hblk, hblk,
                  pl.BlockSpec((RT, H * 3), lambda r, j: (r, 0)),
                  pl.BlockSpec((1, H * 3, 12 * DH), lambda r, j: (j, 0, 0)),
                  pl.BlockSpec((4 * DH, D), lambda r, j: (j, 0)),
                  pl.BlockSpec((RT, D), lambda r, j: (r, 0)),
                  pl.BlockSpec((1, D), lambda r, j: (0, 0))],
        out_specs=[pl.BlockSpec((RT, D), lambda r, j: (r, 0))],
        out_shape=[jax.ShapeDtypeStruct((N, D), jnp.float32)],
    )(cout, sout, wout, g, ex, wo, src, bo.reshape(1, D))[0]


def _s4b_body(h1_r, g2_r, b2ln_r, w1_r, b1_r, w2_r, b2_r, out_r, y_scr):
    j = pl.program_id(1)

    @pl.when(j == 0)
    def _():
        x = h1_r[...]
        m = jnp.mean(x, -1, keepdims=True)
        va = jnp.mean((x - m) ** 2, -1, keepdims=True)
        y_scr[...] = (x - m) / jnp.sqrt(va + 1e-5) * g2_r[...] + b2ln_r[...]
        out_r[...] = x + b2_r[...]

    hmid = jax.nn.gelu(y_scr[...] @ w1_r[...] + b1_r[...])
    out_r[...] += hmid @ w2_r[...]


def _s4b(h1, p):
    JD = DFF // 8
    return _call(
        _s4b_body,
        grid=(NRT, 8),
        in_specs=[pl.BlockSpec((RT, D), lambda r, j: (r, 0)),
                  pl.BlockSpec((1, D), lambda r, j: (0, 0)),
                  pl.BlockSpec((1, D), lambda r, j: (0, 0)),
                  pl.BlockSpec((D, JD), lambda r, j: (0, j)),
                  pl.BlockSpec((1, JD), lambda r, j: (0, j)),
                  pl.BlockSpec((JD, D), lambda r, j: (j, 0)),
                  pl.BlockSpec((1, D), lambda r, j: (0, 0))],
        out_specs=[pl.BlockSpec((RT, D), lambda r, j: (r, 0))],
        out_shape=[jax.ShapeDtypeStruct((N, D), jnp.float32)],
        scratch_shapes=[pltpu.VMEM((RT, D), jnp.float32)],
    )(h1, p['ln2_g'].reshape(1, D), p['ln2_b'].reshape(1, D),
      p['W1'], p['b1'].reshape(1, DFF), p['W2'], p['b2'].reshape(1, D))[0]


def kernel(src, params):
    p = params
    src2 = src[0]

    wkv = jnp.concatenate([p['Wk'].reshape(D, H, DH),
                           p['Wv'].reshape(D, H, DH)], axis=2).reshape(D, 2 * H * DH)
    wg_r = p['Wg'].reshape(D, H, 3).transpose(0, 2, 1).reshape(D, H * 3)
    bg_r = p['bg'].reshape(H, 3).T.reshape(H * 3)
    gidx48 = jnp.arange(H * 3)
    cidx = jnp.arange(12 * DH)
    ex = (gidx48[None, :, None]
          == ((cidx[None, None, :] // (4 * DH)) * H
              + 4 * jnp.arange(4)[:, None, None]
              + (cidx[None, None, :] % (4 * DH)) // DH)).astype(jnp.float32)

    q, kv, glog = _s1(src2, p['Wq'], wkv, wg_r, p['ln1_g'], p['ln1_b'], bg_r)

    kvb = kv[RT3 - 1::RT3]
    kv2 = kv.reshape(NC2, 2 * 2 * H * DH)

    ck3, cv3 = _s2(kv2, p)

    tab = kv.reshape(NB, BS, H, 2 * DH).transpose(2, 0, 1, 3).reshape(H * NB, _RW)

    HH = H // 2
    NR2 = _NROWS // 2
    couts, wouts, souts = [], [], []
    gidxs = []
    for hoff in range(2):
        c_, w_, g_ = _s3(q, kv, kvb, ck3, cv3, hoff)
        couts.append(c_)
        wouts.append(w_)
        gidxs.append(g_)
    kvsels = [
        _gather(g_.transpose(0, 2, 1).reshape(NR2), tab, NR2)
        .reshape(HH, NSEL, N, _RW)
        for g_ in gidxs
    ]
    for hoff in range(2):
        souts.append(_s35(q, gidxs[hoff], kvsels[hoff], hoff))

    cout = jnp.concatenate(couts, axis=0)
    wout = jnp.concatenate(wouts, axis=0)
    sout = jnp.concatenate(souts, axis=0)

    h1 = _s4a(cout, sout, wout, glog, ex, p['Wo'], src2, p['bo'])
    out = _s4b(h1, p)
    return out.reshape(1, N, D)

# --- scband reference (transcript-rebuilt; emitter-appended) ---
"""Pipeline reference for scband-nsatransformer-encoder-layer-82858509074963 (READ-ONLY COPY).

The authoritative reference and input builder live on the scoring server;
editing this copy changes nothing except your own understanding.
"""

import jax, jax.numpy as jnp
import numpy as np

D = 1024; H = 16; DH = 64; DFF = 4096; B_ = 1; N_ = 2048
BC = 4   # compress_block_size
SC = 2   # compress_block_sliding_stride
BS = 4   # selection_block_size
NSEL = 2 # num_selected_blocks
WIN = 2  # sliding_window_size


def _ln(x, g, b):
    m = x.mean(-1, keepdims=True)
    v = ((x - m) ** 2).mean(-1, keepdims=True)
    return (x - m) / jnp.sqrt(v + 1e-5) * g + b


def _nsa_layer(src, p):
    B, N, _ = src.shape
    scale = DH ** -0.5
    ipos = jnp.arange(N)
    x = _ln(src, p['ln1_g'], p['ln1_b'])
    q = (x @ p['Wq']).reshape(B, N, H, DH).transpose(0, 2, 1, 3)
    k = (x @ p['Wk']).reshape(B, N, H, DH).transpose(0, 2, 1, 3)
    v = (x @ p['Wv']).reshape(B, N, H, DH).transpose(0, 2, 1, 3)

    # ---- branch 1: compressed (coarse) attention ----
    Nc = (N - BC) // SC + 1
    starts = jnp.arange(Nc) * SC
    blk = starts[:, None] + jnp.arange(BC)                      # [Nc, BC]
    ck = k[:, :, blk, :].reshape(B, H, Nc, BC * DH) @ p['Wkc'] + p['bkc']
    cv = v[:, :, blk, :].reshape(B, H, Nc, BC * DH) @ p['Wvc'] + p['bvc']
    clog = jnp.einsum('bhid,bhjd->bhij', q, ck) * scale
    cmask = (starts + BC - 1)[None, :] <= ipos[:, None]          # block fully in past
    clog = jnp.where(cmask[None, None], clog, -1e9)
    cattn = jax.nn.softmax(clog, axis=-1)
    cout = jnp.einsum('bhij,bhjd->bhid', cattn, cv)
    cout = jnp.where(cmask.any(-1)[None, None, :, None], cout, 0.0)

    # ---- branch 2: fine attention over selected blocks ----
    probs = jnp.where(cmask[None, None], cattn, 0.0)
    Nsb = N // BS
    per = BS // SC
    pad = Nsb * per - Nc
    probs = jnp.pad(probs, ((0, 0), (0, 0), (0, 0), (0, pad)))
    imp = probs.reshape(B, H, N, Nsb, per).sum(-1)
    smask = (jnp.arange(Nsb) * BS)[None, :] <= ipos[:, None]
    imp = jnp.where(smask[None, None], imp, -1e9)
    selidx = jax.lax.top_k(imp, NSEL)[1]                          # [B,H,N,NSEL]
    tok = (selidx[..., None] * BS + jnp.arange(BS)).reshape(B, H, N * NSEL * BS)
    ksel = jnp.take_along_axis(k, tok[..., None], axis=2).reshape(B, H, N, NSEL * BS, DH)
    vsel = jnp.take_along_axis(v, tok[..., None], axis=2).reshape(B, H, N, NSEL * BS, DH)
    slog = jnp.einsum('bhnd,bhnkd->bhnk', q, ksel) * scale
    tmask = tok.reshape(B, H, N, NSEL * BS) <= ipos[None, None, :, None]
    slog = jnp.where(tmask, slog, -1e9)
    sout = jnp.einsum('bhnk,bhnkd->bhnd', jax.nn.softmax(slog, -1), vsel)

    # ---- branch 3: sliding window attention ----
    widx = ipos[:, None] - jnp.arange(WIN)[::-1][None, :]         # [N, WIN]
    wmask = widx >= 0
    widxc = jnp.clip(widx, 0, N - 1)
    kw = k[:, :, widxc, :]
    vw = v[:, :, widxc, :]
    wlog = jnp.einsum('bhnd,bhnkd->bhnk', q, kw) * scale
    wlog = jnp.where(wmask[None, None], wlog, -1e9)
    wout = jnp.einsum('bhnk,bhnkd->bhnd', jax.nn.softmax(wlog, -1), vw)

    # ---- gated combine + output projection ----
    g = jax.nn.sigmoid(x @ p['Wg'] + p['bg']).reshape(B, N, H, 3).transpose(0, 2, 1, 3)
    o = g[..., 0:1] * cout + g[..., 1:2] * sout + g[..., 2:3] * wout
    o = o.transpose(0, 2, 1, 3).reshape(B, N, H * DH) @ p['Wo'] + p['bo']

    h1 = src + o
    y = _ln(h1, p['ln2_g'], p['ln2_b'])
    ff = jax.nn.gelu(y @ p['W1'] + p['b1']) @ p['W2'] + p['b2']
    return h1 + ff


def setup_inputs(seed: int = 0):
    key = jax.random.key(seed)
    ks = jax.random.split(key, 12)
    def w(i, shape, s=0.02):
        return jax.random.normal(ks[i], shape, dtype=jnp.float32) * s
    params = {
        'Wq': w(0, (D, H * DH)), 'Wk': w(1, (D, H * DH)), 'Wv': w(2, (D, H * DH)),
        'Wkc': w(3, (BC * DH, DH)), 'bkc': jnp.zeros((DH,), jnp.float32),
        'Wvc': w(4, (BC * DH, DH)), 'bvc': jnp.zeros((DH,), jnp.float32),
        'Wg': w(5, (D, H * 3)), 'bg': jnp.zeros((H * 3,), jnp.float32),
        'Wo': w(6, (H * DH, D)), 'bo': jnp.zeros((D,), jnp.float32),
        'ln1_g': jnp.ones((D,), jnp.float32), 'ln1_b': jnp.zeros((D,), jnp.float32),
        'ln2_g': jnp.ones((D,), jnp.float32), 'ln2_b': jnp.zeros((D,), jnp.float32),
        'W1': w(7, (D, DFF)), 'b1': jnp.zeros((DFF,), jnp.float32),
        'W2': w(8, (DFF, D)), 'b2': jnp.zeros((D,), jnp.float32),
    }
    src = jax.random.normal(ks[9], (B_, N_, D), dtype=jnp.float32)
    return {'src': src, 'params': params}


def reference(src, params):
    return _nsa_layer(src, params)

if __name__ == "__main__":
    import jax
    _d = setup_inputs()
    print(jax.jit(kernel)(*tuple(_d.values())))

</pallas_src>

<mosaic_0001>
#map = affine_map<(d0, d1) -> (0)>
#map1 = affine_map<(d0, d1) -> (0, 0)>
module attributes {stable_mosaic.version = 14 : i64} {
  func.func @_scg_body(%arg0: i32, %arg1: i32, %arg2: memref<32768xi32, #tpu.memory_space<hbm>>, %arg3: memref<8192x512xf32, #tpu.memory_space<hbm>>, %arg4: memref<32768x512xf32, #tpu.memory_space<hbm>>, %arg5: memref<64xi32, #tpu.memory_space<vmem>>, %arg6: memref<64xi32, #tpu.memory_space<vmem>>, %arg7: memref<64x512xf32, #tpu.memory_space<vmem>>, %arg8: memref<64x512xf32, #tpu.memory_space<vmem>>, %arg9: memref<!tpu.dma_semaphore, #tpu.memory_space<semaphore_mem>>, %arg10: memref<!tpu.dma_semaphore, #tpu.memory_space<semaphore_mem>>) attributes {dimension_semantics = [#tpu.dimension_semantics<core_parallel>, #tpu.dimension_semantics<subcore_parallel>], iteration_bounds = array<i64: 2, 16>, scalar_prefetch = 0 : i64, scratch_operands = 6 : i64, tpu.core_type = #tpu.core_type<sc_vector_subcore>, window_params = [{transform_indices = #map}, {transform_indices = #map1}, {transform_indices = #map1}]} {
    %mul3A = arith.constant 2 : i32
    %mul3A_0 = arith.muli %arg1, %mul3A : i32
    %add3A = arith.addi %mul3A_0, %arg0 : i32
    %mul3A_1 = arith.constant 1024 : i32
    %mul3A_2 = arith.muli %add3A, %mul3A_1 : i32
    %scan3A = arith.constant 0 : i32
    %scan3A_3 = arith.constant 0 : i32
    %scan3A_4 = arith.constant 8 : i32
    %scan3A_5 = arith.addi %scan3A_3, %scan3A_4 : i32
    %scan3A_6 = arith.constant 1 : i32
    scf.for %scan3A_8 = %scan3A_3 to %scan3A_5 step %scan3A_6  : i32 {
      %mul3A_9 = arith.constant 2 : i32
      %mul3A_10 = arith.muli %mul3A_9, %scan3A_8 : i32
      %mul3A_11 = arith.constant 64 : i32
      %mul3A_12 = arith.muli %mul3A_10, %mul3A_11 : i32
      %add3A_13 = arith.addi %mul3A_2, %mul3A_12 : i32
      %add3A_14 = arith.constant 64 : i32
      %add3A_15 = arith.addi %add3A_13, %add3A_14 : i32
      "tpu.region"() ({
        %run_scoped3A = tpu.sem_alloc : memref<!tpu.dma_semaphore, #tpu.memory_space<semaphore_mem>>
        %dma_start3A_26 = tpu.memref_slice %arg2[%add3A_13] : memref<32768xi32, #tpu.memory_space<hbm>> -> memref<64xi32, #tpu.memory_space<hbm>>
        %dma_start3A_27 = tpu.memref_slice %arg2[%add3A_13] : memref<32768xi32, #tpu.memory_space<hbm>> -> memref<64xi32, #tpu.memory_space<hbm>>
        tpu.enqueue_dma source(%dma_start3A_27 : memref<64xi32, #tpu.memory_space<hbm>>) target(%arg5 : memref<64xi32, #tpu.memory_space<vmem>>) target_semaphore(%run_scoped3A : memref<!tpu.dma_semaphore, #tpu.memory_space<semaphore_mem>>)
        %dma_wait3A_28 = tpu.memref_slice %arg2[%add3A_13] : memref<32768xi32, #tpu.memory_space<hbm>> -> memref<64xi32, #tpu.memory_space<hbm>>
        %dma_wait3A_29 = tpu.memref_slice %arg2[%add3A_13] : memref<32768xi32, #tpu.memory_space<hbm>> -> memref<64xi32, #tpu.memory_space<hbm>>
        tpu.wait_dma2 semaphore(%run_scoped3A : memref<!tpu.dma_semaphore, #tpu.memory_space<semaphore_mem>>) src(%dma_wait3A_29 : memref<64xi32, #tpu.memory_space<hbm>>) dst(%arg5 : memref<64xi32, #tpu.memory_space<vmem>>)
        tpu.yield
      }) : () -> ()
      %dma_start3A = arith.constant 0 : i32
      %dma_start3A_16 = arith.constant 0 : i32
      %dma_start3A_17 = tpu.memref_slice %arg3[%dma_start3A, %dma_start3A_16] : memref<8192x512xf32, #tpu.memory_space<hbm>> -> memref<8192x512xf32, #tpu.memory_space<hbm>>
      tpu.enqueue_indirect_dma source(%dma_start3A_17 : memref<8192x512xf32, #tpu.memory_space<hbm>>) target(%arg7 : memref<64x512xf32, #tpu.memory_space<vmem>>) offsets(%arg5 : memref<64xi32, #tpu.memory_space<vmem>>) semaphore(%arg9 : memref<!tpu.dma_semaphore, #tpu.memory_space<semaphore_mem>>)
      "tpu.region"() ({
        %run_scoped3A = tpu.sem_alloc : memref<!tpu.dma_semaphore, #tpu.memory_space<semaphore_mem>>
        %dma_start3A_26 = tpu.memref_slice %arg2[%add3A_15] : memref<32768xi32, #tpu.memory_space<hbm>> -> memref<64xi32, #tpu.memory_space<hbm>>
        %dma_start3A_27 = tpu.memref_slice %arg2[%add3A_15] : memref<32768xi32, #tpu.memory_space<hbm>> -> memref<64xi32, #tpu.memory_space<hbm>>
        tpu.enqueue_dma source(%dma_start3A_27 : memref<64xi32, #tpu.memory_space<hbm>>) target(%arg6 : memref<64xi32, #tpu.memory_space<vmem>>) target_semaphore(%run_scoped3A : memref<!tpu.dma_semaphore, #tpu.memory_space<semaphore_mem>>)
        %dma_wait3A_28 = tpu.memref_slice %arg2[%add3A_15] : memref<32768xi32, #tpu.memory_space<hbm>> -> memref<64xi32, #tpu.memory_space<hbm>>
        %dma_wait3A_29 = tpu.memref_slice %arg2[%add3A_15] : memref<32768xi32, #tpu.memory_space<hbm>> -> memref<64xi32, #tpu.memory_space<hbm>>
        tpu.wait_dma2 semaphore(%run_scoped3A : memref<!tpu.dma_semaphore, #tpu.memory_space<semaphore_mem>>) src(%dma_wait3A_29 : memref<64xi32, #tpu.memory_space<hbm>>) dst(%arg6 : memref<64xi32, #tpu.memory_space<vmem>>)
        tpu.yield
      }) : () -> ()
      %dma_start3A_18 = arith.constant 0 : i32
      %dma_start3A_19 = arith.constant 0 : i32
      %dma_start3A_20 = tpu.memref_slice %arg3[%dma_start3A_18, %dma_start3A_19] : memref<8192x512xf32, #tpu.memory_space<hbm>> -> memref<8192x512xf32, #tpu.memory_space<hbm>>
      tpu.enqueue_indirect_dma source(%dma_start3A_20 : memref<8192x512xf32, #tpu.memory_space<hbm>>) target(%arg8 : memref<64x512xf32, #tpu.memory_space<vmem>>) offsets(%arg6 : memref<64xi32, #tpu.memory_space<vmem>>) semaphore(%arg10 : memref<!tpu.dma_semaphore, #tpu.memory_space<semaphore_mem>>)
      %dma_wait3A = arith.constant 0 : i32
      %dma_wait3A_21 = arith.constant 0 : i32
      %dma_wait3A_22 = tpu.memref_slice %arg3[%dma_wait3A, %dma_wait3A_21] : memref<8192x512xf32, #tpu.memory_space<hbm>> -> memref<8192x512xf32, #tpu.memory_space<hbm>>
      tpu.wait_indirect_dma semaphore(%arg9 : memref<!tpu.dma_semaphore, #tpu.memory_space<semaphore_mem>>) src(%dma_wait3A_22 : memref<8192x512xf32, #tpu.memory_space<hbm>>) dst(%arg7 : memref<64x512xf32, #tpu.memory_space<vmem>>)
      "tpu.region"() ({
        %run_scoped3A = tpu.sem_alloc : memref<!tpu.dma_semaphore, #tpu.memory_space<semaphore_mem>>
        %dma_start3A_26 = arith.constant 0 : i32
        %dma_start3A_27 = tpu.memref_slice %arg4[%add3A_13, %dma_start3A_26] : memref<32768x512xf32, #tpu.memory_space<hbm>> -> memref<64x512xf32, #tpu.memory_space<hbm>>
        %dma_start3A_28 = arith.constant 0 : i32
        %dma_start3A_29 = tpu.memref_slice %arg4[%add3A_13, %dma_start3A_28] : memref<32768x512xf32, #tpu.memory_space<hbm>> -> memref<64x512xf32, #tpu.memory_space<hbm>>
        tpu.enqueue_dma source(%arg7 : memref<64x512xf32, #tpu.memory_space<vmem>>) target(%dma_start3A_29 : memref<64x512xf32, #tpu.memory_space<hbm>>) target_semaphore(%run_scoped3A : memref<!tpu.dma_semaphore, #tpu.memory_space<semaphore_mem>>)
        %dma_wait3A_30 = arith.constant 0 : i32
        %dma_wait3A_31 = tpu.memref_slice %arg4[%add3A_13, %dma_wait3A_30] : memref<32768x512xf32, #tpu.memory_space<hbm>> -> memref<64x512xf32, #tpu.memory_space<hbm>>
        %dma_wait3A_32 = arith.constant 0 : i32
        %dma_wait3A_33 = tpu.memref_slice %arg4[%add3A_13, %dma_wait3A_32] : memref<32768x512xf32, #tpu.memory_space<hbm>> -> memref<64x512xf32, #tpu.memory_space<hbm>>
        tpu.wait_dma2 semaphore(%run_scoped3A : memref<!tpu.dma_semaphore, #tpu.memory_space<semaphore_mem>>) src(%arg7 : memref<64x512xf32, #tpu.memory_space<vmem>>) dst(%dma_wait3A_33 : memref<64x512xf32, #tpu.memory_space<hbm>>)
        tpu.yield
      }) : () -> ()
      %dma_wait3A_23 = arith.constant 0 : i32
      %dma_wait3A_24 = arith.constant 0 : i32
      %dma_wait3A_25 = tpu.memref_slice %arg3[%dma_wait3A_23, %dma_wait3A_24] : memref<8192x512xf32, #tpu.memory_space<hbm>> -> memref<8192x512xf32, #tpu.memory_space<hbm>>
      tpu.wait_indirect_dma semaphore(%arg10 : memref<!tpu.dma_semaphore, #tpu.memory_space<semaphore_mem>>) src(%dma_wait3A_25 : memref<8192x512xf32, #tpu.memory_space<hbm>>) dst(%arg8 : memref<64x512xf32, #tpu.memory_space<vmem>>)
      "tpu.region"() ({
        %run_scoped3A = tpu.sem_alloc : memref<!tpu.dma_semaphore, #tpu.memory_space<semaphore_mem>>
        %dma_start3A_26 = arith.constant 0 : i32
        %dma_start3A_27 = tpu.memref_slice %arg4[%add3A_15, %dma_start3A_26] : memref<32768x512xf32, #tpu.memory_space<hbm>> -> memref<64x512xf32, #tpu.memory_space<hbm>>
        %dma_start3A_28 = arith.constant 0 : i32
        %dma_start3A_29 = tpu.memref_slice %arg4[%add3A_15, %dma_start3A_28] : memref<32768x512xf32, #tpu.memory_space<hbm>> -> memref<64x512xf32, #tpu.memory_space<hbm>>
        tpu.enqueue_dma source(%arg8 : memref<64x512xf32, #tpu.memory_space<vmem>>) target(%dma_start3A_29 : memref<64x512xf32, #tpu.memory_space<hbm>>) target_semaphore(%run_scoped3A : memref<!tpu.dma_semaphore, #tpu.memory_space<semaphore_mem>>)
        %dma_wait3A_30 = arith.constant 0 : i32
        %dma_wait3A_31 = tpu.memref_slice %arg4[%add3A_15, %dma_wait3A_30] : memref<32768x512xf32, #tpu.memory_space<hbm>> -> memref<64x512xf32, #tpu.memory_space<hbm>>
        %dma_wait3A_32 = arith.constant 0 : i32
        %dma_wait3A_33 = tpu.memref_slice %arg4[%add3A_15, %dma_wait3A_32] : memref<32768x512xf32, #tpu.memory_space<hbm>> -> memref<64x512xf32, #tpu.memory_space<hbm>>
        tpu.wait_dma2 semaphore(%run_scoped3A : memref<!tpu.dma_semaphore, #tpu.memory_space<semaphore_mem>>) src(%arg8 : memref<64x512xf32, #tpu.memory_space<vmem>>) dst(%dma_wait3A_33 : memref<64x512xf32, #tpu.memory_space<hbm>>)
        tpu.yield
      }) : () -> ()
    }
    %scan3A_7 = arith.constant 8 : i32
    return
  }
}

#map = affine_map<(d0, d1) -> (0)>
#map1 = affine_map<(d0, d1) -> (0, 0)>
module attributes {stable_mosaic.version = 14 : i64} {
  func.func @_scg_body(%arg0: i32, %arg1: i32, %arg2: memref<32768xi32, #tpu.memory_space<hbm>>, %arg3: memref<8192x512xf32, #tpu.memory_space<hbm>>, %arg4: memref<32768x512xf32, #tpu.memory_space<hbm>>, %arg5: memref<64xi32, #tpu.memory_space<vmem>>, %arg6: memref<64xi32, #tpu.memory_space<vmem>>, %arg7: memref<64x512xf32, #tpu.memory_space<vmem>>, %arg8: memref<64x512xf32, #tpu.memory_space<vmem>>, %arg9: memref<!tpu.dma_semaphore, #tpu.memory_space<semaphore_mem>>, %arg10: memref<!tpu.dma_semaphore, #tpu.memory_space<semaphore_mem>>) attributes {dimension_semantics = [#tpu.dimension_semantics<core_parallel>, #tpu.dimension_semantics<subcore_parallel>], iteration_bounds = array<i64: 2, 16>, scalar_prefetch = 0 : i64, scratch_operands = 6 : i64, tpu.core_type = #tpu.core_type<sc_vector_subcore>, window_params = [{transform_indices = #map}, {transform_indices = #map1}, {transform_indices = #map1}]} {
    %mul3A = arith.constant 2 : i32
    %mul3A_0 = arith.muli %arg1, %mul3A : i32
    %add3A = arith.addi %mul3A_0, %arg0 : i32
    %mul3A_1 = arith.constant 1024 : i32
    %mul3A_2 = arith.muli %add3A, %mul3A_1 : i32
    %scan3A = arith.constant 0 : i32
    %scan3A_3 = arith.constant 0 : i32
    %scan3A_4 = arith.constant 8 : i32
    %scan3A_5 = arith.addi %scan3A_3, %scan3A_4 : i32
    %scan3A_6 = arith.constant 1 : i32
    scf.for %scan3A_8 = %scan3A_3 to %scan3A_5 step %scan3A_6  : i32 {
      %mul3A_9 = arith.constant 2 : i32
      %mul3A_10 = arith.muli %mul3A_9, %scan3A_8 : i32
      %mul3A_11 = arith.constant 64 : i32
      %mul3A_12 = arith.muli %mul3A_10, %mul3A_11 : i32
      %add3A_13 = arith.addi %mul3A_2, %mul3A_12 : i32
      %add3A_14 = arith.constant 64 : i32
      %add3A_15 = arith.addi %add3A_13, %add3A_14 : i32
      "tpu.region"() ({
        %run_scoped3A = tpu.sem_alloc : memref<!tpu.dma_semaphore, #tpu.memory_space<semaphore_mem>>
        %dma_start3A_26 = tpu.memref_slice %arg2[%add3A_13] : memref<32768xi32, #tpu.memory_space<hbm>> -> memref<64xi32, #tpu.memory_space<hbm>>
        %dma_start3A_27 = tpu.memref_slice %arg2[%add3A_13] : memref<32768xi32, #tpu.memory_space<hbm>> -> memref<64xi32, #tpu.memory_space<hbm>>
        tpu.enqueue_dma source(%dma_start3A_27 : memref<64xi32, #tpu.memory_space<hbm>>) target(%arg5 : memref<64xi32, #tpu.memory_space<vmem>>) target_semaphore(%run_scoped3A : memref<!tpu.dma_semaphore, #tpu.memory_space<semaphore_mem>>)
        %dma_wait3A_28 = tpu.memref_slice %arg2[%add3A_13] : memref<32768xi32, #tpu.memory_space<hbm>> -> memref<64xi32, #tpu.memory_space<hbm>>
        %dma_wait3A_29 = tpu.memref_slice %arg2[%add3A_13] : memref<32768xi32, #tpu.memory_space<hbm>> -> memref<64xi32, #tpu.memory_space<hbm>>
        tpu.wait_dma2 semaphore(%run_scoped3A : memref<!tpu.dma_semaphore, #tpu.memory_space<semaphore_mem>>) src(%dma_wait3A_29 : memref<64xi32, #tpu.memory_space<hbm>>) dst(%arg5 : memref<64xi32, #tpu.memory_space<vmem>>)
        tpu.yield
      }) : () -> ()
      %dma_start3A = arith.constant 0 : i32
      %dma_start3A_16 = arith.constant 0 : i32
      %dma_start3A_17 = tpu.memref_slice %arg3[%dma_start3A, %dma_start3A_16] : memref<8192x512xf32, #tpu.memory_space<hbm>> -> memref<8192x512xf32, #tpu.memory_space<hbm>>
      tpu.enqueue_indirect_dma source(%dma_start3A_17 : memref<8192x512xf32, #tpu.memory_space<hbm>>) target(%arg7 : memref<64x512xf32, #tpu.memory_space<vmem>>) offsets(%arg5 : memref<64xi32, #tpu.memory_space<vmem>>) semaphore(%arg9 : memref<!tpu.dma_semaphore, #tpu.memory_space<semaphore_mem>>)
      "tpu.region"() ({
        %run_scoped3A = tpu.sem_alloc : memref<!tpu.dma_semaphore, #tpu.memory_space<semaphore_mem>>
        %dma_start3A_26 = tpu.memref_slice %arg2[%add3A_15] : memref<32768xi32, #tpu.memory_space<hbm>> -> memref<64xi32, #tpu.memory_space<hbm>>
        %dma_start3A_27 = tpu.memref_slice %arg2[%add3A_15] : memref<32768xi32, #tpu.memory_space<hbm>> -> memref<64xi32, #tpu.memory_space<hbm>>
        tpu.enqueue_dma source(%dma_start3A_27 : memref<64xi32, #tpu.memory_space<hbm>>) target(%arg6 : memref<64xi32, #tpu.memory_space<vmem>>) target_semaphore(%run_scoped3A : memref<!tpu.dma_semaphore, #tpu.memory_space<semaphore_mem>>)
        %dma_wait3A_28 = tpu.memref_slice %arg2[%add3A_15] : memref<32768xi32, #tpu.memory_space<hbm>> -> memref<64xi32, #tpu.memory_space<hbm>>
        %dma_wait3A_29 = tpu.memref_slice %arg2[%add3A_15] : memref<32768xi32, #tpu.memory_space<hbm>> -> memref<64xi32, #tpu.memory_space<hbm>>
        tpu.wait_dma2 semaphore(%run_scoped3A : memref<!tpu.dma_semaphore, #tpu.memory_space<semaphore_mem>>) src(%dma_wait3A_29 : memref<64xi32, #tpu.memory_space<hbm>>) dst(%arg6 : memref<64xi32, #tpu.memory_space<vmem>>)
        tpu.yield
      }) : () -> ()
      %dma_start3A_18 = arith.constant 0 : i32
      %dma_start3A_19 = arith.constant 0 : i32
      %dma_start3A_20 = tpu.memref_slice %arg3[%dma_start3A_18, %dma_start3A_19] : memref<8192x512xf32, #tpu.memory_space<hbm>> -> memref<8192x512xf32, #tpu.memory_space<hbm>>
      tpu.enqueue_indirect_dma source(%dma_start3A_20 : memref<8192x512xf32, #tpu.memory_space<hbm>>) target(%arg8 : memref<64x512xf32, #tpu.memory_space<vmem>>) offsets(%arg6 : memref<64xi32, #tpu.memory_space<vmem>>) semaphore(%arg10 : memref<!tpu.dma_semaphore, #tpu.memory_space<semaphore_mem>>)
      %dma_wait3A = arith.constant 0 : i32
      %dma_wait3A_21 = arith.constant 0 : i32
      %dma_wait3A_22 = tpu.memref_slice %arg3[%dma_wait3A, %dma_wait3A_21] : memref<8192x512xf32, #tpu.memory_space<hbm>> -> memref<8192x512xf32, #tpu.memory_space<hbm>>
      tpu.wait_indirect_dma semaphore(%arg9 : memref<!tpu.dma_semaphore, #tpu.memory_space<semaphore_mem>>) src(%dma_wait3A_22 : memref<8192x512xf32, #tpu.memory_space<hbm>>) dst(%arg7 : memref<64x512xf32, #tpu.memory_space<vmem>>)
      "tpu.region"() ({
        %run_scoped3A = tpu.sem_alloc : memref<!tpu.dma_semaphore, #tpu.memory_space<semaphore_mem>>
        %dma_start3A_26 = arith.constant 0 : i32
        %dma_start3A_27 = tpu.memref_slice %arg4[%add3A_13, %dma_start3A_26] : memref<32768x512xf32, #tpu.memory_space<hbm>> -> memref<64x512xf32, #tpu.memory_space<hbm>>
        %dma_start3A_28 = arith.constant 0 : i32
        %dma_start3A_29 = tpu.memref_slice %arg4[%add3A_13, %dma_start3A_28] : memref<32768x512xf32, #tpu.memory_space<hbm>> -> memref<64x512xf32, #tpu.memory_space<hbm>>
        tpu.enqueue_dma source(%arg7 : memref<64x512xf32, #tpu.memory_space<vmem>>) target(%dma_start3A_29 : memref<64x512xf32, #tpu.memory_space<hbm>>) target_semaphore(%run_scoped3A : memref<!tpu.dma_semaphore, #tpu.memory_space<semaphore_mem>>)
        %dma_wait3A_30 = arith.constant 0 : i32
        %dma_wait3A_31 = tpu.memref_slice %arg4[%add3A_13, %dma_wait3A_30] : memref<32768x512xf32, #tpu.memory_space<hbm>> -> memref<64x512xf32, #tpu.memory_space<hbm>>
        %dma_wait3A_32 = arith.constant 0 : i32
        %dma_wait3A_33 = tpu.memref_slice %arg4[%add3A_13, %dma_wait3A_32] : memref<32768x512xf32, #tpu.memory_space<hbm>> -> memref<64x512xf32, #tpu.memory_space<hbm>>
        tpu.wait_dma2 semaphore(%run_scoped3A : memref<!tpu.dma_semaphore, #tpu.memory_space<semaphore_mem>>) src(%arg7 : memref<64x512xf32, #tpu.memory_space<vmem>>) dst(%dma_wait3A_33 : memref<64x512xf32, #tpu.memory_space<hbm>>)
        tpu.yield
      }) : () -> ()
      %dma_wait3A_23 = arith.constant 0 : i32
      %dma_wait3A_24 = arith.constant 0 : i32
      %dma_wait3A_25 = tpu.memref_slice %arg3[%dma_wait3A_23, %dma_wait3A_24] : memref<8192x512xf32, #tpu.memory_space<hbm>> -> memref<8192x512xf32, #tpu.memory_space<hbm>>
      tpu.wait_indirect_dma semaphore(%arg10 : memref<!tpu.dma_semaphore, #tpu.memory_space<semaphore_mem>>) src(%dma_wait3A_25 : memref<8192x512xf32, #tpu.memory_space<hbm>>) dst(%arg8 : memref<64x512xf32, #tpu.memory_space<vmem>>)
      "tpu.region"() ({
        %run_scoped3A = tpu.sem_alloc : memref<!tpu.dma_semaphore, #tpu.memory_space<semaphore_mem>>
        %dma_start3A_26 = arith.constant 0 : i32
        %dma_start3A_27 = tpu.memref_slice %arg4[%add3A_15, %dma_start3A_26] : memref<32768x512xf32, #tpu.memory_space<hbm>> -> memref<64x512xf32, #tpu.memory_space<hbm>>
        %dma_start3A_28 = arith.constant 0 : i32
        %dma_start3A_29 = tpu.memref_slice %arg4[%add3A_15, %dma_start3A_28] : memref<32768x512xf32, #tpu.memory_space<hbm>> -> memref<64x512xf32, #tpu.memory_space<hbm>>
        tpu.enqueue_dma source(%arg8 : memref<64x512xf32, #tpu.memory_space<vmem>>) target(%dma_start3A_29 : memref<64x512xf32, #tpu.memory_space<hbm>>) target_semaphore(%run_scoped3A : memref<!tpu.dma_semaphore, #tpu.memory_space<semaphore_mem>>)
        %dma_wait3A_30 = arith.constant 0 : i32
        %dma_wait3A_31 = tpu.memref_slice %arg4[%add3A_15, %dma_wait3A_30] : memref<32768x512xf32, #tpu.memory_space<hbm>> -> memref<64x512xf32, #tpu.memory_space<hbm>>
        %dma_wait3A_32 = arith.constant 0 : i32
        %dma_wait3A_33 = tpu.memref_slice %arg4[%add3A_15, %dma_wait3A_32] : memref<32768x512xf32, #tpu.memory_space<hbm>> -> memref<64x512xf32, #tpu.memory_space<hbm>>
        tpu.wait_dma2 semaphore(%run_scoped3A : memref<!tpu.dma_semaphore, #tpu.memory_space<semaphore_mem>>) src(%arg8 : memref<64x512xf32, #tpu.memory_space<vmem>>) dst(%dma_wait3A_33 : memref<64x512xf32, #tpu.memory_space<hbm>>)
        tpu.yield
      }) : () -> ()
    }
    %scan3A_7 = arith.constant 8 : i32
    return
  }
}

module attributes {stable_mosaic.version = 14 : i64} {
  func.func @_s1_body(%arg0: i32, %arg1: memref<256x1024xf32, #tpu.memory_space<vmem>>, %arg2: memref<1024x1024xf32, #tpu.memory_space<vmem>>, %arg3: memref<1024x2048xf32, #tpu.memory_space<vmem>>, %arg4: memref<1024x48xf32, #tpu.memory_space<vmem>>, %arg5: memref<1x1024xf32, #tpu.memory_space<vmem>>, %arg6: memref<1x1024xf32, #tpu.memory_space<vmem>>, %arg7: memref<1x48xf32, #tpu.memory_space<vmem>>, %arg8: memref<256x1024xf32, #tpu.memory_space<vmem>>, %arg9: memref<256x2048xf32, #tpu.memory_space<vmem>>, %arg10: memref<256x48xf32, #tpu.memory_space<vmem>>) attributes {dimension_semantics = [#tpu.dimension_semantics<arbitrary>], iteration_bounds = array<i64: 8>, scalar_prefetch = 0 : i64, scratch_operands = 0 : i64, tpu.core_type = #tpu.core_type<tc>, window_params = [{transform_indices = @transform_0, window_bounds = array<i64: 256, 1024>}, {pipeline_mode = #tpu.pipeline_mode<synchronous>, transform_indices = @transform_1, window_bounds = array<i64: 1024, 1024>}, {pipeline_mode = #tpu.pipeline_mode<synchronous>, transform_indices = @transform_2, window_bounds = array<i64: 1024, 2048>}, {pipeline_mode = #tpu.pipeline_mode<synchronous>, transform_indices = @transform_3, window_bounds = array<i64: 1024, 48>}, {pipeline_mode = #tpu.pipeline_mode<synchronous>, transform_indices = @transform_4, window_bounds = array<i64: 1, 1024>}, {pipeline_mode = #tpu.pipeline_mode<synchronous>, transform_indices = @transform_5, window_bounds = array<i64: 1, 1024>}, {pipeline_mode = #tpu.pipeline_mode<synchronous>, transform_indices = @transform_6, window_bounds = array<i64: 1, 48>}, {transform_indices = @transform_7, window_bounds = array<i64: 256, 1024>}, {transform_indices = @transform_8, window_bounds = array<i64: 256, 2048>}, {transform_indices = @transform_9, window_bounds = array<i64: 256, 48>}]} {
    %get3A = arith.constant 0 : index
    %get3A_0 = arith.constant 0 : index
    %get3A_1 = vector.load %arg1[%get3A, %get3A_0] : memref<256x1024xf32, #tpu.memory_space<vmem>>, vector<256x1024xf32>
    %reduce_sum3A = arith.constant dense<0.000000e+00> : vector<256xf32>
    %reduce_sum3A_2 = vector.multi_reduction <add>, %get3A_1, %reduce_sum3A [1] : vector<256x1024xf32> to vector<256xf32>
    %broadcast_in_dim3A = vector.shape_cast %reduce_sum3A_2 : vector<256xf32> to vector<256x1xf32>
    %div3A = arith.constant 1.024000e+03 : f32
    %div3A_3 = vector.broadcast %div3A : f32 to vector<256x1xf32>
    %div3A_4 = arith.divf %broadcast_in_dim3A, %div3A_3 : vector<256x1xf32>
    %sub3A = vector.broadcast %div3A_4 : vector<256x1xf32> to vector<256x1024xf32>
    %sub3A_5 = arith.subf %get3A_1, %sub3A : vector<256x1024xf32>
    %integer_pow3A = arith.mulf %sub3A_5, %sub3A_5 : vector<256x1024xf32>
    %reduce_sum3A_6 = arith.constant dense<0.000000e+00> : vector<256xf32>
    %reduce_sum3A_7 = vector.multi_reduction <add>, %integer_pow3A, %reduce_sum3A_6 [1] : vector<256x1024xf32> to vector<256xf32>
    %broadcast_in_dim3A_8 = vector.shape_cast %reduce_sum3A_7 : vector<256xf32> to vector<256x1xf32>
    %div3A_9 = arith.constant 1.024000e+03 : f32
    %div3A_10 = vector.broadcast %div3A_9 : f32 to vector<256x1xf32>
    %div3A_11 = arith.divf %broadcast_in_dim3A_8, %div3A_10 : vector<256x1xf32>
    %sub3A_12 = vector.broadcast %div3A_4 : vector<256x1xf32> to vector<256x1024xf32>
    %sub3A_13 = arith.subf %get3A_1, %sub3A_12 : vector<256x1024xf32>
    %add3A = arith.constant 9.99999974E-6 : f32
    %add3A_14 = vector.broadcast %add3A : f32 to vector<256x1xf32>
    %add3A_15 = arith.addf %div3A_11, %add3A_14 : vector<256x1xf32>
    %sqrt3A = math.sqrt %add3A_15 : vector<256x1xf32>
    %div3A_16 = vector.broadcast %sqrt3A : vector<256x1xf32> to vector<256x1024xf32>
    %div3A_17 = arith.divf %sub3A_13, %div3A_16 : vector<256x1024xf32>
    %get3A_18 = arith.constant 0 : index
    %get3A_19 = arith.constant 0 : index
    %get3A_20 = vector.load %arg5[%get3A_18, %get3A_19] : memref<1x1024xf32, #tpu.memory_space<vmem>>, vector<1x1024xf32>
    %mul3A = vector.broadcast %get3A_20 : vector<1x1024xf32> to vector<256x1024xf32>
    %mul3A_21 = arith.mulf %div3A_17, %mul3A : vector<256x1024xf32>
    %get3A_22 = arith.constant 0 : index
    %get3A_23 = arith.constant 0 : index
    %get3A_24 = vector.load %arg6[%get3A_22, %get3A_23] : memref<1x1024xf32, #tpu.memory_space<vmem>>, vector<1x1024xf32>
    %add3A_25 = vector.broadcast %get3A_24 : vector<1x1024xf32> to vector<256x1024xf32>
    %add3A_26 = arith.addf %mul3A_21, %add3A_25 : vector<256x1024xf32>
    %get3A_27 = arith.constant 0 : index
    %get3A_28 = arith.constant 0 : index
    %get3A_29 = vector.load %arg2[%get3A_27, %get3A_28] : memref<1024x1024xf32, #tpu.memory_space<vmem>>, vector<1024x1024xf32>
    %dot_general3A = arith.constant dense<0.000000e+00> : vector<256x1024xf32>
    %dot_general3A_30 = tpu.matmul %add3A_26, %get3A_29, %dot_general3A {dimension_numbers = #tpu.dot_dimension_numbers<[1], [0], [0], [1], [0, 0, 1, 1], [], []>, transpose_lhs_hint = false} : vector<256x1024xf32>, vector<1024x1024xf32>, vector<256x1024xf32> -> vector<256x1024xf32>
    %swap3A = arith.constant 0 : index
    %swap3A_31 = arith.constant 0 : index
    %swap3A_32 = vector.load %arg8[%swap3A, %swap3A_31] : memref<256x1024xf32, #tpu.memory_space<vmem>>, vector<256x1024xf32>
    tpu.vector_store %arg8[%swap3A, %swap3A_31], %dot_general3A_30 {strides = array<i32>} : memref<256x1024xf32, #tpu.memory_space<vmem>>, vector<256x1024xf32>,
    %get3A_33 = arith.constant 0 : index
    %get3A_34 = arith.constant 0 : index
    %get3A_35 = vector.load %arg3[%get3A_33, %get3A_34] : memref<1024x2048xf32, #tpu.memory_space<vmem>>, vector<1024x2048xf32>
    %dot_general3A_36 = arith.constant dense<0.000000e+00> : vector<256x2048xf32>
    %dot_general3A_37 = tpu.matmul %add3A_26, %get3A_35, %dot_general3A_36 {dimension_numbers = #tpu.dot_dimension_numbers<[1], [0], [0], [1], [0, 0, 1, 1], [], []>, transpose_lhs_hint = false} : vector<256x1024xf32>, vector<1024x2048xf32>, vector<256x2048xf32> -> vector<256x2048xf32>
    %swap3A_38 = arith.constant 0 : index
    %swap3A_39 = arith.constant 0 : index
    %swap3A_40 = vector.load %arg9[%swap3A_38, %swap3A_39] : memref<256x2048xf32, #tpu.memory_space<vmem>>, vector<256x2048xf32>
    tpu.vector_store %arg9[%swap3A_38, %swap3A_39], %dot_general3A_37 {strides = array<i32>} : memref<256x2048xf32, #tpu.memory_space<vmem>>, vector<256x2048xf32>,
    %get3A_41 = arith.constant 0 : index
    %get3A_42 = arith.constant 0 : index
    %get3A_43 = vector.load %arg4[%get3A_41, %get3A_42] : memref<1024x48xf32, #tpu.memory_space<vmem>>, vector<1024x48xf32>
    %dot_general3A_44 = arith.constant dense<0.000000e+00> : vector<256x48xf32>
    %dot_general3A_45 = tpu.matmul %add3A_26, %get3A_43, %dot_general3A_44 {dimension_numbers = #tpu.dot_dimension_numbers<[1], [0], [0], [1], [0, 0, 1, 1], [], []>, transpose_lhs_hint = false} : vector<256x1024xf32>, vector<1024x48xf32>, vector<256x48xf32> -> vector<256x48xf32>
    %get3A_46 = arith.constant 0 : index
    %get3A_47 = arith.constant 0 : index
    %get3A_48 = vector.load %arg7[%get3A_46, %get3A_47] : memref<1x48xf32, #tpu.memory_space<vmem>>, vector<1x48xf32>
    %add3A_49 = vector.broadcast %get3A_48 : vector<1x48xf32> to vector<256x48xf32>
    %add3A_50 = arith.addf %dot_general3A_45, %add3A_49 : vector<256x48xf32>
    %swap3A_51 = arith.constant 0 : index
    %swap3A_52 = arith.constant 0 : index
    %swap3A_53 = vector.load %arg10[%swap3A_51, %swap3A_52] : memref<256x48xf32, #tpu.memory_space<vmem>>, vector<256x48xf32>
    tpu.vector_store %arg10[%swap3A_51, %swap3A_52], %add3A_50 {strides = array<i32>} : memref<256x48xf32, #tpu.memory_space<vmem>>, vector<256x48xf32>,
    return
  }
  func.func @transform_0(%arg0: i32) -> (i32, i32) {
    %c0_i32 = arith.constant 0 : i32
    %c0_i32_0 = arith.constant 0 : i32
    return %arg0, %c0_i32 : i32, i32
  }
  func.func @transform_1(%arg0: i32) -> (i32, i32) {
    %c0_i32 = arith.constant 0 : i32
    %c0_i32_0 = arith.constant 0 : i32
    %c0_i32_1 = arith.constant 0 : i32
    return %c0_i32, %c0_i32_0 : i32, i32
  }
  func.func @transform_2(%arg0: i32) -> (i32, i32) {
    %c0_i32 = arith.constant 0 : i32
    %c0_i32_0 = arith.constant 0 : i32
    %c0_i32_1 = arith.constant 0 : i32
    return %c0_i32, %c0_i32_0 : i32, i32
  }
  func.func @transform_3(%arg0: i32) -> (i32, i32) {
    %c0_i32 = arith.constant 0 : i32
    %c0_i32_0 = arith.constant 0 : i32
    %c0_i32_1 = arith.constant 0 : i32
    return %c0_i32, %c0_i32_0 : i32, i32
  }
  func.func @transform_4(%arg0: i32) -> (i32, i32) {
    %c0_i32 = arith.constant 0 : i32
    %c0_i32_0 = arith.constant 0 : i32
    %c0_i32_1 = arith.constant 0 : i32
    return %c0_i32, %c0_i32_0 : i32, i32
  }
  func.func @transform_5(%arg0: i32) -> (i32, i32) {
    %c0_i32 = arith.constant 0 : i32
    %c0_i32_0 = arith.constant 0 : i32
    %c0_i32_1 = arith.constant 0 : i32
    return %c0_i32, %c0_i32_0 : i32, i32
  }
  func.func @transform_6(%arg0: i32) -> (i32, i32) {
    %c0_i32 = arith.constant 0 : i32
    %c0_i32_0 = arith.constant 0 : i32
    %c0_i32_1 = arith.constant 0 : i32
    return %c0_i32, %c0_i32_0 : i32, i32
  }
  func.func @transform_7(%arg0: i32) -> (i32, i32) {
    %c0_i32 = arith.constant 0 : i32
    %c0_i32_0 = arith.constant 0 : i32
    return %arg0, %c0_i32 : i32, i32
  }
  func.func @transform_8(%arg0: i32) -> (i32, i32) {
    %c0_i32 = arith.constant 0 : i32
    %c0_i32_0 = arith.constant 0 : i32
    return %arg0, %c0_i32 : i32, i32
  }
  func.func @transform_9(%arg0: i32) -> (i32, i32) {
    %c0_i32 = arith.constant 0 : i32
    %c0_i32_0 = arith.constant 0 : i32
    return %arg0, %c0_i32 : i32, i32
  }
}

module attributes {stable_mosaic.version = 14 : i64} {
  func.func @_s2_body(%arg0: i32, %arg1: memref<1024x128xf32, #tpu.memory_space<vmem>>, %arg2: memref<1024x128xf32, #tpu.memory_space<vmem>>, %arg3: memref<256x64xf32, #tpu.memory_space<vmem>>, %arg4: memref<1x64xf32, #tpu.memory_space<vmem>>, %arg5: memref<256x64xf32, #tpu.memory_space<vmem>>, %arg6: memref<1x64xf32, #tpu.memory_space<vmem>>, %arg7: memref<1x1024x64xf32, #tpu.memory_space<vmem>>, %arg8: memref<1x1024x64xf32, #tpu.memory_space<vmem>>) attributes {dimension_semantics = [#tpu.dimension_semantics<arbitrary>], iteration_bounds = array<i64: 16>, scalar_prefetch = 0 : i64, scratch_operands = 0 : i64, tpu.core_type = #tpu.core_type<tc>, window_params = [{transform_indices = @transform_0, window_bounds = array<i64: 1024, 128>}, {transform_indices = @transform_1, window_bounds = array<i64: 1024, 128>}, {pipeline_mode = #tpu.pipeline_mode<synchronous>, transform_indices = @transform_2, window_bounds = array<i64: 256, 64>}, {pipeline_mode = #tpu.pipeline_mode<synchronous>, transform_indices = @transform_3, window_bounds = array<i64: 1, 64>}, {pipeline_mode = #tpu.pipeline_mode<synchronous>, transform_indices = @transform_4, window_bounds = array<i64: 256, 64>}, {pipeline_mode = #tpu.pipeline_mode<synchronous>, transform_indices = @transform_5, window_bounds = array<i64: 1, 64>}, {transform_indices = @transform_6, window_bounds = array<i64: 1, 1024, 64>}, {transform_indices = @transform_7, window_bounds = array<i64: 1, 1024, 64>}]} {
    %get3A = arith.constant 0 : index
    %get3A_0 = arith.constant 0 : index
    %get3A_1 = vector.load %arg1[%get3A, %get3A_0] : memref<1024x128xf32, #tpu.memory_space<vmem>>, vector<1024x128xf32>
    %get3A_2 = arith.constant 0 : index
    %get3A_3 = arith.constant 0 : index
    %get3A_4 = vector.load %arg2[%get3A_2, %get3A_3] : memref<1024x128xf32, #tpu.memory_space<vmem>>, vector<1024x128xf32>
    %slice3A = vector.extract_strided_slice %get3A_1 {offsets = [0, 0], sizes = [1024, 64], strides = [1, 1]} : vector<1024x128xf32> to vector<1024x64xf32>
    %slice3A_5 = vector.extract_strided_slice %get3A_1 {offsets = [0, 64], sizes = [1024, 64], strides = [1, 1]} : vector<1024x128xf32> to vector<1024x64xf32>
    %slice3A_6 = vector.extract_strided_slice %get3A_4 {offsets = [0, 0], sizes = [1024, 64], strides = [1, 1]} : vector<1024x128xf32> to vector<1024x64xf32>
    %slice3A_7 = vector.extract_strided_slice %get3A_4 {offsets = [0, 64], sizes = [1024, 64], strides = [1, 1]} : vector<1024x128xf32> to vector<1024x64xf32>
    %broadcast_in_dim3A = arith.constant 0.000000e+00 : f32
    %broadcast_in_dim3A_8 = vector.broadcast %broadcast_in_dim3A : f32 to vector<1x64xf32>
    %slice3A_9 = vector.extract_strided_slice %slice3A {offsets = [1, 0], sizes = [1023, 64], strides = [1, 1]} : vector<1024x64xf32> to vector<1023x64xf32>
    %concatenate3A = tpu.concatenate %slice3A_9, %broadcast_in_dim3A_8 in 0 : vector<1023x64xf32>, vector<1x64xf32> -> vector<1024x64xf32>
    %slice3A_10 = vector.extract_strided_slice %slice3A_6 {offsets = [1, 0], sizes = [1023, 64], strides = [1, 1]} : vector<1024x64xf32> to vector<1023x64xf32>
    %concatenate3A_11 = tpu.concatenate %slice3A_10, %broadcast_in_dim3A_8 in 0 : vector<1023x64xf32>, vector<1x64xf32> -> vector<1024x64xf32>
    %slice3A_12 = vector.extract_strided_slice %slice3A_5 {offsets = [1, 0], sizes = [1023, 64], strides = [1, 1]} : vector<1024x64xf32> to vector<1023x64xf32>
    %concatenate3A_13 = tpu.concatenate %slice3A_12, %broadcast_in_dim3A_8 in 0 : vector<1023x64xf32>, vector<1x64xf32> -> vector<1024x64xf32>
    %slice3A_14 = vector.extract_strided_slice %slice3A_7 {offsets = [1, 0], sizes = [1023, 64], strides = [1, 1]} : vector<1024x64xf32> to vector<1023x64xf32>
    %concatenate3A_15 = tpu.concatenate %slice3A_14, %broadcast_in_dim3A_8 in 0 : vector<1023x64xf32>, vector<1x64xf32> -> vector<1024x64xf32>
    %concatenate3A_16 = tpu.concatenate %slice3A, %slice3A_6, %concatenate3A, %concatenate3A_11 in 1 : vector<1024x64xf32>, vector<1024x64xf32>, vector<1024x64xf32>, vector<1024x64xf32> -> vector<1024x256xf32>
    %concatenate3A_17 = tpu.concatenate %slice3A_5, %slice3A_7, %concatenate3A_13, %concatenate3A_15 in 1 : vector<1024x64xf32>, vector<1024x64xf32>, vector<1024x64xf32>, vector<1024x64xf32> -> vector<1024x256xf32>
    %get3A_18 = arith.constant 0 : index
    %get3A_19 = arith.constant 0 : index
    %get3A_20 = vector.load %arg3[%get3A_18, %get3A_19] : memref<256x64xf32, #tpu.memory_space<vmem>>, vector<256x64xf32>
    %dot_general3A = arith.constant dense<0.000000e+00> : vector<1024x64xf32>
    %dot_general3A_21 = tpu.matmul %concatenate3A_16, %get3A_20, %dot_general3A {dimension_numbers = #tpu.dot_dimension_numbers<[1], [0], [0], [1], [0, 0, 1, 1], [], []>, transpose_lhs_hint = false} : vector<1024x256xf32>, vector<256x64xf32>, vector<1024x64xf32> -> vector<1024x64xf32>
    %get3A_22 = arith.constant 0 : index
    %get3A_23 = arith.constant 0 : index
    %get3A_24 = vector.load %arg4[%get3A_22, %get3A_23] : memref<1x64xf32, #tpu.memory_space<vmem>>, vector<1x64xf32>
    %add3A = vector.broadcast %get3A_24 : vector<1x64xf32> to vector<1024x64xf32>
    %add3A_25 = arith.addf %dot_general3A_21, %add3A : vector<1024x64xf32>
    %swap3A = arith.constant 0 : index
    %swap3A_26 = arith.constant 0 : index
    %swap3A_27 = arith.constant 0 : index
    %swap3A_28 = vector.load %arg7[%swap3A, %swap3A_26, %swap3A_27] : memref<1x1024x64xf32, #tpu.memory_space<vmem>>, vector<1x1024x64xf32>
    %swap3A_29 = vector.shape_cast %swap3A_28 : vector<1x1024x64xf32> to vector<1024x64xf32>
    %swap3A_30 = vector.shape_cast %add3A_25 : vector<1024x64xf32> to vector<1x1024x64xf32>
    tpu.vector_store %arg7[%swap3A, %swap3A_26, %swap3A_27], %swap3A_30 {strides = array<i32>} : memref<1x1024x64xf32, #tpu.memory_space<vmem>>, vector<1x1024x64xf32>,
    %get3A_31 = arith.constant 0 : index
    %get3A_32 = arith.constant 0 : index
    %get3A_33 = vector.load %arg5[%get3A_31, %get3A_32] : memref<256x64xf32, #tpu.memory_space<vmem>>, vector<256x64xf32>
    %dot_general3A_34 = arith.constant dense<0.000000e+00> : vector<1024x64xf32>
    %dot_general3A_35 = tpu.matmul %concatenate3A_17, %get3A_33, %dot_general3A_34 {dimension_numbers = #tpu.dot_dimension_numbers<[1], [0], [0], [1], [0, 0, 1, 1], [], []>, transpose_lhs_hint = false} : vector<1024x256xf32>, vector<256x64xf32>, vector<1024x64xf32> -> vector<1024x64xf32>
    %get3A_36 = arith.constant 0 : index
    %get3A_37 = arith.constant 0 : index
    %get3A_38 = vector.load %arg6[%get3A_36, %get3A_37] : memref<1x64xf32, #tpu.memory_space<vmem>>, vector<1x64xf32>
    %add3A_39 = vector.broadcast %get3A_38 : vector<1x64xf32> to vector<1024x64xf32>
    %add3A_40 = arith.addf %dot_general3A_35, %add3A_39 : vector<1024x64xf32>
    %swap3A_41 = arith.constant 0 : index
    %swap3A_42 = arith.constant 0 : index
    %swap3A_43 = arith.constant 0 : index
    %swap3A_44 = vector.load %arg8[%swap3A_41, %swap3A_42, %swap3A_43] : memref<1x1024x64xf32, #tpu.memory_space<vmem>>, vector<1x1024x64xf32>
    %swap3A_45 = vector.shape_cast %swap3A_44 : vector<1x1024x64xf32> to vector<1024x64xf32>
    %swap3A_46 = vector.shape_cast %add3A_40 : vector<1024x64xf32> to vector<1x1024x64xf32>
    tpu.vector_store %arg8[%swap3A_41, %swap3A_42, %swap3A_43], %swap3A_46 {strides = array<i32>} : memref<1x1024x64xf32, #tpu.memory_space<vmem>>, vector<1x1024x64xf32>,
    return
  }
  func.func @transform_0(%arg0: i32) -> (i32, i32) {
    %c0_i32 = arith.constant 0 : i32
    %c0_i32_0 = arith.constant 0 : i32
    return %c0_i32, %arg0 : i32, i32
  }
  func.func @transform_1(%arg0: i32) -> (i32, i32) {
    %add3A = arith.constant 16 : i32
    %add3A_0 = arith.addi %add3A, %arg0 : i32
    %c0_i32 = arith.constant 0 : i32
    %c0_i32_1 = arith.constant 0 : i32
    return %c0_i32, %add3A_0 : i32, i32
  }
  func.func @transform_2(%arg0: i32) -> (i32, i32) {
    %c0_i32 = arith.constant 0 : i32
    %c0_i32_0 = arith.constant 0 : i32
    %c0_i32_1 = arith.constant 0 : i32
    return %c0_i32, %c0_i32_0 : i32, i32
  }
  func.func @transform_3(%arg0: i32) -> (i32, i32) {
    %c0_i32 = arith.constant 0 : i32
    %c0_i32_0 = arith.constant 0 : i32
    %c0_i32_1 = arith.constant 0 : i32
    return %c0_i32, %c0_i32_0 : i32, i32
  }
  func.func @transform_4(%arg0: i32) -> (i32, i32) {
    %c0_i32 = arith.constant 0 : i32
    %c0_i32_0 = arith.constant 0 : i32
    %c0_i32_1 = arith.constant 0 : i32
    return %c0_i32, %c0_i32_0 : i32, i32
  }
  func.func @transform_5(%arg0: i32) -> (i32, i32) {
    %c0_i32 = arith.constant 0 : i32
    %c0_i32_0 = arith.constant 0 : i32
    %c0_i32_1 = arith.constant 0 : i32
    return %c0_i32, %c0_i32_0 : i32, i32
  }
  func.func @transform_6(%arg0: i32) -> (i32, i32, i32) {
    %c0_i32 = arith.constant 0 : i32
    %c0_i32_0 = arith.constant 0 : i32
    %c0_i32_1 = arith.constant 0 : i32
    return %arg0, %c0_i32, %c0_i32_0 : i32, i32, i32
  }
  func.func @transform_7(%arg0: i32) -> (i32, i32, i32) {
    %c0_i32 = arith.constant 0 : i32
    %c0_i32_0 = arith.constant 0 : i32
    %c0_i32_1 = arith.constant 0 : i32
    return %arg0, %c0_i32, %c0_i32_0 : i32, i32, i32
  }
}

module attributes {stable_mosaic.version = 14 : i64} {
  func.func @_s3_body(%arg0: i32, %arg1: i32, %arg2: memref<512x128xf32, #tpu.memory_space<vmem>>, %arg3: memref<512x256xf32, #tpu.memory_space<vmem>>, %arg4: memref<4x256xf32, #tpu.memory_space<vmem>>, %arg5: memref<2x1024x64xf32, #tpu.memory_space<vmem>>, %arg6: memref<2x1024x64xf32, #tpu.memory_space<vmem>>, %arg7: memref<2x512x64xf32, #tpu.memory_space<vmem>>, %arg8: memref<2x512x64xf32, #tpu.memory_space<vmem>>, %arg9: memref<2x512x2xi32, #tpu.memory_space<vmem>>) attributes {dimension_semantics = [#tpu.dimension_semantics<arbitrary>, #tpu.dimension_semantics<arbitrary>], iteration_bounds = array<i64: 4, 4>, scalar_prefetch = 0 : i64, scratch_operands = 0 : i64, tpu.core_type = #tpu.core_type<tc>, window_params = [{transform_indices = @transform_0, window_bounds = array<i64: 512, 128>}, {transform_indices = @transform_1, window_bounds = array<i64: 512, 256>}, {transform_indices = @transform_2, window_bounds = array<i64: 4, 256>}, {transform_indices = @transform_3, window_bounds = array<i64: 2, 1024, 64>}, {transform_indices = @transform_4, window_bounds = array<i64: 2, 1024, 64>}, {transform_indices = @transform_5, window_bounds = array<i64: 2, 512, 64>}, {transform_indices = @transform_6, window_bounds = array<i64: 2, 512, 64>}, {transform_indices = @transform_7, window_bounds = array<i64: 2, 512, 2>}]} {
    %sub3A = arith.constant 1 : i32
    %sub3A_0 = arith.subi %arg1, %sub3A : i32
    %max3A = arith.constant 0 : i32
    %max3A_1 = arith.maxsi %sub3A_0, %max3A : i32
    %iota3A = tpu.iota {dimensions = array<i32: 0>} : vector<4x256xi32>
    %eq3A = vector.broadcast %max3A_1 : i32 to vector<4x256xi32>
    %eq3A_2 = arith.cmpi eq, %iota3A, %eq3A : vector<4x256xi32>
    %get3A = arith.constant 0 : index
    %get3A_3 = arith.constant 0 : index
    %get3A_4 = vector.load %arg4[%get3A, %get3A_3] : memref<4x256xf32, #tpu.memory_space<vmem>>, vector<4x256xf32>
    %jit3A = arith.constant 0.000000e+00 : f32
    %broadcast_in_dim3A = vector.broadcast %jit3A : f32 to vector<4x256xf32>
    %select_n3A = arith.select %eq3A_2, %get3A_4, %broadcast_in_dim3A : vector<4x256xi1>, vector<4x256xf32>
    %reduce_sum3A = arith.constant dense<0.000000e+00> : vector<256xf32>
    %reduce_sum3A_5 = vector.multi_reduction <add>, %select_n3A, %reduce_sum3A [0] : vector<4x256xf32> to vector<256xf32>
    %broadcast_in_dim3A_6 = vector.shape_cast %reduce_sum3A_5 : vector<256xf32> to vector<1x256xf32>
    %mul3A = arith.constant 512 : i32
    %mul3A_7 = arith.muli %arg1, %mul3A : i32
    %iota3A_8 = tpu.iota {dimensions = array<i32: 0>} : vector<512x1024xi32>
    %add3A = vector.broadcast %mul3A_7 : i32 to vector<512x1024xi32>
    %add3A_9 = arith.addi %add3A, %iota3A_8 : vector<512x1024xi32>
    %iota3A_10 = tpu.iota {dimensions = array<i32: 1>} : vector<512x1024xi32>
    %mul3A_11 = arith.constant 2 : i32
    %mul3A_12 = vector.broadcast %mul3A_11 : i32 to vector<512x1024xi32>
    %mul3A_13 = arith.muli %mul3A_12, %iota3A_10 : vector<512x1024xi32>
    %add3A_14 = arith.constant 4 : i32
    %add3A_15 = vector.broadcast %add3A_14 : i32 to vector<512x1024xi32>
    %add3A_16 = arith.addi %mul3A_13, %add3A_15 : vector<512x1024xi32>
    %sub3A_17 = arith.constant 1 : i32
    %sub3A_18 = vector.broadcast %sub3A_17 : i32 to vector<512x1024xi32>
    %sub3A_19 = arith.subi %add3A_16, %sub3A_18 : vector<512x1024xi32>
    %le3A = arith.cmpi sle, %sub3A_19, %add3A_9 : vector<512x1024xi32>
    %jit3A_20 = arith.constant 2 : i32
    %eq3A_21 = arith.constant 0 : i32
    %eq3A_22 = arith.cmpi eq, %jit3A_20, %eq3A_21 : i32
    %jit3A_23 = arith.constant 1 : i32
    %select_n3A_24 = arith.select %eq3A_22, %jit3A_23, %jit3A_20 : i32
    %rem3A = vector.broadcast %select_n3A_24 : i32 to vector<512x1024xi32>
    %rem3A_25 = arith.remsi %iota3A_10, %rem3A : vector<512x1024xi32>
    %ne3A = arith.constant 0 : i32
    %ne3A_26 = vector.broadcast %ne3A : i32 to vector<512x1024xi32>
    %ne3A_27 = arith.cmpi ne, %rem3A_25, %ne3A_26 : vector<512x1024xi32>
    %lt3A = arith.constant 0 : i32
    %lt3A_28 = vector.broadcast %lt3A : i32 to vector<512x1024xi32>
    %lt3A_29 = arith.cmpi slt, %rem3A_25, %lt3A_28 : vector<512x1024xi32>
    %lt3A_30 = arith.constant 0 : i32
    %lt3A_31 = arith.cmpi slt, %select_n3A_24, %lt3A_30 : i32
    %ne3A_32 = vector.broadcast %lt3A_31 : i1 to vector<512x1024xi1>
    %ne3A_33 = vector.broadcast %ne3A_32 : vector<512x1024xi1> to vector<512x1024xi1>
    %ne3A_34 = arith.xori %lt3A_29, %ne3A_33 : vector<512x1024xi1>
    %and3A = arith.andi %ne3A_34, %ne3A_27 : vector<512x1024xi1>
    %add3A_35 = vector.broadcast %select_n3A_24 : i32 to vector<512x1024xi32>
    %add3A_36 = arith.addi %rem3A_25, %add3A_35 : vector<512x1024xi32>
    %select_n3A_37 = arith.select %and3A, %add3A_36, %rem3A_25 : vector<512x1024xi1>, vector<512x1024xi32>
    %eq3A_38 = arith.constant 0 : i32
    %eq3A_39 = vector.broadcast %eq3A_38 : i32 to vector<512x1024xi32>
    %eq3A_40 = arith.cmpi eq, %select_n3A_37, %eq3A_39 : vector<512x1024xi32>
    %mul3A_41 = arith.constant 2 : i32
    %mul3A_42 = vector.broadcast %mul3A_41 : i32 to vector<512x1024xi32>
    %mul3A_43 = arith.muli %mul3A_42, %iota3A_10 : vector<512x1024xi32>
    %le3A_44 = arith.cmpi sle, %mul3A_43, %add3A_9 : vector<512x1024xi32>
    %and3A_45 = arith.andi %eq3A_40, %le3A_44 : vector<512x1024xi1>
    %iota3A_46 = tpu.iota {dimensions = array<i32: 1>} : vector<512x2xi32>
    %mul3A_47 = arith.constant 512 : i32
    %mul3A_48 = arith.muli %arg1, %mul3A_47 : i32
    %iota3A_49 = tpu.iota {dimensions = array<i32: 0>} : vector<512x1xi32>
    %add3A_50 = vector.broadcast %mul3A_48 : i32 to vector<512x1xi32>
    %add3A_51 = arith.addi %add3A_50, %iota3A_49 : vector<512x1xi32>
    %ge3A = arith.constant 1 : i32
    %ge3A_52 = vector.broadcast %ge3A : i32 to vector<512x1xi32>
    %ge3A_53 = arith.cmpi sge, %add3A_51, %ge3A_52 : vector<512x1xi32>
    %ge3A_54 = arith.constant 3 : i32
    %ge3A_55 = vector.broadcast %ge3A_54 : i32 to vector<512x1xi32>
    %ge3A_56 = arith.cmpi sge, %add3A_51, %ge3A_55 : vector<512x1xi32>
    %get3A_57 = arith.constant 0 : index
    %get3A_58 = arith.constant 0 : index
    %get3A_59 = vector.load %arg2[%get3A_57, %get3A_58] : memref<512x128xf32, #tpu.memory_space<vmem>>, vector<512x64xf32>
    %get3A_60 = arith.constant 0 : index
    %get3A_61 = arith.constant 0 : index
    %get3A_62 = arith.constant 0 : index
    %get3A_63 = vector.load %arg5[%get3A_60, %get3A_61, %get3A_62] : memref<2x1024x64xf32, #tpu.memory_space<vmem>>, vector<1x1024x64xf32>
    %get3A_64 = vector.shape_cast %get3A_63 : vector<1x1024x64xf32> to vector<1024x64xf32>
    %get3A_65 = arith.constant 0 : index
    %get3A_66 = arith.constant 0 : index
    %get3A_67 = arith.constant 0 : index
    %get3A_68 = vector.load %arg6[%get3A_65, %get3A_66, %get3A_67] : memref<2x1024x64xf32, #tpu.memory_space<vmem>>, vector<1x1024x64xf32>
    %get3A_69 = vector.shape_cast %get3A_68 : vector<1x1024x64xf32> to vector<1024x64xf32>
    %dot_general3A = arith.constant dense<0.000000e+00> : vector<512x1024xf32>
    %dot_general3A_70 = tpu.matmul %get3A_59, %get3A_64, %dot_general3A {dimension_numbers = #tpu.dot_dimension_numbers<[1], [1], [0], [0], [0, 0, 1, 0], [], []>, transpose_lhs_hint = false} : vector<512x64xf32>, vector<1024x64xf32>, vector<512x1024xf32> -> vector<512x1024xf32>
    %mul3A_71 = arith.constant 1.250000e-01 : f32
    %mul3A_72 = vector.broadcast %mul3A_71 : f32 to vector<512x1024xf32>
    %mul3A_73 = arith.mulf %dot_general3A_70, %mul3A_72 : vector<512x1024xf32>
    %jit3A_74 = arith.constant -1.000000e+09 : f32
    %broadcast_in_dim3A_75 = vector.broadcast %jit3A_74 : f32 to vector<512x1024xf32>
    %select_n3A_76 = arith.select %le3A, %mul3A_73, %broadcast_in_dim3A_75 : vector<512x1024xi1>, vector<512x1024xf32>
    %reduce_max3A = arith.constant dense<0xFF800000> : vector<512xf32>
    %reduce_max3A_77 = vector.multi_reduction <maximumf>, %select_n3A_76, %reduce_max3A [1] : vector<512x1024xf32> to vector<512xf32>
    %broadcast_in_dim3A_78 = vector.shape_cast %reduce_max3A_77 : vector<512xf32> to vector<512x1xf32>
    %sub3A_79 = vector.broadcast %broadcast_in_dim3A_78 : vector<512x1xf32> to vector<512x1024xf32>
    %sub3A_80 = arith.subf %select_n3A_76, %sub3A_79 : vector<512x1024xf32>
    %exp3A = math.exp %sub3A_80 : vector<512x1024xf32>
    %reduce_sum3A_81 = arith.constant dense<0.000000e+00> : vector<512xf32>
    %reduce_sum3A_82 = vector.multi_reduction <add>, %exp3A, %reduce_sum3A_81 [1] : vector<512x1024xf32> to vector<512xf32>
    %broadcast_in_dim3A_83 = vector.shape_cast %reduce_sum3A_82 : vector<512xf32> to vector<512x1xf32>
    %dot_general3A_84 = arith.constant dense<0.000000e+00> : vector<512x64xf32>
    %dot_general3A_85 = tpu.matmul %exp3A, %get3A_69, %dot_general3A_84 {dimension_numbers = #tpu.dot_dimension_numbers<[1], [0], [0], [1], [0, 0, 1, 1], [], []>, transpose_lhs_hint = false} : vector<512x1024xf32>, vector<1024x64xf32>, vector<512x64xf32> -> vector<512x64xf32>
    %div3A = vector.broadcast %broadcast_in_dim3A_83 : vector<512x1xf32> to vector<512x64xf32>
    %div3A_86 = arith.divf %dot_general3A_85, %div3A : vector<512x64xf32>
    %jit3A_87 = arith.constant 0.000000e+00 : f32
    %broadcast_in_dim3A_88 = vector.shape_cast %ge3A_56 : vector<512x1xi1> to vector<512x1xi1>
    %broadcast_in_dim3A_89 = vector.broadcast %broadcast_in_dim3A_88 : vector<512x1xi1> to vector<512x64xi1>
    %broadcast_in_dim3A_90 = vector.broadcast %jit3A_87 : f32 to vector<512x64xf32>
    %select_n3A_91 = arith.select %broadcast_in_dim3A_89, %div3A_86, %broadcast_in_dim3A_90 : vector<512x64xi1>, vector<512x64xf32>
    %swap3A = arith.constant 0 : index
    %swap3A_92 = arith.constant 0 : index
    %swap3A_93 = arith.constant 0 : index
    %swap3A_94 = vector.load %arg7[%swap3A, %swap3A_92, %swap3A_93] : memref<2x512x64xf32, #tpu.memory_space<vmem>>, vector<1x512x64xf32>
    %swap3A_95 = vector.shape_cast %swap3A_94 : vector<1x512x64xf32> to vector<512x64xf32>
    %swap3A_96 = vector.shape_cast %select_n3A_91 : vector<512x64xf32> to vector<1x512x64xf32>
    tpu.vector_store %arg7[%swap3A, %swap3A_92, %swap3A_93], %swap3A_96 {strides = array<i32>} : memref<2x512x64xf32, #tpu.memory_space<vmem>>, vector<1x512x64xf32>,
    %slice3A = vector.extract_strided_slice %exp3A {offsets = [0, 1], sizes = [512, 1023], strides = [1, 1]} : vector<512x1024xf32> to vector<512x1023xf32>
    %broadcast_in_dim3A_97 = arith.constant 0.000000e+00 : f32
    %broadcast_in_dim3A_98 = vector.broadcast %broadcast_in_dim3A_97 : f32 to vector<512x1xf32>
    %concatenate3A = tpu.concatenate %slice3A, %broadcast_in_dim3A_98 in 1 : vector<512x1023xf32>, vector<512x1xf32> -> vector<512x1024xf32>
    %add3A_99 = arith.addf %exp3A, %concatenate3A : vector<512x1024xf32>
    %jit3A_100 = arith.constant -1.000000e+00 : f32
    %broadcast_in_dim3A_101 = vector.broadcast %jit3A_100 : f32 to vector<512x1024xf32>
    %select_n3A_102 = arith.select %and3A_45, %add3A_99, %broadcast_in_dim3A_101 : vector<512x1024xi1>, vector<512x1024xf32>
    %reduce_max3A_103 = arith.constant dense<0xFF800000> : vector<512xf32>
    %reduce_max3A_104 = vector.multi_reduction <maximumf>, %select_n3A_102, %reduce_max3A_103 [1] : vector<512x1024xf32> to vector<512xf32>
    %broadcast_in_dim3A_105 = vector.shape_cast %reduce_max3A_104 : vector<512xf32> to vector<512x1xf32>
    %eq3A_106 = vector.broadcast %broadcast_in_dim3A_105 : vector<512x1xf32> to vector<512x1024xf32>
    %eq3A_107 = arith.cmpf oeq, %select_n3A_102, %eq3A_106 : vector<512x1024xf32>
    %jit3A_108 = arith.constant 4096 : i32
    %broadcast_in_dim3A_109 = vector.broadcast %jit3A_108 : i32 to vector<512x1024xi32>
    %select_n3A_110 = arith.select %eq3A_107, %iota3A_10, %broadcast_in_dim3A_109 : vector<512x1024xi1>, vector<512x1024xi32>
    %reduce_min3A = arith.constant dense<2147483647> : vector<512xi32>
    %reduce_min3A_111 = vector.multi_reduction <minsi>, %select_n3A_110, %reduce_min3A [1] : vector<512x1024xi32> to vector<512xi32>
    %broadcast_in_dim3A_112 = vector.shape_cast %reduce_min3A_111 : vector<512xi32> to vector<512x1xi32>
    %eq3A_113 = vector.broadcast %broadcast_in_dim3A_112 : vector<512x1xi32> to vector<512x1024xi32>
    %eq3A_114 = arith.cmpi eq, %iota3A_10, %eq3A_113 : vector<512x1024xi32>
    %jit3A_115 = arith.constant -1.000000e+00 : f32
    %broadcast_in_dim3A_116 = vector.broadcast %jit3A_115 : f32 to vector<512x1024xf32>
    %select_n3A_117 = arith.select %eq3A_114, %broadcast_in_dim3A_116, %select_n3A_102 : vector<512x1024xi1>, vector<512x1024xf32>
    %reduce_max3A_118 = arith.constant dense<0xFF800000> : vector<512xf32>
    %reduce_max3A_119 = vector.multi_reduction <maximumf>, %select_n3A_117, %reduce_max3A_118 [1] : vector<512x1024xf32> to vector<512xf32>
    %broadcast_in_dim3A_120 = vector.shape_cast %reduce_max3A_119 : vector<512xf32> to vector<512x1xf32>
    %eq3A_121 = vector.broadcast %broadcast_in_dim3A_120 : vector<512x1xf32> to vector<512x1024xf32>
    %eq3A_122 = arith.cmpf oeq, %select_n3A_117, %eq3A_121 : vector<512x1024xf32>
    %jit3A_123 = arith.constant 4096 : i32
    %broadcast_in_dim3A_124 = vector.broadcast %jit3A_123 : i32 to vector<512x1024xi32>
    %select_n3A_125 = arith.select %eq3A_122, %iota3A_10, %broadcast_in_dim3A_124 : vector<512x1024xi1>, vector<512x1024xi32>
    %reduce_min3A_126 = arith.constant dense<2147483647> : vector<512xi32>
    %reduce_min3A_127 = vector.multi_reduction <minsi>, %select_n3A_125, %reduce_min3A_126 [1] : vector<512x1024xi32> to vector<512xi32>
    %broadcast_in_dim3A_128 = vector.shape_cast %reduce_min3A_127 : vector<512xi32> to vector<512x1xi32>
    %jit3A_129 = arith.constant 2 : i32
    %div3A_130 = vector.broadcast %jit3A_129 : i32 to vector<512x1xi32>
    %div3A_131 = arith.divsi %broadcast_in_dim3A_112, %div3A_130 : vector<512x1xi32>
    %sign3A = arith.constant 0 : i32
    %sign3A_132 = vector.broadcast %sign3A : i32 to vector<512x1xi32>
    %sign3A_133 = arith.cmpi sgt, %broadcast_in_dim3A_112, %sign3A_132 : vector<512x1xi32>
    %sign3A_134 = arith.extui %sign3A_133 : vector<512x1xi1> to vector<512x1xi32>
    %sign3A_135 = arith.constant 0 : i32
    %sign3A_136 = vector.broadcast %sign3A_135 : i32 to vector<512x1xi32>
    %sign3A_137 = arith.cmpi slt, %broadcast_in_dim3A_112, %sign3A_136 : vector<512x1xi32>
    %sign3A_138 = arith.extui %sign3A_137 : vector<512x1xi1> to vector<512x1xi32>
    %sign3A_139 = arith.subi %sign3A_134, %sign3A_138 : vector<512x1xi32>
    %sign3A_140 = arith.constant 0 : i32
    %sign3A_141 = arith.cmpi sgt, %jit3A_129, %sign3A_140 : i32
    %sign3A_142 = arith.extui %sign3A_141 : i1 to i32
    %sign3A_143 = arith.constant 0 : i32
    %sign3A_144 = arith.cmpi slt, %jit3A_129, %sign3A_143 : i32
    %sign3A_145 = arith.extui %sign3A_144 : i1 to i32
    %sign3A_146 = arith.subi %sign3A_142, %sign3A_145 : i32
    %ne3A_147 = vector.broadcast %sign3A_146 : i32 to vector<512x1xi32>
    %ne3A_148 = arith.cmpi ne, %sign3A_139, %ne3A_147 : vector<512x1xi32>
    %rem3A_149 = vector.broadcast %jit3A_129 : i32 to vector<512x1xi32>
    %rem3A_150 = arith.remsi %broadcast_in_dim3A_112, %rem3A_149 : vector<512x1xi32>
    %ne3A_151 = arith.constant 0 : i32
    %ne3A_152 = vector.broadcast %ne3A_151 : i32 to vector<512x1xi32>
    %ne3A_153 = arith.cmpi ne, %rem3A_150, %ne3A_152 : vector<512x1xi32>
    %and3A_154 = arith.andi %ne3A_148, %ne3A_153 : vector<512x1xi1>
    %sub3A_155 = arith.constant 1 : i32
    %sub3A_156 = vector.broadcast %sub3A_155 : i32 to vector<512x1xi32>
    %sub3A_157 = arith.subi %div3A_131, %sub3A_156 : vector<512x1xi32>
    %select_n3A_158 = arith.select %and3A_154, %sub3A_157, %div3A_131 : vector<512x1xi1>, vector<512x1xi32>
    %jit3A_159 = arith.constant 2 : i32
    %div3A_160 = vector.broadcast %jit3A_159 : i32 to vector<512x1xi32>
    %div3A_161 = arith.divsi %broadcast_in_dim3A_128, %div3A_160 : vector<512x1xi32>
    %sign3A_162 = arith.constant 0 : i32
    %sign3A_163 = vector.broadcast %sign3A_162 : i32 to vector<512x1xi32>
    %sign3A_164 = arith.cmpi sgt, %broadcast_in_dim3A_128, %sign3A_163 : vector<512x1xi32>
    %sign3A_165 = arith.extui %sign3A_164 : vector<512x1xi1> to vector<512x1xi32>
    %sign3A_166 = arith.constant 0 : i32
    %sign3A_167 = vector.broadcast %sign3A_166 : i32 to vector<512x1xi32>
    %sign3A_168 = arith.cmpi slt, %broadcast_in_dim3A_128, %sign3A_167 : vector<512x1xi32>
    %sign3A_169 = arith.extui %sign3A_168 : vector<512x1xi1> to vector<512x1xi32>
    %sign3A_170 = arith.subi %sign3A_165, %sign3A_169 : vector<512x1xi32>
    %sign3A_171 = arith.constant 0 : i32
    %sign3A_172 = arith.cmpi sgt, %jit3A_159, %sign3A_171 : i32
    %sign3A_173 = arith.extui %sign3A_172 : i1 to i32
    %sign3A_174 = arith.constant 0 : i32
    %sign3A_175 = arith.cmpi slt, %jit3A_159, %sign3A_174 : i32
    %sign3A_176 = arith.extui %sign3A_175 : i1 to i32
    %sign3A_177 = arith.subi %sign3A_173, %sign3A_176 : i32
    %ne3A_178 = vector.broadcast %sign3A_177 : i32 to vector<512x1xi32>
    %ne3A_179 = arith.cmpi ne, %sign3A_170, %ne3A_178 : vector<512x1xi32>
    %rem3A_180 = vector.broadcast %jit3A_159 : i32 to vector<512x1xi32>
    %rem3A_181 = arith.remsi %broadcast_in_dim3A_128, %rem3A_180 : vector<512x1xi32>
    %ne3A_182 = arith.constant 0 : i32
    %ne3A_183 = vector.broadcast %ne3A_182 : i32 to vector<512x1xi32>
    %ne3A_184 = arith.cmpi ne, %rem3A_181, %ne3A_183 : vector<512x1xi32>
    %and3A_185 = arith.andi %ne3A_179, %ne3A_184 : vector<512x1xi1>
    %sub3A_186 = arith.constant 1 : i32
    %sub3A_187 = vector.broadcast %sub3A_186 : i32 to vector<512x1xi32>
    %sub3A_188 = arith.subi %div3A_161, %sub3A_187 : vector<512x1xi32>
    %select_n3A_189 = arith.select %and3A_185, %sub3A_188, %div3A_161 : vector<512x1xi1>, vector<512x1xi32>
    %eq3A_190 = arith.constant 0 : i32
    %eq3A_191 = vector.broadcast %eq3A_190 : i32 to vector<512x2xi32>
    %eq3A_192 = arith.cmpi eq, %iota3A_46, %eq3A_191 : vector<512x2xi32>
    %broadcast_in_dim3A_193 = vector.shape_cast %select_n3A_158 : vector<512x1xi32> to vector<512x1xi32>
    %broadcast_in_dim3A_194 = vector.broadcast %broadcast_in_dim3A_193 : vector<512x1xi32> to vector<512x2xi32>
    %broadcast_in_dim3A_195 = vector.shape_cast %select_n3A_189 : vector<512x1xi32> to vector<512x1xi32>
    %broadcast_in_dim3A_196 = vector.broadcast %broadcast_in_dim3A_195 : vector<512x1xi32> to vector<512x2xi32>
    %select_n3A_197 = arith.select %eq3A_192, %broadcast_in_dim3A_194, %broadcast_in_dim3A_196 : vector<512x2xi1>, vector<512x2xi32>
    %mul3A_198 = arith.constant 2 : i32
    %mul3A_199 = arith.muli %arg0, %mul3A_198 : i32
    %add3A_200 = arith.constant 8 : i32
    %add3A_201 = arith.addi %add3A_200, %mul3A_199 : i32
    %add3A_202 = arith.constant 0 : i32
    %add3A_203 = arith.addi %add3A_201, %add3A_202 : i32
    %mul3A_204 = arith.constant 512 : i32
    %mul3A_205 = arith.muli %add3A_203, %mul3A_204 : i32
    %add3A_206 = vector.broadcast %mul3A_205 : i32 to vector<512x2xi32>
    %add3A_207 = arith.addi %select_n3A_197, %add3A_206 : vector<512x2xi32>
    %swap3A_208 = arith.constant 0 : index
    %swap3A_209 = arith.constant 0 : index
    %swap3A_210 = arith.constant 0 : index
    %swap3A_211 = vector.load %arg9[%swap3A_208, %swap3A_209, %swap3A_210] : memref<2x512x2xi32, #tpu.memory_space<vmem>>, vector<1x512x2xi32>
    %swap3A_212 = vector.shape_cast %swap3A_211 : vector<1x512x2xi32> to vector<512x2xi32>
    %swap3A_213 = vector.shape_cast %add3A_207 : vector<512x2xi32> to vector<1x512x2xi32>
    tpu.vector_store %arg9[%swap3A_208, %swap3A_209, %swap3A_210], %swap3A_213 {strides = array<i32>} : memref<2x512x2xi32, #tpu.memory_space<vmem>>, vector<1x512x2xi32>,
    %get3A_214 = arith.constant 0 : index
    %get3A_215 = arith.constant 0 : index
    %get3A_216 = vector.load %arg3[%get3A_214, %get3A_215] : memref<512x256xf32, #tpu.memory_space<vmem>>, vector<512x128xf32>
    %slice3A_217 = vector.extract_strided_slice %broadcast_in_dim3A_6 {offsets = [0, 0], sizes = [1, 128], strides = [1, 1]} : vector<1x256xf32> to vector<1x128xf32>
    %slice3A_218 = vector.extract_strided_slice %get3A_216 {offsets = [0, 0], sizes = [511, 128], strides = [1, 1]} : vector<512x128xf32> to vector<511x128xf32>
    %concatenate3A_219 = tpu.concatenate %slice3A_217, %slice3A_218 in 0 : vector<1x128xf32>, vector<511x128xf32> -> vector<512x128xf32>
    %slice3A_220 = vector.extract_strided_slice %get3A_216 {offsets = [0, 0], sizes = [512, 64], strides = [1, 1]} : vector<512x128xf32> to vector<512x64xf32>
    %slice3A_221 = vector.extract_strided_slice %get3A_216 {offsets = [0, 64], sizes = [512, 64], strides = [1, 1]} : vector<512x128xf32> to vector<512x64xf32>
    %slice3A_222 = vector.extract_strided_slice %concatenate3A_219 {offsets = [0, 0], sizes = [512, 64], strides = [1, 1]} : vector<512x128xf32> to vector<512x64xf32>
    %slice3A_223 = vector.extract_strided_slice %concatenate3A_219 {offsets = [0, 64], sizes = [512, 64], strides = [1, 1]} : vector<512x128xf32> to vector<512x64xf32>
    %mul3A_224 = arith.mulf %get3A_59, %slice3A_220 : vector<512x64xf32>
    %reduce_sum3A_225 = arith.constant dense<0.000000e+00> : vector<512xf32>
    %reduce_sum3A_226 = vector.multi_reduction <add>, %mul3A_224, %reduce_sum3A_225 [1] : vector<512x64xf32> to vector<512xf32>
    %broadcast_in_dim3A_227 = vector.shape_cast %reduce_sum3A_226 : vector<512xf32> to vector<512x1xf32>
    %mul3A_228 = arith.constant 1.250000e-01 : f32
    %mul3A_229 = vector.broadcast %mul3A_228 : f32 to vector<512x1xf32>
    %mul3A_230 = arith.mulf %broadcast_in_dim3A_227, %mul3A_229 : vector<512x1xf32>
    %mul3A_231 = arith.mulf %get3A_59, %slice3A_222 : vector<512x64xf32>
    %reduce_sum3A_232 = arith.constant dense<0.000000e+00> : vector<512xf32>
    %reduce_sum3A_233 = vector.multi_reduction <add>, %mul3A_231, %reduce_sum3A_232 [1] : vector<512x64xf32> to vector<512xf32>
    %broadcast_in_dim3A_234 = vector.shape_cast %reduce_sum3A_233 : vector<512xf32> to vector<512x1xf32>
    %mul3A_235 = arith.constant 1.250000e-01 : f32
    %mul3A_236 = vector.broadcast %mul3A_235 : f32 to vector<512x1xf32>
    %mul3A_237 = arith.mulf %broadcast_in_dim3A_234, %mul3A_236 : vector<512x1xf32>
    %jit3A_238 = arith.constant -1.000000e+09 : f32
    %broadcast_in_dim3A_239 = vector.broadcast %jit3A_238 : f32 to vector<512x1xf32>
    %select_n3A_240 = arith.select %ge3A_53, %mul3A_237, %broadcast_in_dim3A_239 : vector<512x1xi1>, vector<512x1xf32>
    %max3A_241 = arith.maximumf %select_n3A_240, %mul3A_230 : vector<512x1xf32>
    %sub3A_242 = arith.subf %select_n3A_240, %max3A_241 : vector<512x1xf32>
    %exp3A_243 = math.exp %sub3A_242 : vector<512x1xf32>
    %jit3A_244 = arith.constant 0.000000e+00 : f32
    %broadcast_in_dim3A_245 = vector.broadcast %jit3A_244 : f32 to vector<512x1xf32>
    %select_n3A_246 = arith.select %ge3A_53, %exp3A_243, %broadcast_in_dim3A_245 : vector<512x1xi1>, vector<512x1xf32>
    %sub3A_247 = arith.subf %mul3A_230, %max3A_241 : vector<512x1xf32>
    %exp3A_248 = math.exp %sub3A_247 : vector<512x1xf32>
    %mul3A_249 = vector.broadcast %select_n3A_246 : vector<512x1xf32> to vector<512x64xf32>
    %mul3A_250 = arith.mulf %mul3A_249, %slice3A_223 : vector<512x64xf32>
    %mul3A_251 = vector.broadcast %exp3A_248 : vector<512x1xf32> to vector<512x64xf32>
    %mul3A_252 = arith.mulf %mul3A_251, %slice3A_221 : vector<512x64xf32>
    %add3A_253 = arith.addf %mul3A_250, %mul3A_252 : vector<512x64xf32>
    %add3A_254 = arith.addf %select_n3A_246, %exp3A_248 : vector<512x1xf32>
    %div3A_255 = vector.broadcast %add3A_254 : vector<512x1xf32> to vector<512x64xf32>
    %div3A_256 = arith.divf %add3A_253, %div3A_255 : vector<512x64xf32>
    %swap3A_257 = arith.constant 0 : index
    %swap3A_258 = arith.constant 0 : index
    %swap3A_259 = arith.constant 0 : index
    %swap3A_260 = vector.load %arg8[%swap3A_257, %swap3A_258, %swap3A_259] : memref<2x512x64xf32, #tpu.memory_space<vmem>>, vector<1x512x64xf32>
    %swap3A_261 = vector.shape_cast %swap3A_260 : vector<1x512x64xf32> to vector<512x64xf32>
    %swap3A_262 = vector.shape_cast %div3A_256 : vector<512x64xf32> to vector<1x512x64xf32>
    tpu.vector_store %arg8[%swap3A_257, %swap3A_258, %swap3A_259], %swap3A_262 {strides = array<i32>} : memref<2x512x64xf32, #tpu.memory_space<vmem>>, vector<1x512x64xf32>,
    %get3A_263 = arith.constant 0 : index
    %get3A_264 = arith.constant 64 : index
    %get3A_265 = vector.load %arg2[%get3A_263, %get3A_264] : memref<512x128xf32, #tpu.memory_space<vmem>>, vector<512x64xf32>
    %get3A_266 = arith.constant 1 : index
    %get3A_267 = arith.constant 0 : index
    %get3A_268 = arith.constant 0 : index
    %get3A_269 = vector.load %arg5[%get3A_266, %get3A_267, %get3A_268] : memref<2x1024x64xf32, #tpu.memory_space<vmem>>, vector<1x1024x64xf32>
    %get3A_270 = vector.shape_cast %get3A_269 : vector<1x1024x64xf32> to vector<1024x64xf32>
    %get3A_271 = arith.constant 1 : index
    %get3A_272 = arith.constant 0 : index
    %get3A_273 = arith.constant 0 : index
    %get3A_274 = vector.load %arg6[%get3A_271, %get3A_272, %get3A_273] : memref<2x1024x64xf32, #tpu.memory_space<vmem>>, vector<1x1024x64xf32>
    %get3A_275 = vector.shape_cast %get3A_274 : vector<1x1024x64xf32> to vector<1024x64xf32>
    %dot_general3A_276 = arith.constant dense<0.000000e+00> : vector<512x1024xf32>
    %dot_general3A_277 = tpu.matmul %get3A_265, %get3A_270, %dot_general3A_276 {dimension_numbers = #tpu.dot_dimension_numbers<[1], [1], [0], [0], [0, 0, 1, 0], [], []>, transpose_lhs_hint = false} : vector<512x64xf32>, vector<1024x64xf32>, vector<512x1024xf32> -> vector<512x1024xf32>
    %mul3A_278 = arith.constant 1.250000e-01 : f32
    %mul3A_279 = vector.broadcast %mul3A_278 : f32 to vector<512x1024xf32>
    %mul3A_280 = arith.mulf %dot_general3A_277, %mul3A_279 : vector<512x1024xf32>
    %jit3A_281 = arith.constant -1.000000e+09 : f32
    %broadcast_in_dim3A_282 = vector.broadcast %jit3A_281 : f32 to vector<512x1024xf32>
    %select_n3A_283 = arith.select %le3A, %mul3A_280, %broadcast_in_dim3A_282 : vector<512x1024xi1>, vector<512x1024xf32>
    %reduce_max3A_284 = arith.constant dense<0xFF800000> : vector<512xf32>
    %reduce_max3A_285 = vector.multi_reduction <maximumf>, %select_n3A_283, %reduce_max3A_284 [1] : vector<512x1024xf32> to vector<512xf32>
    %broadcast_in_dim3A_286 = vector.shape_cast %reduce_max3A_285 : vector<512xf32> to vector<512x1xf32>
    %sub3A_287 = vector.broadcast %broadcast_in_dim3A_286 : vector<512x1xf32> to vector<512x1024xf32>
    %sub3A_288 = arith.subf %select_n3A_283, %sub3A_287 : vector<512x1024xf32>
    %exp3A_289 = math.exp %sub3A_288 : vector<512x1024xf32>
    %reduce_sum3A_290 = arith.constant dense<0.000000e+00> : vector<512xf32>
    %reduce_sum3A_291 = vector.multi_reduction <add>, %exp3A_289, %reduce_sum3A_290 [1] : vector<512x1024xf32> to vector<512xf32>
    %broadcast_in_dim3A_292 = vector.shape_cast %reduce_sum3A_291 : vector<512xf32> to vector<512x1xf32>
    %dot_general3A_293 = arith.constant dense<0.000000e+00> : vector<512x64xf32>
    %dot_general3A_294 = tpu.matmul %exp3A_289, %get3A_275, %dot_general3A_293 {dimension_numbers = #tpu.dot_dimension_numbers<[1], [0], [0], [1], [0, 0, 1, 1], [], []>, transpose_lhs_hint = false} : vector<512x1024xf32>, vector<1024x64xf32>, vector<512x64xf32> -> vector<512x64xf32>
    %div3A_295 = vector.broadcast %broadcast_in_dim3A_292 : vector<512x1xf32> to vector<512x64xf32>
    %div3A_296 = arith.divf %dot_general3A_294, %div3A_295 : vector<512x64xf32>
    %jit3A_297 = arith.constant 0.000000e+00 : f32
    %broadcast_in_dim3A_298 = vector.shape_cast %ge3A_56 : vector<512x1xi1> to vector<512x1xi1>
    %broadcast_in_dim3A_299 = vector.broadcast %broadcast_in_dim3A_298 : vector<512x1xi1> to vector<512x64xi1>
    %broadcast_in_dim3A_300 = vector.broadcast %jit3A_297 : f32 to vector<512x64xf32>
    %select_n3A_301 = arith.select %broadcast_in_dim3A_299, %div3A_296, %broadcast_in_dim3A_300 : vector<512x64xi1>, vector<512x64xf32>
    %swap3A_302 = arith.constant 1 : index
    %swap3A_303 = arith.constant 0 : index
    %swap3A_304 = arith.constant 0 : index
    %swap3A_305 = vector.load %arg7[%swap3A_302, %swap3A_303, %swap3A_304] : memref<2x512x64xf32, #tpu.memory_space<vmem>>, vector<1x512x64xf32>
    %swap3A_306 = vector.shape_cast %swap3A_305 : vector<1x512x64xf32> to vector<512x64xf32>
    %swap3A_307 = vector.shape_cast %select_n3A_301 : vector<512x64xf32> to vector<1x512x64xf32>
    tpu.vector_store %arg7[%swap3A_302, %swap3A_303, %swap3A_304], %swap3A_307 {strides = array<i32>} : memref<2x512x64xf32, #tpu.memory_space<vmem>>, vector<1x512x64xf32>,
    %slice3A_308 = vector.extract_strided_slice %exp3A_289 {offsets = [0, 1], sizes = [512, 1023], strides = [1, 1]} : vector<512x1024xf32> to vector<512x1023xf32>
    %broadcast_in_dim3A_309 = arith.constant 0.000000e+00 : f32
    %broadcast_in_dim3A_310 = vector.broadcast %broadcast_in_dim3A_309 : f32 to vector<512x1xf32>
    %concatenate3A_311 = tpu.concatenate %slice3A_308, %broadcast_in_dim3A_310 in 1 : vector<512x1023xf32>, vector<512x1xf32> -> vector<512x1024xf32>
    %add3A_312 = arith.addf %exp3A_289, %concatenate3A_311 : vector<512x1024xf32>
    %jit3A_313 = arith.constant -1.000000e+00 : f32
    %broadcast_in_dim3A_314 = vector.broadcast %jit3A_313 : f32 to vector<512x1024xf32>
    %select_n3A_315 = arith.select %and3A_45, %add3A_312, %broadcast_in_dim3A_314 : vector<512x1024xi1>, vector<512x1024xf32>
    %reduce_max3A_316 = arith.constant dense<0xFF800000> : vector<512xf32>
    %reduce_max3A_317 = vector.multi_reduction <maximumf>, %select_n3A_315, %reduce_max3A_316 [1] : vector<512x1024xf32> to vector<512xf32>
    %broadcast_in_dim3A_318 = vector.shape_cast %reduce_max3A_317 : vector<512xf32> to vector<512x1xf32>
    %eq3A_319 = vector.broadcast %broadcast_in_dim3A_318 : vector<512x1xf32> to vector<512x1024xf32>
    %eq3A_320 = arith.cmpf oeq, %select_n3A_315, %eq3A_319 : vector<512x1024xf32>
    %jit3A_321 = arith.constant 4096 : i32
    %broadcast_in_dim3A_322 = vector.broadcast %jit3A_321 : i32 to vector<512x1024xi32>
    %select_n3A_323 = arith.select %eq3A_320, %iota3A_10, %broadcast_in_dim3A_322 : vector<512x1024xi1>, vector<512x1024xi32>
    %reduce_min3A_324 = arith.constant dense<2147483647> : vector<512xi32>
    %reduce_min3A_325 = vector.multi_reduction <minsi>, %select_n3A_323, %reduce_min3A_324 [1] : vector<512x1024xi32> to vector<512xi32>
    %broadcast_in_dim3A_326 = vector.shape_cast %reduce_min3A_325 : vector<512xi32> to vector<512x1xi32>
    %eq3A_327 = vector.broadcast %broadcast_in_dim3A_326 : vector<512x1xi32> to vector<512x1024xi32>
    %eq3A_328 = arith.cmpi eq, %iota3A_10, %eq3A_327 : vector<512x1024xi32>
    %jit3A_329 = arith.constant -1.000000e+00 : f32
    %broadcast_in_dim3A_330 = vector.broadcast %jit3A_329 : f32 to vector<512x1024xf32>
    %select_n3A_331 = arith.select %eq3A_328, %broadcast_in_dim3A_330, %select_n3A_315 : vector<512x1024xi1>, vector<512x1024xf32>
    %reduce_max3A_332 = arith.constant dense<0xFF800000> : vector<512xf32>
    %reduce_max3A_333 = vector.multi_reduction <maximumf>, %select_n3A_331, %reduce_max3A_332 [1] : vector<512x1024xf32> to vector<512xf32>
    %broadcast_in_dim3A_334 = vector.shape_cast %reduce_max3A_333 : vector<512xf32> to vector<512x1xf32>
    %eq3A_335 = vector.broadcast %broadcast_in_dim3A_334 : vector<512x1xf32> to vector<512x1024xf32>
    %eq3A_336 = arith.cmpf oeq, %select_n3A_331, %eq3A_335 : vector<512x1024xf32>
    %jit3A_337 = arith.constant 4096 : i32
    %broadcast_in_dim3A_338 = vector.broadcast %jit3A_337 : i32 to vector<512x1024xi32>
    %select_n3A_339 = arith.select %eq3A_336, %iota3A_10, %broadcast_in_dim3A_338 : vector<512x1024xi1>, vector<512x1024xi32>
    %reduce_min3A_340 = arith.constant dense<2147483647> : vector<512xi32>
    %reduce_min3A_341 = vector.multi_reduction <minsi>, %select_n3A_339, %reduce_min3A_340 [1] : vector<512x1024xi32> to vector<512xi32>
    %broadcast_in_dim3A_342 = vector.shape_cast %reduce_min3A_341 : vector<512xi32> to vector<512x1xi32>
    %jit3A_343 = arith.constant 2 : i32
    %div3A_344 = vector.broadcast %jit3A_343 : i32 to vector<512x1xi32>
    %div3A_345 = arith.divsi %broadcast_in_dim3A_326, %div3A_344 : vector<512x1xi32>
    %sign3A_346 = arith.constant 0 : i32
    %sign3A_347 = vector.broadcast %sign3A_346 : i32 to vector<512x1xi32>
    %sign3A_348 = arith.cmpi sgt, %broadcast_in_dim3A_326, %sign3A_347 : vector<512x1xi32>
    %sign3A_349 = arith.extui %sign3A_348 : vector<512x1xi1> to vector<512x1xi32>
    %sign3A_350 = arith.constant 0 : i32
    %sign3A_351 = vector.broadcast %sign3A_350 : i32 to vector<512x1xi32>
    %sign3A_352 = arith.cmpi slt, %broadcast_in_dim3A_326, %sign3A_351 : vector<512x1xi32>
    %sign3A_353 = arith.extui %sign3A_352 : vector<512x1xi1> to vector<512x1xi32>
    %sign3A_354 = arith.subi %sign3A_349, %sign3A_353 : vector<512x1xi32>
    %sign3A_355 = arith.constant 0 : i32
    %sign3A_356 = arith.cmpi sgt, %jit3A_343, %sign3A_355 : i32
    %sign3A_357 = arith.extui %sign3A_356 : i1 to i32
    %sign3A_358 = arith.constant 0 : i32
    %sign3A_359 = arith.cmpi slt, %jit3A_343, %sign3A_358 : i32
    %sign3A_360 = arith.extui %sign3A_359 : i1 to i32
    %sign3A_361 = arith.subi %sign3A_357, %sign3A_360 : i32
    %ne3A_362 = vector.broadcast %sign3A_361 : i32 to vector<512x1xi32>
    %ne3A_363 = arith.cmpi ne, %sign3A_354, %ne3A_362 : vector<512x1xi32>
    %rem3A_364 = vector.broadcast %jit3A_343 : i32 to vector<512x1xi32>
    %rem3A_365 = arith.remsi %broadcast_in_dim3A_326, %rem3A_364 : vector<512x1xi32>
    %ne3A_366 = arith.constant 0 : i32
    %ne3A_367 = vector.broadcast %ne3A_366 : i32 to vector<512x1xi32>
    %ne3A_368 = arith.cmpi ne, %rem3A_365, %ne3A_367 : vector<512x1xi32>
    %and3A_369 = arith.andi %ne3A_363, %ne3A_368 : vector<512x1xi1>
    %sub3A_370 = arith.constant 1 : i32
    %sub3A_371 = vector.broadcast %sub3A_370 : i32 to vector<512x1xi32>
    %sub3A_372 = arith.subi %div3A_345, %sub3A_371 : vector<512x1xi32>
    %select_n3A_373 = arith.select %and3A_369, %sub3A_372, %div3A_345 : vector<512x1xi1>, vector<512x1xi32>
    %jit3A_374 = arith.constant 2 : i32
    %div3A_375 = vector.broadcast %jit3A_374 : i32 to vector<512x1xi32>
    %div3A_376 = arith.divsi %broadcast_in_dim3A_342, %div3A_375 : vector<512x1xi32>
    %sign3A_377 = arith.constant 0 : i32
    %sign3A_378 = vector.broadcast %sign3A_377 : i32 to vector<512x1xi32>
    %sign3A_379 = arith.cmpi sgt, %broadcast_in_dim3A_342, %sign3A_378 : vector<512x1xi32>
    %sign3A_380 = arith.extui %sign3A_379 : vector<512x1xi1> to vector<512x1xi32>
    %sign3A_381 = arith.constant 0 : i32
    %sign3A_382 = vector.broadcast %sign3A_381 : i32 to vector<512x1xi32>
    %sign3A_383 = arith.cmpi slt, %broadcast_in_dim3A_342, %sign3A_382 : vector<512x1xi32>
    %sign3A_384 = arith.extui %sign3A_383 : vector<512x1xi1> to vector<512x1xi32>
    %sign3A_385 = arith.subi %sign3A_380, %sign3A_384 : vector<512x1xi32>
    %sign3A_386 = arith.constant 0 : i32
    %sign3A_387 = arith.cmpi sgt, %jit3A_374, %sign3A_386 : i32
    %sign3A_388 = arith.extui %sign3A_387 : i1 to i32
    %sign3A_389 = arith.constant 0 : i32
    %sign3A_390 = arith.cmpi slt, %jit3A_374, %sign3A_389 : i32
    %sign3A_391 = arith.extui %sign3A_390 : i1 to i32
    %sign3A_392 = arith.subi %sign3A_388, %sign3A_391 : i32
    %ne3A_393 = vector.broadcast %sign3A_392 : i32 to vector<512x1xi32>
    %ne3A_394 = arith.cmpi ne, %sign3A_385, %ne3A_393 : vector<512x1xi32>
    %rem3A_395 = vector.broadcast %jit3A_374 : i32 to vector<512x1xi32>
    %rem3A_396 = arith.remsi %broadcast_in_dim3A_342, %rem3A_395 : vector<512x1xi32>
    %ne3A_397 = arith.constant 0 : i32
    %ne3A_398 = vector.broadcast %ne3A_397 : i32 to vector<512x1xi32>
    %ne3A_399 = arith.cmpi ne, %rem3A_396, %ne3A_398 : vector<512x1xi32>
    %and3A_400 = arith.andi %ne3A_394, %ne3A_399 : vector<512x1xi1>
    %sub3A_401 = arith.constant 1 : i32
    %sub3A_402 = vector.broadcast %sub3A_401 : i32 to vector<512x1xi32>
    %sub3A_403 = arith.subi %div3A_376, %sub3A_402 : vector<512x1xi32>
    %select_n3A_404 = arith.select %and3A_400, %sub3A_403, %div3A_376 : vector<512x1xi1>, vector<512x1xi32>
    %eq3A_405 = arith.constant 0 : i32
    %eq3A_406 = vector.broadcast %eq3A_405 : i32 to vector<512x2xi32>
    %eq3A_407 = arith.cmpi eq, %iota3A_46, %eq3A_406 : vector<512x2xi32>
    %broadcast_in_dim3A_408 = vector.shape_cast %select_n3A_373 : vector<512x1xi32> to vector<512x1xi32>
    %broadcast_in_dim3A_409 = vector.broadcast %broadcast_in_dim3A_408 : vector<512x1xi32> to vector<512x2xi32>
    %broadcast_in_dim3A_410 = vector.shape_cast %select_n3A_404 : vector<512x1xi32> to vector<512x1xi32>
    %broadcast_in_dim3A_411 = vector.broadcast %broadcast_in_dim3A_410 : vector<512x1xi32> to vector<512x2xi32>
    %select_n3A_412 = arith.select %eq3A_407, %broadcast_in_dim3A_409, %broadcast_in_dim3A_411 : vector<512x2xi1>, vector<512x2xi32>
    %mul3A_413 = arith.constant 2 : i32
    %mul3A_414 = arith.muli %arg0, %mul3A_413 : i32
    %add3A_415 = arith.constant 8 : i32
    %add3A_416 = arith.addi %add3A_415, %mul3A_414 : i32
    %add3A_417 = arith.constant 1 : i32
    %add3A_418 = arith.addi %add3A_416, %add3A_417 : i32
    %mul3A_419 = arith.constant 512 : i32
    %mul3A_420 = arith.muli %add3A_418, %mul3A_419 : i32
    %add3A_421 = vector.broadcast %mul3A_420 : i32 to vector<512x2xi32>
    %add3A_422 = arith.addi %select_n3A_412, %add3A_421 : vector<512x2xi32>
    %swap3A_423 = arith.constant 1 : index
    %swap3A_424 = arith.constant 0 : index
    %swap3A_425 = arith.constant 0 : index
    %swap3A_426 = vector.load %arg9[%swap3A_423, %swap3A_424, %swap3A_425] : memref<2x512x2xi32, #tpu.memory_space<vmem>>, vector<1x512x2xi32>
    %swap3A_427 = vector.shape_cast %swap3A_426 : vector<1x512x2xi32> to vector<512x2xi32>
    %swap3A_428 = vector.shape_cast %add3A_422 : vector<512x2xi32> to vector<1x512x2xi32>
    tpu.vector_store %arg9[%swap3A_423, %swap3A_424, %swap3A_425], %swap3A_428 {strides = array<i32>} : memref<2x512x2xi32, #tpu.memory_space<vmem>>, vector<1x512x2xi32>,
    %get3A_429 = arith.constant 0 : index
    %get3A_430 = arith.constant 128 : index
    %get3A_431 = vector.load %arg3[%get3A_429, %get3A_430] : memref<512x256xf32, #tpu.memory_space<vmem>>, vector<512x128xf32>
    %slice3A_432 = vector.extract_strided_slice %broadcast_in_dim3A_6 {offsets = [0, 128], sizes = [1, 128], strides = [1, 1]} : vector<1x256xf32> to vector<1x128xf32>
    %slice3A_433 = vector.extract_strided_slice %get3A_431 {offsets = [0, 0], sizes = [511, 128], strides = [1, 1]} : vector<512x128xf32> to vector<511x128xf32>
    %concatenate3A_434 = tpu.concatenate %slice3A_432, %slice3A_433 in 0 : vector<1x128xf32>, vector<511x128xf32> -> vector<512x128xf32>
    %slice3A_435 = vector.extract_strided_slice %get3A_431 {offsets = [0, 0], sizes = [512, 64], strides = [1, 1]} : vector<512x128xf32> to vector<512x64xf32>
    %slice3A_436 = vector.extract_strided_slice %get3A_431 {offsets = [0, 64], sizes = [512, 64], strides = [1, 1]} : vector<512x128xf32> to vector<512x64xf32>
    %slice3A_437 = vector.extract_strided_slice %concatenate3A_434 {offsets = [0, 0], sizes = [512, 64], strides = [1, 1]} : vector<512x128xf32> to vector<512x64xf32>
    %slice3A_438 = vector.extract_strided_slice %concatenate3A_434 {offsets = [0, 64], sizes = [512, 64], strides = [1, 1]} : vector<512x128xf32> to vector<512x64xf32>
    %mul3A_439 = arith.mulf %get3A_265, %slice3A_435 : vector<512x64xf32>
    %reduce_sum3A_440 = arith.constant dense<0.000000e+00> : vector<512xf32>
    %reduce_sum3A_441 = vector.multi_reduction <add>, %mul3A_439, %reduce_sum3A_440 [1] : vector<512x64xf32> to vector<512xf32>
    %broadcast_in_dim3A_442 = vector.shape_cast %reduce_sum3A_441 : vector<512xf32> to vector<512x1xf32>
    %mul3A_443 = arith.constant 1.250000e-01 : f32
    %mul3A_444 = vector.broadcast %mul3A_443 : f32 to vector<512x1xf32>
    %mul3A_445 = arith.mulf %broadcast_in_dim3A_442, %mul3A_444 : vector<512x1xf32>
    %mul3A_446 = arith.mulf %get3A_265, %slice3A_437 : vector<512x64xf32>
    %reduce_sum3A_447 = arith.constant dense<0.000000e+00> : vector<512xf32>
    %reduce_sum3A_448 = vector.multi_reduction <add>, %mul3A_446, %reduce_sum3A_447 [1] : vector<512x64xf32> to vector<512xf32>
    %broadcast_in_dim3A_449 = vector.shape_cast %reduce_sum3A_448 : vector<512xf32> to vector<512x1xf32>
    %mul3A_450 = arith.constant 1.250000e-01 : f32
    %mul3A_451 = vector.broadcast %mul3A_450 : f32 to vector<512x1xf32>
    %mul3A_452 = arith.mulf %broadcast_in_dim3A_449, %mul3A_451 : vector<512x1xf32>
    %jit3A_453 = arith.constant -1.000000e+09 : f32
    %broadcast_in_dim3A_454 = vector.broadcast %jit3A_453 : f32 to vector<512x1xf32>
    %select_n3A_455 = arith.select %ge3A_53, %mul3A_452, %broadcast_in_dim3A_454 : vector<512x1xi1>, vector<512x1xf32>
    %max3A_456 = arith.maximumf %select_n3A_455, %mul3A_445 : vector<512x1xf32>
    %sub3A_457 = arith.subf %select_n3A_455, %max3A_456 : vector<512x1xf32>
    %exp3A_458 = math.exp %sub3A_457 : vector<512x1xf32>
    %jit3A_459 = arith.constant 0.000000e+00 : f32
    %broadcast_in_dim3A_460 = vector.broadcast %jit3A_459 : f32 to vector<512x1xf32>
    %select_n3A_461 = arith.select %ge3A_53, %exp3A_458, %broadcast_in_dim3A_460 : vector<512x1xi1>, vector<512x1xf32>
    %sub3A_462 = arith.subf %mul3A_445, %max3A_456 : vector<512x1xf32>
    %exp3A_463 = math.exp %sub3A_462 : vector<512x1xf32>
    %mul3A_464 = vector.broadcast %select_n3A_461 : vector<512x1xf32> to vector<512x64xf32>
    %mul3A_465 = arith.mulf %mul3A_464, %slice3A_438 : vector<512x64xf32>
    %mul3A_466 = vector.broadcast %exp3A_463 : vector<512x1xf32> to vector<512x64xf32>
    %mul3A_467 = arith.mulf %mul3A_466, %slice3A_436 : vector<512x64xf32>
    %add3A_468 = arith.addf %mul3A_465, %mul3A_467 : vector<512x64xf32>
    %add3A_469 = arith.addf %select_n3A_461, %exp3A_463 : vector<512x1xf32>
    %div3A_470 = vector.broadcast %add3A_469 : vector<512x1xf32> to vector<512x64xf32>
    %div3A_471 = arith.divf %add3A_468, %div3A_470 : vector<512x64xf32>
    %swap3A_472 = arith.constant 1 : index
    %swap3A_473 = arith.constant 0 : index
    %swap3A_474 = arith.constant 0 : index
    %swap3A_475 = vector.load %arg8[%swap3A_472, %swap3A_473, %swap3A_474] : memref<2x512x64xf32, #tpu.memory_space<vmem>>, vector<1x512x64xf32>
    %swap3A_476 = vector.shape_cast %swap3A_475 : vector<1x512x64xf32> to vector<512x64xf32>
    %swap3A_477 = vector.shape_cast %div3A_471 : vector<512x64xf32> to vector<1x512x64xf32>
    tpu.vector_store %arg8[%swap3A_472, %swap3A_473, %swap3A_474], %swap3A_477 {strides = array<i32>} : memref<2x512x64xf32, #tpu.memory_space<vmem>>, vector<1x512x64xf32>,
    return
  }
  func.func @transform_0(%arg0: i32, %arg1: i32) -> (i32, i32) {
    %add3A = arith.constant 4 : i32
    %add3A_0 = arith.addi %add3A, %arg0 : i32
    %c0_i32 = arith.constant 0 : i32
    return %arg1, %add3A_0 : i32, i32
  }
  func.func @transform_1(%arg0: i32, %arg1: i32) -> (i32, i32) {
    %add3A = arith.constant 4 : i32
    %add3A_0 = arith.addi %add3A, %arg0 : i32
    %c0_i32 = arith.constant 0 : i32
    return %arg1, %add3A_0 : i32, i32
  }
  func.func @transform_2(%arg0: i32, %arg1: i32) -> (i32, i32) {
    %add3A = arith.constant 4 : i32
    %add3A_0 = arith.addi %add3A, %arg0 : i32
    %c0_i32 = arith.constant 0 : i32
    %c0_i32_1 = arith.constant 0 : i32
    return %c0_i32, %add3A_0 : i32, i32
  }
  func.func @transform_3(%arg0: i32, %arg1: i32) -> (i32, i32, i32) {
    %add3A = arith.constant 4 : i32
    %add3A_0 = arith.addi %add3A, %arg0 : i32
    %c0_i32 = arith.constant 0 : i32
    %c0_i32_1 = arith.constant 0 : i32
    %c0_i32_2 = arith.constant 0 : i32
    return %add3A_0, %c0_i32, %c0_i32_1 : i32, i32, i32
  }
  func.func @transform_4(%arg0: i32, %arg1: i32) -> (i32, i32, i32) {
    %add3A = arith.constant 4 : i32
    %add3A_0 = arith.addi %add3A, %arg0 : i32
    %c0_i32 = arith.constant 0 : i32
    %c0_i32_1 = arith.constant 0 : i32
    %c0_i32_2 = arith.constant 0 : i32
    return %add3A_0, %c0_i32, %c0_i32_1 : i32, i32, i32
  }
  func.func @transform_5(%arg0: i32, %arg1: i32) -> (i32, i32, i32) {
    %c0_i32 = arith.constant 0 : i32
    %c0_i32_0 = arith.constant 0 : i32
    return %arg0, %arg1, %c0_i32 : i32, i32, i32
  }
  func.func @transform_6(%arg0: i32, %arg1: i32) -> (i32, i32, i32) {
    %c0_i32 = arith.constant 0 : i32
    %c0_i32_0 = arith.constant 0 : i32
    return %arg0, %arg1, %c0_i32 : i32, i32, i32
  }
  func.func @transform_7(%arg0: i32, %arg1: i32) -> (i32, i32, i32) {
    %c0_i32 = arith.constant 0 : i32
    %c0_i32_0 = arith.constant 0 : i32
    return %arg0, %arg1, %c0_i32 : i32, i32, i32
  }
}

module attributes {stable_mosaic.version = 14 : i64} {
  func.func @_s3_body(%arg0: i32, %arg1: i32, %arg2: memref<512x128xf32, #tpu.memory_space<vmem>>, %arg3: memref<512x256xf32, #tpu.memory_space<vmem>>, %arg4: memref<4x256xf32, #tpu.memory_space<vmem>>, %arg5: memref<2x1024x64xf32, #tpu.memory_space<vmem>>, %arg6: memref<2x1024x64xf32, #tpu.memory_space<vmem>>, %arg7: memref<2x512x64xf32, #tpu.memory_space<vmem>>, %arg8: memref<2x512x64xf32, #tpu.memory_space<vmem>>, %arg9: memref<2x512x2xi32, #tpu.memory_space<vmem>>) attributes {dimension_semantics = [#tpu.dimension_semantics<arbitrary>, #tpu.dimension_semantics<arbitrary>], iteration_bounds = array<i64: 4, 4>, scalar_prefetch = 0 : i64, scratch_operands = 0 : i64, tpu.core_type = #tpu.core_type<tc>, window_params = [{transform_indices = @transform_0, window_bounds = array<i64: 512, 128>}, {transform_indices = @transform_1, window_bounds = array<i64: 512, 256>}, {transform_indices = @transform_2, window_bounds = array<i64: 4, 256>}, {transform_indices = @transform_3, window_bounds = array<i64: 2, 1024, 64>}, {transform_indices = @transform_4, window_bounds = array<i64: 2, 1024, 64>}, {transform_indices = @transform_5, window_bounds = array<i64: 2, 512, 64>}, {transform_indices = @transform_6, window_bounds = array<i64: 2, 512, 64>}, {transform_indices = @transform_7, window_bounds = array<i64: 2, 512, 2>}]} {
    %sub3A = arith.constant 1 : i32
    %sub3A_0 = arith.subi %arg1, %sub3A : i32
    %max3A = arith.constant 0 : i32
    %max3A_1 = arith.maxsi %sub3A_0, %max3A : i32
    %iota3A = tpu.iota {dimensions = array<i32: 0>} : vector<4x256xi32>
    %eq3A = vector.broadcast %max3A_1 : i32 to vector<4x256xi32>
    %eq3A_2 = arith.cmpi eq, %iota3A, %eq3A : vector<4x256xi32>
    %get3A = arith.constant 0 : index
    %get3A_3 = arith.constant 0 : index
    %get3A_4 = vector.load %arg4[%get3A, %get3A_3] : memref<4x256xf32, #tpu.memory_space<vmem>>, vector<4x256xf32>
    %jit3A = arith.constant 0.000000e+00 : f32
    %broadcast_in_dim3A = vector.broadcast %jit3A : f32 to vector<4x256xf32>
    %select_n3A = arith.select %eq3A_2, %get3A_4, %broadcast_in_dim3A : vector<4x256xi1>, vector<4x256xf32>
    %reduce_sum3A = arith.constant dense<0.000000e+00> : vector<256xf32>
    %reduce_sum3A_5 = vector.multi_reduction <add>, %select_n3A, %reduce_sum3A [0] : vector<4x256xf32> to vector<256xf32>
    %broadcast_in_dim3A_6 = vector.shape_cast %reduce_sum3A_5 : vector<256xf32> to vector<1x256xf32>
    %mul3A = arith.constant 512 : i32
    %mul3A_7 = arith.muli %arg1, %mul3A : i32
    %iota3A_8 = tpu.iota {dimensions = array<i32: 0>} : vector<512x1024xi32>
    %add3A = vector.broadcast %mul3A_7 : i32 to vector<512x1024xi32>
    %add3A_9 = arith.addi %add3A, %iota3A_8 : vector<512x1024xi32>
    %iota3A_10 = tpu.iota {dimensions = array<i32: 1>} : vector<512x1024xi32>
    %mul3A_11 = arith.constant 2 : i32
    %mul3A_12 = vector.broadcast %mul3A_11 : i32 to vector<512x1024xi32>
    %mul3A_13 = arith.muli %mul3A_12, %iota3A_10 : vector<512x1024xi32>
    %add3A_14 = arith.constant 4 : i32
    %add3A_15 = vector.broadcast %add3A_14 : i32 to vector<512x1024xi32>
    %add3A_16 = arith.addi %mul3A_13, %add3A_15 : vector<512x1024xi32>
    %sub3A_17 = arith.constant 1 : i32
    %sub3A_18 = vector.broadcast %sub3A_17 : i32 to vector<512x1024xi32>
    %sub3A_19 = arith.subi %add3A_16, %sub3A_18 : vector<512x1024xi32>
    %le3A = arith.cmpi sle, %sub3A_19, %add3A_9 : vector<512x1024xi32>
    %jit3A_20 = arith.constant 2 : i32
    %eq3A_21 = arith.constant 0 : i32
    %eq3A_22 = arith.cmpi eq, %jit3A_20, %eq3A_21 : i32
    %jit3A_23 = arith.constant 1 : i32
    %select_n3A_24 = arith.select %eq3A_22, %jit3A_23, %jit3A_20 : i32
    %rem3A = vector.broadcast %select_n3A_24 : i32 to vector<512x1024xi32>
    %rem3A_25 = arith.remsi %iota3A_10, %rem3A : vector<512x1024xi32>
    %ne3A = arith.constant 0 : i32
    %ne3A_26 = vector.broadcast %ne3A : i32 to vector<512x1024xi32>
    %ne3A_27 = arith.cmpi ne, %rem3A_25, %ne3A_26 : vector<512x1024xi32>
    %lt3A = arith.constant 0 : i32
    %lt3A_28 = vector.broadcast %lt3A : i32 to vector<512x1024xi32>
    %lt3A_29 = arith.cmpi slt, %rem3A_25, %lt3A_28 : vector<512x1024xi32>
    %lt3A_30 = arith.constant 0 : i32
    %lt3A_31 = arith.cmpi slt, %select_n3A_24, %lt3A_30 : i32
    %ne3A_32 = vector.broadcast %lt3A_31 : i1 to vector<512x1024xi1>
    %ne3A_33 = vector.broadcast %ne3A_32 : vector<512x1024xi1> to vector<512x1024xi1>
    %ne3A_34 = arith.xori %lt3A_29, %ne3A_33 : vector<512x1024xi1>
    %and3A = arith.andi %ne3A_34, %ne3A_27 : vector<512x1024xi1>
    %add3A_35 = vector.broadcast %select_n3A_24 : i32 to vector<512x1024xi32>
    %add3A_36 = arith.addi %rem3A_25, %add3A_35 : vector<512x1024xi32>
    %select_n3A_37 = arith.select %and3A, %add3A_36, %rem3A_25 : vector<512x1024xi1>, vector<512x1024xi32>
    %eq3A_38 = arith.constant 0 : i32
    %eq3A_39 = vector.broadcast %eq3A_38 : i32 to vector<512x1024xi32>
    %eq3A_40 = arith.cmpi eq, %select_n3A_37, %eq3A_39 : vector<512x1024xi32>
    %mul3A_41 = arith.constant 2 : i32
    %mul3A_42 = vector.broadcast %mul3A_41 : i32 to vector<512x1024xi32>
    %mul3A_43 = arith.muli %mul3A_42, %iota3A_10 : vector<512x1024xi32>
    %le3A_44 = arith.cmpi sle, %mul3A_43, %add3A_9 : vector<512x1024xi32>
    %and3A_45 = arith.andi %eq3A_40, %le3A_44 : vector<512x1024xi1>
    %iota3A_46 = tpu.iota {dimensions = array<i32: 1>} : vector<512x2xi32>
    %mul3A_47 = arith.constant 512 : i32
    %mul3A_48 = arith.muli %arg1, %mul3A_47 : i32
    %iota3A_49 = tpu.iota {dimensions = array<i32: 0>} : vector<512x1xi32>
    %add3A_50 = vector.broadcast %mul3A_48 : i32 to vector<512x1xi32>
    %add3A_51 = arith.addi %add3A_50, %iota3A_49 : vector<512x1xi32>
    %ge3A = arith.constant 1 : i32
    %ge3A_52 = vector.broadcast %ge3A : i32 to vector<512x1xi32>
    %ge3A_53 = arith.cmpi sge, %add3A_51, %ge3A_52 : vector<512x1xi32>
    %ge3A_54 = arith.constant 3 : i32
    %ge3A_55 = vector.broadcast %ge3A_54 : i32 to vector<512x1xi32>
    %ge3A_56 = arith.cmpi sge, %add3A_51, %ge3A_55 : vector<512x1xi32>
    %get3A_57 = arith.constant 0 : index
    %get3A_58 = arith.constant 0 : index
    %get3A_59 = vector.load %arg2[%get3A_57, %get3A_58] : memref<512x128xf32, #tpu.memory_space<vmem>>, vector<512x64xf32>
    %get3A_60 = arith.constant 0 : index
    %get3A_61 = arith.constant 0 : index
    %get3A_62 = arith.constant 0 : index
    %get3A_63 = vector.load %arg5[%get3A_60, %get3A_61, %get3A_62] : memref<2x1024x64xf32, #tpu.memory_space<vmem>>, vector<1x1024x64xf32>
    %get3A_64 = vector.shape_cast %get3A_63 : vector<1x1024x64xf32> to vector<1024x64xf32>
    %get3A_65 = arith.constant 0 : index
    %get3A_66 = arith.constant 0 : index
    %get3A_67 = arith.constant 0 : index
    %get3A_68 = vector.load %arg6[%get3A_65, %get3A_66, %get3A_67] : memref<2x1024x64xf32, #tpu.memory_space<vmem>>, vector<1x1024x64xf32>
    %get3A_69 = vector.shape_cast %get3A_68 : vector<1x1024x64xf32> to vector<1024x64xf32>
    %dot_general3A = arith.constant dense<0.000000e+00> : vector<512x1024xf32>
    %dot_general3A_70 = tpu.matmul %get3A_59, %get3A_64, %dot_general3A {dimension_numbers = #tpu.dot_dimension_numbers<[1], [1], [0], [0], [0, 0, 1, 0], [], []>, transpose_lhs_hint = false} : vector<512x64xf32>, vector<1024x64xf32>, vector<512x1024xf32> -> vector<512x1024xf32>
    %mul3A_71 = arith.constant 1.250000e-01 : f32
    %mul3A_72 = vector.broadcast %mul3A_71 : f32 to vector<512x1024xf32>
    %mul3A_73 = arith.mulf %dot_general3A_70, %mul3A_72 : vector<512x1024xf32>
    %jit3A_74 = arith.constant -1.000000e+09 : f32
    %broadcast_in_dim3A_75 = vector.broadcast %jit3A_74 : f32 to vector<512x1024xf32>
    %select_n3A_76 = arith.select %le3A, %mul3A_73, %broadcast_in_dim3A_75 : vector<512x1024xi1>, vector<512x1024xf32>
    %reduce_max3A = arith.constant dense<0xFF800000> : vector<512xf32>
    %reduce_max3A_77 = vector.multi_reduction <maximumf>, %select_n3A_76, %reduce_max3A [1] : vector<512x1024xf32> to vector<512xf32>
    %broadcast_in_dim3A_78 = vector.shape_cast %reduce_max3A_77 : vector<512xf32> to vector<512x1xf32>
    %sub3A_79 = vector.broadcast %broadcast_in_dim3A_78 : vector<512x1xf32> to vector<512x1024xf32>
    %sub3A_80 = arith.subf %select_n3A_76, %sub3A_79 : vector<512x1024xf32>
    %exp3A = math.exp %sub3A_80 : vector<512x1024xf32>
    %reduce_sum3A_81 = arith.constant dense<0.000000e+00> : vector<512xf32>
    %reduce_sum3A_82 = vector.multi_reduction <add>, %exp3A, %reduce_sum3A_81 [1] : vector<512x1024xf32> to vector<512xf32>
    %broadcast_in_dim3A_83 = vector.shape_cast %reduce_sum3A_82 : vector<512xf32> to vector<512x1xf32>
    %dot_general3A_84 = arith.constant dense<0.000000e+00> : vector<512x64xf32>
    %dot_general3A_85 = tpu.matmul %exp3A, %get3A_69, %dot_general3A_84 {dimension_numbers = #tpu.dot_dimension_numbers<[1], [0], [0], [1], [0, 0, 1, 1], [], []>, transpose_lhs_hint = false} : vector<512x1024xf32>, vector<1024x64xf32>, vector<512x64xf32> -> vector<512x64xf32>
    %div3A = vector.broadcast %broadcast_in_dim3A_83 : vector<512x1xf32> to vector<512x64xf32>
    %div3A_86 = arith.divf %dot_general3A_85, %div3A : vector<512x64xf32>
    %jit3A_87 = arith.constant 0.000000e+00 : f32
    %broadcast_in_dim3A_88 = vector.shape_cast %ge3A_56 : vector<512x1xi1> to vector<512x1xi1>
    %broadcast_in_dim3A_89 = vector.broadcast %broadcast_in_dim3A_88 : vector<512x1xi1> to vector<512x64xi1>
    %broadcast_in_dim3A_90 = vector.broadcast %jit3A_87 : f32 to vector<512x64xf32>
    %select_n3A_91 = arith.select %broadcast_in_dim3A_89, %div3A_86, %broadcast_in_dim3A_90 : vector<512x64xi1>, vector<512x64xf32>
    %swap3A = arith.constant 0 : index
    %swap3A_92 = arith.constant 0 : index
    %swap3A_93 = arith.constant 0 : index
    %swap3A_94 = vector.load %arg7[%swap3A, %swap3A_92, %swap3A_93] : memref<2x512x64xf32, #tpu.memory_space<vmem>>, vector<1x512x64xf32>
    %swap3A_95 = vector.shape_cast %swap3A_94 : vector<1x512x64xf32> to vector<512x64xf32>
    %swap3A_96 = vector.shape_cast %select_n3A_91 : vector<512x64xf32> to vector<1x512x64xf32>
    tpu.vector_store %arg7[%swap3A, %swap3A_92, %swap3A_93], %swap3A_96 {strides = array<i32>} : memref<2x512x64xf32, #tpu.memory_space<vmem>>, vector<1x512x64xf32>,
    %slice3A = vector.extract_strided_slice %exp3A {offsets = [0, 1], sizes = [512, 1023], strides = [1, 1]} : vector<512x1024xf32> to vector<512x1023xf32>
    %broadcast_in_dim3A_97 = arith.constant 0.000000e+00 : f32
    %broadcast_in_dim3A_98 = vector.broadcast %broadcast_in_dim3A_97 : f32 to vector<512x1xf32>
    %concatenate3A = tpu.concatenate %slice3A, %broadcast_in_dim3A_98 in 1 : vector<512x1023xf32>, vector<512x1xf32> -> vector<512x1024xf32>
    %add3A_99 = arith.addf %exp3A, %concatenate3A : vector<512x1024xf32>
    %jit3A_100 = arith.constant -1.000000e+00 : f32
    %broadcast_in_dim3A_101 = vector.broadcast %jit3A_100 : f32 to vector<512x1024xf32>
    %select_n3A_102 = arith.select %and3A_45, %add3A_99, %broadcast_in_dim3A_101 : vector<512x1024xi1>, vector<512x1024xf32>
    %reduce_max3A_103 = arith.constant dense<0xFF800000> : vector<512xf32>
    %reduce_max3A_104 = vector.multi_reduction <maximumf>, %select_n3A_102, %reduce_max3A_103 [1] : vector<512x1024xf32> to vector<512xf32>
    %broadcast_in_dim3A_105 = vector.shape_cast %reduce_max3A_104 : vector<512xf32> to vector<512x1xf32>
    %eq3A_106 = vector.broadcast %broadcast_in_dim3A_105 : vector<512x1xf32> to vector<512x1024xf32>
    %eq3A_107 = arith.cmpf oeq, %select_n3A_102, %eq3A_106 : vector<512x1024xf32>
    %jit3A_108 = arith.constant 4096 : i32
    %broadcast_in_dim3A_109 = vector.broadcast %jit3A_108 : i32 to vector<512x1024xi32>
    %select_n3A_110 = arith.select %eq3A_107, %iota3A_10, %broadcast_in_dim3A_109 : vector<512x1024xi1>, vector<512x1024xi32>
    %reduce_min3A = arith.constant dense<2147483647> : vector<512xi32>
    %reduce_min3A_111 = vector.multi_reduction <minsi>, %select_n3A_110, %reduce_min3A [1] : vector<512x1024xi32> to vector<512xi32>
    %broadcast_in_dim3A_112 = vector.shape_cast %reduce_min3A_111 : vector<512xi32> to vector<512x1xi32>
    %eq3A_113 = vector.broadcast %broadcast_in_dim3A_112 : vector<512x1xi32> to vector<512x1024xi32>
    %eq3A_114 = arith.cmpi eq, %iota3A_10, %eq3A_113 : vector<512x1024xi32>
    %jit3A_115 = arith.constant -1.000000e+00 : f32
    %broadcast_in_dim3A_116 = vector.broadcast %jit3A_115 : f32 to vector<512x1024xf32>
    %select_n3A_117 = arith.select %eq3A_114, %broadcast_in_dim3A_116, %select_n3A_102 : vector<512x1024xi1>, vector<512x1024xf32>
    %reduce_max3A_118 = arith.constant dense<0xFF800000> : vector<512xf32>
    %reduce_max3A_119 = vector.multi_reduction <maximumf>, %select_n3A_117, %reduce_max3A_118 [1] : vector<512x1024xf32> to vector<512xf32>
    %broadcast_in_dim3A_120 = vector.shape_cast %reduce_max3A_119 : vector<512xf32> to vector<512x1xf32>
    %eq3A_121 = vector.broadcast %broadcast_in_dim3A_120 : vector<512x1xf32> to vector<512x1024xf32>
    %eq3A_122 = arith.cmpf oeq, %select_n3A_117, %eq3A_121 : vector<512x1024xf32>
    %jit3A_123 = arith.constant 4096 : i32
    %broadcast_in_dim3A_124 = vector.broadcast %jit3A_123 : i32 to vector<512x1024xi32>
    %select_n3A_125 = arith.select %eq3A_122, %iota3A_10, %broadcast_in_dim3A_124 : vector<512x1024xi1>, vector<512x1024xi32>
    %reduce_min3A_126 = arith.constant dense<2147483647> : vector<512xi32>
    %reduce_min3A_127 = vector.multi_reduction <minsi>, %select_n3A_125, %reduce_min3A_126 [1] : vector<512x1024xi32> to vector<512xi32>
    %broadcast_in_dim3A_128 = vector.shape_cast %reduce_min3A_127 : vector<512xi32> to vector<512x1xi32>
    %jit3A_129 = arith.constant 2 : i32
    %div3A_130 = vector.broadcast %jit3A_129 : i32 to vector<512x1xi32>
    %div3A_131 = arith.divsi %broadcast_in_dim3A_112, %div3A_130 : vector<512x1xi32>
    %sign3A = arith.constant 0 : i32
    %sign3A_132 = vector.broadcast %sign3A : i32 to vector<512x1xi32>
    %sign3A_133 = arith.cmpi sgt, %broadcast_in_dim3A_112, %sign3A_132 : vector<512x1xi32>
    %sign3A_134 = arith.extui %sign3A_133 : vector<512x1xi1> to vector<512x1xi32>
    %sign3A_135 = arith.constant 0 : i32
    %sign3A_136 = vector.broadcast %sign3A_135 : i32 to vector<512x1xi32>
    %sign3A_137 = arith.cmpi slt, %broadcast_in_dim3A_112, %sign3A_136 : vector<512x1xi32>
    %sign3A_138 = arith.extui %sign3A_137 : vector<512x1xi1> to vector<512x1xi32>
    %sign3A_139 = arith.subi %sign3A_134, %sign3A_138 : vector<512x1xi32>
    %sign3A_140 = arith.constant 0 : i32
    %sign3A_141 = arith.cmpi sgt, %jit3A_129, %sign3A_140 : i32
    %sign3A_142 = arith.extui %sign3A_141 : i1 to i32
    %sign3A_143 = arith.constant 0 : i32
    %sign3A_144 = arith.cmpi slt, %jit3A_129, %sign3A_143 : i32
    %sign3A_145 = arith.extui %sign3A_144 : i1 to i32
    %sign3A_146 = arith.subi %sign3A_142, %sign3A_145 : i32
    %ne3A_147 = vector.broadcast %sign3A_146 : i32 to vector<512x1xi32>
    %ne3A_148 = arith.cmpi ne, %sign3A_139, %ne3A_147 : vector<512x1xi32>
    %rem3A_149 = vector.broadcast %jit3A_129 : i32 to vector<512x1xi32>
    %rem3A_150 = arith.remsi %broadcast_in_dim3A_112, %rem3A_149 : vector<512x1xi32>
    %ne3A_151 = arith.constant 0 : i32
    %ne3A_152 = vector.broadcast %ne3A_151 : i32 to vector<512x1xi32>
    %ne3A_153 = arith.cmpi ne, %rem3A_150, %ne3A_152 : vector<512x1xi32>
    %and3A_154 = arith.andi %ne3A_148, %ne3A_153 : vector<512x1xi1>
    %sub3A_155 = arith.constant 1 : i32
    %sub3A_156 = vector.broadcast %sub3A_155 : i32 to vector<512x1xi32>
    %sub3A_157 = arith.subi %div3A_131, %sub3A_156 : vector<512x1xi32>
    %select_n3A_158 = arith.select %and3A_154, %sub3A_157, %div3A_131 : vector<512x1xi1>, vector<512x1xi32>
    %jit3A_159 = arith.constant 2 : i32
    %div3A_160 = vector.broadcast %jit3A_159 : i32 to vector<512x1xi32>
    %div3A_161 = arith.divsi %broadcast_in_dim3A_128, %div3A_160 : vector<512x1xi32>
    %sign3A_162 = arith.constant 0 : i32
    %sign3A_163 = vector.broadcast %sign3A_162 : i32 to vector<512x1xi32>
    %sign3A_164 = arith.cmpi sgt, %broadcast_in_dim3A_128, %sign3A_163 : vector<512x1xi32>
    %sign3A_165 = arith.extui %sign3A_164 : vector<512x1xi1> to vector<512x1xi32>
    %sign3A_166 = arith.constant 0 : i32
    %sign3A_167 = vector.broadcast %sign3A_166 : i32 to vector<512x1xi32>
    %sign3A_168 = arith.cmpi slt, %broadcast_in_dim3A_128, %sign3A_167 : vector<512x1xi32>
    %sign3A_169 = arith.extui %sign3A_168 : vector<512x1xi1> to vector<512x1xi32>
    %sign3A_170 = arith.subi %sign3A_165, %sign3A_169 : vector<512x1xi32>
    %sign3A_171 = arith.constant 0 : i32
    %sign3A_172 = arith.cmpi sgt, %jit3A_159, %sign3A_171 : i32
    %sign3A_173 = arith.extui %sign3A_172 : i1 to i32
    %sign3A_174 = arith.constant 0 : i32
    %sign3A_175 = arith.cmpi slt, %jit3A_159, %sign3A_174 : i32
    %sign3A_176 = arith.extui %sign3A_175 : i1 to i32
    %sign3A_177 = arith.subi %sign3A_173, %sign3A_176 : i32
    %ne3A_178 = vector.broadcast %sign3A_177 : i32 to vector<512x1xi32>
    %ne3A_179 = arith.cmpi ne, %sign3A_170, %ne3A_178 : vector<512x1xi32>
    %rem3A_180 = vector.broadcast %jit3A_159 : i32 to vector<512x1xi32>
    %rem3A_181 = arith.remsi %broadcast_in_dim3A_128, %rem3A_180 : vector<512x1xi32>
    %ne3A_182 = arith.constant 0 : i32
    %ne3A_183 = vector.broadcast %ne3A_182 : i32 to vector<512x1xi32>
    %ne3A_184 = arith.cmpi ne, %rem3A_181, %ne3A_183 : vector<512x1xi32>
    %and3A_185 = arith.andi %ne3A_179, %ne3A_184 : vector<512x1xi1>
    %sub3A_186 = arith.constant 1 : i32
    %sub3A_187 = vector.broadcast %sub3A_186 : i32 to vector<512x1xi32>
    %sub3A_188 = arith.subi %div3A_161, %sub3A_187 : vector<512x1xi32>
    %select_n3A_189 = arith.select %and3A_185, %sub3A_188, %div3A_161 : vector<512x1xi1>, vector<512x1xi32>
    %eq3A_190 = arith.constant 0 : i32
    %eq3A_191 = vector.broadcast %eq3A_190 : i32 to vector<512x2xi32>
    %eq3A_192 = arith.cmpi eq, %iota3A_46, %eq3A_191 : vector<512x2xi32>
    %broadcast_in_dim3A_193 = vector.shape_cast %select_n3A_158 : vector<512x1xi32> to vector<512x1xi32>
    %broadcast_in_dim3A_194 = vector.broadcast %broadcast_in_dim3A_193 : vector<512x1xi32> to vector<512x2xi32>
    %broadcast_in_dim3A_195 = vector.shape_cast %select_n3A_189 : vector<512x1xi32> to vector<512x1xi32>
    %broadcast_in_dim3A_196 = vector.broadcast %broadcast_in_dim3A_195 : vector<512x1xi32> to vector<512x2xi32>
    %select_n3A_197 = arith.select %eq3A_192, %broadcast_in_dim3A_194, %broadcast_in_dim3A_196 : vector<512x2xi1>, vector<512x2xi32>
    %mul3A_198 = arith.constant 2 : i32
    %mul3A_199 = arith.muli %arg0, %mul3A_198 : i32
    %add3A_200 = arith.constant 0 : i32
    %add3A_201 = arith.addi %add3A_200, %mul3A_199 : i32
    %add3A_202 = arith.constant 0 : i32
    %add3A_203 = arith.addi %add3A_201, %add3A_202 : i32
    %mul3A_204 = arith.constant 512 : i32
    %mul3A_205 = arith.muli %add3A_203, %mul3A_204 : i32
    %add3A_206 = vector.broadcast %mul3A_205 : i32 to vector<512x2xi32>
    %add3A_207 = arith.addi %select_n3A_197, %add3A_206 : vector<512x2xi32>
    %swap3A_208 = arith.constant 0 : index
    %swap3A_209 = arith.constant 0 : index
    %swap3A_210 = arith.constant 0 : index
    %swap3A_211 = vector.load %arg9[%swap3A_208, %swap3A_209, %swap3A_210] : memref<2x512x2xi32, #tpu.memory_space<vmem>>, vector<1x512x2xi32>
    %swap3A_212 = vector.shape_cast %swap3A_211 : vector<1x512x2xi32> to vector<512x2xi32>
    %swap3A_213 = vector.shape_cast %add3A_207 : vector<512x2xi32> to vector<1x512x2xi32>
    tpu.vector_store %arg9[%swap3A_208, %swap3A_209, %swap3A_210], %swap3A_213 {strides = array<i32>} : memref<2x512x2xi32, #tpu.memory_space<vmem>>, vector<1x512x2xi32>,
    %get3A_214 = arith.constant 0 : index
    %get3A_215 = arith.constant 0 : index
    %get3A_216 = vector.load %arg3[%get3A_214, %get3A_215] : memref<512x256xf32, #tpu.memory_space<vmem>>, vector<512x128xf32>
    %slice3A_217 = vector.extract_strided_slice %broadcast_in_dim3A_6 {offsets = [0, 0], sizes = [1, 128], strides = [1, 1]} : vector<1x256xf32> to vector<1x128xf32>
    %slice3A_218 = vector.extract_strided_slice %get3A_216 {offsets = [0, 0], sizes = [511, 128], strides = [1, 1]} : vector<512x128xf32> to vector<511x128xf32>
    %concatenate3A_219 = tpu.concatenate %slice3A_217, %slice3A_218 in 0 : vector<1x128xf32>, vector<511x128xf32> -> vector<512x128xf32>
    %slice3A_220 = vector.extract_strided_slice %get3A_216 {offsets = [0, 0], sizes = [512, 64], strides = [1, 1]} : vector<512x128xf32> to vector<512x64xf32>
    %slice3A_221 = vector.extract_strided_slice %get3A_216 {offsets = [0, 64], sizes = [512, 64], strides = [1, 1]} : vector<512x128xf32> to vector<512x64xf32>
    %slice3A_222 = vector.extract_strided_slice %concatenate3A_219 {offsets = [0, 0], sizes = [512, 64], strides = [1, 1]} : vector<512x128xf32> to vector<512x64xf32>
    %slice3A_223 = vector.extract_strided_slice %concatenate3A_219 {offsets = [0, 64], sizes = [512, 64], strides = [1, 1]} : vector<512x128xf32> to vector<512x64xf32>
    %mul3A_224 = arith.mulf %get3A_59, %slice3A_220 : vector<512x64xf32>
    %reduce_sum3A_225 = arith.constant dense<0.000000e+00> : vector<512xf32>
    %reduce_sum3A_226 = vector.multi_reduction <add>, %mul3A_224, %reduce_sum3A_225 [1] : vector<512x64xf32> to vector<512xf32>
    %broadcast_in_dim3A_227 = vector.shape_cast %reduce_sum3A_226 : vector<512xf32> to vector<512x1xf32>
    %mul3A_228 = arith.constant 1.250000e-01 : f32
    %mul3A_229 = vector.broadcast %mul3A_228 : f32 to vector<512x1xf32>
    %mul3A_230 = arith.mulf %broadcast_in_dim3A_227, %mul3A_229 : vector<512x1xf32>
    %mul3A_231 = arith.mulf %get3A_59, %slice3A_222 : vector<512x64xf32>
    %reduce_sum3A_232 = arith.constant dense<0.000000e+00> : vector<512xf32>
    %reduce_sum3A_233 = vector.multi_reduction <add>, %mul3A_231, %reduce_sum3A_232 [1] : vector<512x64xf32> to vector<512xf32>
    %broadcast_in_dim3A_234 = vector.shape_cast %reduce_sum3A_233 : vector<512xf32> to vector<512x1xf32>
    %mul3A_235 = arith.constant 1.250000e-01 : f32
    %mul3A_236 = vector.broadcast %mul3A_235 : f32 to vector<512x1xf32>
    %mul3A_237 = arith.mulf %broadcast_in_dim3A_234, %mul3A_236 : vector<512x1xf32>
    %jit3A_238 = arith.constant -1.000000e+09 : f32
    %broadcast_in_dim3A_239 = vector.broadcast %jit3A_238 : f32 to vector<512x1xf32>
    %select_n3A_240 = arith.select %ge3A_53, %mul3A_237, %broadcast_in_dim3A_239 : vector<512x1xi1>, vector<512x1xf32>
    %max3A_241 = arith.maximumf %select_n3A_240, %mul3A_230 : vector<512x1xf32>
    %sub3A_242 = arith.subf %select_n3A_240, %max3A_241 : vector<512x1xf32>
    %exp3A_243 = math.exp %sub3A_242 : vector<512x1xf32>
    %jit3A_244 = arith.constant 0.000000e+00 : f32
    %broadcast_in_dim3A_245 = vector.broadcast %jit3A_244 : f32 to vector<512x1xf32>
    %select_n3A_246 = arith.select %ge3A_53, %exp3A_243, %broadcast_in_dim3A_245 : vector<512x1xi1>, vector<512x1xf32>
    %sub3A_247 = arith.subf %mul3A_230, %max3A_241 : vector<512x1xf32>
    %exp3A_248 = math.exp %sub3A_247 : vector<512x1xf32>
    %mul3A_249 = vector.broadcast %select_n3A_246 : vector<512x1xf32> to vector<512x64xf32>
    %mul3A_250 = arith.mulf %mul3A_249, %slice3A_223 : vector<512x64xf32>
    %mul3A_251 = vector.broadcast %exp3A_248 : vector<512x1xf32> to vector<512x64xf32>
    %mul3A_252 = arith.mulf %mul3A_251, %slice3A_221 : vector<512x64xf32>
    %add3A_253 = arith.addf %mul3A_250, %mul3A_252 : vector<512x64xf32>
    %add3A_254 = arith.addf %select_n3A_246, %exp3A_248 : vector<512x1xf32>
    %div3A_255 = vector.broadcast %add3A_254 : vector<512x1xf32> to vector<512x64xf32>
    %div3A_256 = arith.divf %add3A_253, %div3A_255 : vector<512x64xf32>
    %swap3A_257 = arith.constant 0 : index
    %swap3A_258 = arith.constant 0 : index
    %swap3A_259 = arith.constant 0 : index
    %swap3A_260 = vector.load %arg8[%swap3A_257, %swap3A_258, %swap3A_259] : memref<2x512x64xf32, #tpu.memory_space<vmem>>, vector<1x512x64xf32>
    %swap3A_261 = vector.shape_cast %swap3A_260 : vector<1x512x64xf32> to vector<512x64xf32>
    %swap3A_262 = vector.shape_cast %div3A_256 : vector<512x64xf32> to vector<1x512x64xf32>
    tpu.vector_store %arg8[%swap3A_257, %swap3A_258, %swap3A_259], %swap3A_262 {strides = array<i32>} : memref<2x512x64xf32, #tpu.memory_space<vmem>>, vector<1x512x64xf32>,
    %get3A_263 = arith.constant 0 : index
    %get3A_264 = arith.constant 64 : index
    %get3A_265 = vector.load %arg2[%get3A_263, %get3A_264] : memref<512x128xf32, #tpu.memory_space<vmem>>, vector<512x64xf32>
    %get3A_266 = arith.constant 1 : index
    %get3A_267 = arith.constant 0 : index
    %get3A_268 = arith.constant 0 : index
    %get3A_269 = vector.load %arg5[%get3A_266, %get3A_267, %get3A_268] : memref<2x1024x64xf32, #tpu.memory_space<vmem>>, vector<1x1024x64xf32>
    %get3A_270 = vector.shape_cast %get3A_269 : vector<1x1024x64xf32> to vector<1024x64xf32>
    %get3A_271 = arith.constant 1 : index
    %get3A_272 = arith.constant 0 : index
    %get3A_273 = arith.constant 0 : index
    %get3A_274 = vector.load %arg6[%get3A_271, %get3A_272, %get3A_273] : memref<2x1024x64xf32, #tpu.memory_space<vmem>>, vector<1x1024x64xf32>
    %get3A_275 = vector.shape_cast %get3A_274 : vector<1x1024x64xf32> to vector<1024x64xf32>
    %dot_general3A_276 = arith.constant dense<0.000000e+00> : vector<512x1024xf32>
    %dot_general3A_277 = tpu.matmul %get3A_265, %get3A_270, %dot_general3A_276 {dimension_numbers = #tpu.dot_dimension_numbers<[1], [1], [0], [0], [0, 0, 1, 0], [], []>, transpose_lhs_hint = false} : vector<512x64xf32>, vector<1024x64xf32>, vector<512x1024xf32> -> vector<512x1024xf32>
    %mul3A_278 = arith.constant 1.250000e-01 : f32
    %mul3A_279 = vector.broadcast %mul3A_278 : f32 to vector<512x1024xf32>
    %mul3A_280 = arith.mulf %dot_general3A_277, %mul3A_279 : vector<512x1024xf32>
    %jit3A_281 = arith.constant -1.000000e+09 : f32
    %broadcast_in_dim3A_282 = vector.broadcast %jit3A_281 : f32 to vector<512x1024xf32>
    %select_n3A_283 = arith.select %le3A, %mul3A_280, %broadcast_in_dim3A_282 : vector<512x1024xi1>, vector<512x1024xf32>
    %reduce_max3A_284 = arith.constant dense<0xFF800000> : vector<512xf32>
    %reduce_max3A_285 = vector.multi_reduction <maximumf>, %select_n3A_283, %reduce_max3A_284 [1] : vector<512x1024xf32> to vector<512xf32>
    %broadcast_in_dim3A_286 = vector.shape_cast %reduce_max3A_285 : vector<512xf32> to vector<512x1xf32>
    %sub3A_287 = vector.broadcast %broadcast_in_dim3A_286 : vector<512x1xf32> to vector<512x1024xf32>
    %sub3A_288 = arith.subf %select_n3A_283, %sub3A_287 : vector<512x1024xf32>
    %exp3A_289 = math.exp %sub3A_288 : vector<512x1024xf32>
    %reduce_sum3A_290 = arith.constant dense<0.000000e+00> : vector<512xf32>
    %reduce_sum3A_291 = vector.multi_reduction <add>, %exp3A_289, %reduce_sum3A_290 [1] : vector<512x1024xf32> to vector<512xf32>
    %broadcast_in_dim3A_292 = vector.shape_cast %reduce_sum3A_291 : vector<512xf32> to vector<512x1xf32>
    %dot_general3A_293 = arith.constant dense<0.000000e+00> : vector<512x64xf32>
    %dot_general3A_294 = tpu.matmul %exp3A_289, %get3A_275, %dot_general3A_293 {dimension_numbers = #tpu.dot_dimension_numbers<[1], [0], [0], [1], [0, 0, 1, 1], [], []>, transpose_lhs_hint = false} : vector<512x1024xf32>, vector<1024x64xf32>, vector<512x64xf32> -> vector<512x64xf32>
    %div3A_295 = vector.broadcast %broadcast_in_dim3A_292 : vector<512x1xf32> to vector<512x64xf32>
    %div3A_296 = arith.divf %dot_general3A_294, %div3A_295 : vector<512x64xf32>
    %jit3A_297 = arith.constant 0.000000e+00 : f32
    %broadcast_in_dim3A_298 = vector.shape_cast %ge3A_56 : vector<512x1xi1> to vector<512x1xi1>
    %broadcast_in_dim3A_299 = vector.broadcast %broadcast_in_dim3A_298 : vector<512x1xi1> to vector<512x64xi1>
    %broadcast_in_dim3A_300 = vector.broadcast %jit3A_297 : f32 to vector<512x64xf32>
    %select_n3A_301 = arith.select %broadcast_in_dim3A_299, %div3A_296, %broadcast_in_dim3A_300 : vector<512x64xi1>, vector<512x64xf32>
    %swap3A_302 = arith.constant 1 : index
    %swap3A_303 = arith.constant 0 : index
    %swap3A_304 = arith.constant 0 : index
    %swap3A_305 = vector.load %arg7[%swap3A_302, %swap3A_303, %swap3A_304] : memref<2x512x64xf32, #tpu.memory_space<vmem>>, vector<1x512x64xf32>
    %swap3A_306 = vector.shape_cast %swap3A_305 : vector<1x512x64xf32> to vector<512x64xf32>
    %swap3A_307 = vector.shape_cast %select_n3A_301 : vector<512x64xf32> to vector<1x512x64xf32>
    tpu.vector_store %arg7[%swap3A_302, %swap3A_303, %swap3A_304], %swap3A_307 {strides = array<i32>} : memref<2x512x64xf32, #tpu.memory_space<vmem>>, vector<1x512x64xf32>,
    %slice3A_308 = vector.extract_strided_slice %exp3A_289 {offsets = [0, 1], sizes = [512, 1023], strides = [1, 1]} : vector<512x1024xf32> to vector<512x1023xf32>
    %broadcast_in_dim3A_309 = arith.constant 0.000000e+00 : f32
    %broadcast_in_dim3A_310 = vector.broadcast %broadcast_in_dim3A_309 : f32 to vector<512x1xf32>
    %concatenate3A_311 = tpu.concatenate %slice3A_308, %broadcast_in_dim3A_310 in 1 : vector<512x1023xf32>, vector<512x1xf32> -> vector<512x1024xf32>
    %add3A_312 = arith.addf %exp3A_289, %concatenate3A_311 : vector<512x1024xf32>
    %jit3A_313 = arith.constant -1.000000e+00 : f32
    %broadcast_in_dim3A_314 = vector.broadcast %jit3A_313 : f32 to vector<512x1024xf32>
    %select_n3A_315 = arith.select %and3A_45, %add3A_312, %broadcast_in_dim3A_314 : vector<512x1024xi1>, vector<512x1024xf32>
    %reduce_max3A_316 = arith.constant dense<0xFF800000> : vector<512xf32>
    %reduce_max3A_317 = vector.multi_reduction <maximumf>, %select_n3A_315, %reduce_max3A_316 [1] : vector<512x1024xf32> to vector<512xf32>
    %broadcast_in_dim3A_318 = vector.shape_cast %reduce_max3A_317 : vector<512xf32> to vector<512x1xf32>
    %eq3A_319 = vector.broadcast %broadcast_in_dim3A_318 : vector<512x1xf32> to vector<512x1024xf32>
    %eq3A_320 = arith.cmpf oeq, %select_n3A_315, %eq3A_319 : vector<512x1024xf32>
    %jit3A_321 = arith.constant 4096 : i32
    %broadcast_in_dim3A_322 = vector.broadcast %jit3A_321 : i32 to vector<512x1024xi32>
    %select_n3A_323 = arith.select %eq3A_320, %iota3A_10, %broadcast_in_dim3A_322 : vector<512x1024xi1>, vector<512x1024xi32>
    %reduce_min3A_324 = arith.constant dense<2147483647> : vector<512xi32>
    %reduce_min3A_325 = vector.multi_reduction <minsi>, %select_n3A_323, %reduce_min3A_324 [1] : vector<512x1024xi32> to vector<512xi32>
    %broadcast_in_dim3A_326 = vector.shape_cast %reduce_min3A_325 : vector<512xi32> to vector<512x1xi32>
    %eq3A_327 = vector.broadcast %broadcast_in_dim3A_326 : vector<512x1xi32> to vector<512x1024xi32>
    %eq3A_328 = arith.cmpi eq, %iota3A_10, %eq3A_327 : vector<512x1024xi32>
    %jit3A_329 = arith.constant -1.000000e+00 : f32
    %broadcast_in_dim3A_330 = vector.broadcast %jit3A_329 : f32 to vector<512x1024xf32>
    %select_n3A_331 = arith.select %eq3A_328, %broadcast_in_dim3A_330, %select_n3A_315 : vector<512x1024xi1>, vector<512x1024xf32>
    %reduce_max3A_332 = arith.constant dense<0xFF800000> : vector<512xf32>
    %reduce_max3A_333 = vector.multi_reduction <maximumf>, %select_n3A_331, %reduce_max3A_332 [1] : vector<512x1024xf32> to vector<512xf32>
    %broadcast_in_dim3A_334 = vector.shape_cast %reduce_max3A_333 : vector<512xf32> to vector<512x1xf32>
    %eq3A_335 = vector.broadcast %broadcast_in_dim3A_334 : vector<512x1xf32> to vector<512x1024xf32>
    %eq3A_336 = arith.cmpf oeq, %select_n3A_331, %eq3A_335 : vector<512x1024xf32>
    %jit3A_337 = arith.constant 4096 : i32
    %broadcast_in_dim3A_338 = vector.broadcast %jit3A_337 : i32 to vector<512x1024xi32>
    %select_n3A_339 = arith.select %eq3A_336, %iota3A_10, %broadcast_in_dim3A_338 : vector<512x1024xi1>, vector<512x1024xi32>
    %reduce_min3A_340 = arith.constant dense<2147483647> : vector<512xi32>
    %reduce_min3A_341 = vector.multi_reduction <minsi>, %select_n3A_339, %reduce_min3A_340 [1] : vector<512x1024xi32> to vector<512xi32>
    %broadcast_in_dim3A_342 = vector.shape_cast %reduce_min3A_341 : vector<512xi32> to vector<512x1xi32>
    %jit3A_343 = arith.constant 2 : i32
    %div3A_344 = vector.broadcast %jit3A_343 : i32 to vector<512x1xi32>
    %div3A_345 = arith.divsi %broadcast_in_dim3A_326, %div3A_344 : vector<512x1xi32>
    %sign3A_346 = arith.constant 0 : i32
    %sign3A_347 = vector.broadcast %sign3A_346 : i32 to vector<512x1xi32>
    %sign3A_348 = arith.cmpi sgt, %broadcast_in_dim3A_326, %sign3A_347 : vector<512x1xi32>
    %sign3A_349 = arith.extui %sign3A_348 : vector<512x1xi1> to vector<512x1xi32>
    %sign3A_350 = arith.constant 0 : i32
    %sign3A_351 = vector.broadcast %sign3A_350 : i32 to vector<512x1xi32>
    %sign3A_352 = arith.cmpi slt, %broadcast_in_dim3A_326, %sign3A_351 : vector<512x1xi32>
    %sign3A_353 = arith.extui %sign3A_352 : vector<512x1xi1> to vector<512x1xi32>
    %sign3A_354 = arith.subi %sign3A_349, %sign3A_353 : vector<512x1xi32>
    %sign3A_355 = arith.constant 0 : i32
    %sign3A_356 = arith.cmpi sgt, %jit3A_343, %sign3A_355 : i32
    %sign3A_357 = arith.extui %sign3A_356 : i1 to i32
    %sign3A_358 = arith.constant 0 : i32
    %sign3A_359 = arith.cmpi slt, %jit3A_343, %sign3A_358 : i32
    %sign3A_360 = arith.extui %sign3A_359 : i1 to i32
    %sign3A_361 = arith.subi %sign3A_357, %sign3A_360 : i32
    %ne3A_362 = vector.broadcast %sign3A_361 : i32 to vector<512x1xi32>
    %ne3A_363 = arith.cmpi ne, %sign3A_354, %ne3A_362 : vector<512x1xi32>
    %rem3A_364 = vector.broadcast %jit3A_343 : i32 to vector<512x1xi32>
    %rem3A_365 = arith.remsi %broadcast_in_dim3A_326, %rem3A_364 : vector<512x1xi32>
    %ne3A_366 = arith.constant 0 : i32
    %ne3A_367 = vector.broadcast %ne3A_366 : i32 to vector<512x1xi32>
    %ne3A_368 = arith.cmpi ne, %rem3A_365, %ne3A_367 : vector<512x1xi32>
    %and3A_369 = arith.andi %ne3A_363, %ne3A_368 : vector<512x1xi1>
    %sub3A_370 = arith.constant 1 : i32
    %sub3A_371 = vector.broadcast %sub3A_370 : i32 to vector<512x1xi32>
    %sub3A_372 = arith.subi %div3A_345, %sub3A_371 : vector<512x1xi32>
    %select_n3A_373 = arith.select %and3A_369, %sub3A_372, %div3A_345 : vector<512x1xi1>, vector<512x1xi32>
    %jit3A_374 = arith.constant 2 : i32
    %div3A_375 = vector.broadcast %jit3A_374 : i32 to vector<512x1xi32>
    %div3A_376 = arith.divsi %broadcast_in_dim3A_342, %div3A_375 : vector<512x1xi32>
    %sign3A_377 = arith.constant 0 : i32
    %sign3A_378 = vector.broadcast %sign3A_377 : i32 to vector<512x1xi32>
    %sign3A_379 = arith.cmpi sgt, %broadcast_in_dim3A_342, %sign3A_378 : vector<512x1xi32>
    %sign3A_380 = arith.extui %sign3A_379 : vector<512x1xi1> to vector<512x1xi32>
    %sign3A_381 = arith.constant 0 : i32
    %sign3A_382 = vector.broadcast %sign3A_381 : i32 to vector<512x1xi32>
    %sign3A_383 = arith.cmpi slt, %broadcast_in_dim3A_342, %sign3A_382 : vector<512x1xi32>
    %sign3A_384 = arith.extui %sign3A_383 : vector<512x1xi1> to vector<512x1xi32>
    %sign3A_385 = arith.subi %sign3A_380, %sign3A_384 : vector<512x1xi32>
    %sign3A_386 = arith.constant 0 : i32
    %sign3A_387 = arith.cmpi sgt, %jit3A_374, %sign3A_386 : i32
    %sign3A_388 = arith.extui %sign3A_387 : i1 to i32
    %sign3A_389 = arith.constant 0 : i32
    %sign3A_390 = arith.cmpi slt, %jit3A_374, %sign3A_389 : i32
    %sign3A_391 = arith.extui %sign3A_390 : i1 to i32
    %sign3A_392 = arith.subi %sign3A_388, %sign3A_391 : i32
    %ne3A_393 = vector.broadcast %sign3A_392 : i32 to vector<512x1xi32>
    %ne3A_394 = arith.cmpi ne, %sign3A_385, %ne3A_393 : vector<512x1xi32>
    %rem3A_395 = vector.broadcast %jit3A_374 : i32 to vector<512x1xi32>
    %rem3A_396 = arith.remsi %broadcast_in_dim3A_342, %rem3A_395 : vector<512x1xi32>
    %ne3A_397 = arith.constant 0 : i32
    %ne3A_398 = vector.broadcast %ne3A_397 : i32 to vector<512x1xi32>
    %ne3A_399 = arith.cmpi ne, %rem3A_396, %ne3A_398 : vector<512x1xi32>
    %and3A_400 = arith.andi %ne3A_394, %ne3A_399 : vector<512x1xi1>
    %sub3A_401 = arith.constant 1 : i32
    %sub3A_402 = vector.broadcast %sub3A_401 : i32 to vector<512x1xi32>
    %sub3A_403 = arith.subi %div3A_376, %sub3A_402 : vector<512x1xi32>
    %select_n3A_404 = arith.select %and3A_400, %sub3A_403, %div3A_376 : vector<512x1xi1>, vector<512x1xi32>
    %eq3A_405 = arith.constant 0 : i32
    %eq3A_406 = vector.broadcast %eq3A_405 : i32 to vector<512x2xi32>
    %eq3A_407 = arith.cmpi eq, %iota3A_46, %eq3A_406 : vector<512x2xi32>
    %broadcast_in_dim3A_408 = vector.shape_cast %select_n3A_373 : vector<512x1xi32> to vector<512x1xi32>
    %broadcast_in_dim3A_409 = vector.broadcast %broadcast_in_dim3A_408 : vector<512x1xi32> to vector<512x2xi32>
    %broadcast_in_dim3A_410 = vector.shape_cast %select_n3A_404 : vector<512x1xi32> to vector<512x1xi32>
    %broadcast_in_dim3A_411 = vector.broadcast %broadcast_in_dim3A_410 : vector<512x1xi32> to vector<512x2xi32>
    %select_n3A_412 = arith.select %eq3A_407, %broadcast_in_dim3A_409, %broadcast_in_dim3A_411 : vector<512x2xi1>, vector<512x2xi32>
    %mul3A_413 = arith.constant 2 : i32
    %mul3A_414 = arith.muli %arg0, %mul3A_413 : i32
    %add3A_415 = arith.constant 0 : i32
    %add3A_416 = arith.addi %add3A_415, %mul3A_414 : i32
    %add3A_417 = arith.constant 1 : i32
    %add3A_418 = arith.addi %add3A_416, %add3A_417 : i32
    %mul3A_419 = arith.constant 512 : i32
    %mul3A_420 = arith.muli %add3A_418, %mul3A_419 : i32
    %add3A_421 = vector.broadcast %mul3A_420 : i32 to vector<512x2xi32>
    %add3A_422 = arith.addi %select_n3A_412, %add3A_421 : vector<512x2xi32>
    %swap3A_423 = arith.constant 1 : index
    %swap3A_424 = arith.constant 0 : index
    %swap3A_425 = arith.constant 0 : index
    %swap3A_426 = vector.load %arg9[%swap3A_423, %swap3A_424, %swap3A_425] : memref<2x512x2xi32, #tpu.memory_space<vmem>>, vector<1x512x2xi32>
    %swap3A_427 = vector.shape_cast %swap3A_426 : vector<1x512x2xi32> to vector<512x2xi32>
    %swap3A_428 = vector.shape_cast %add3A_422 : vector<512x2xi32> to vector<1x512x2xi32>
    tpu.vector_store %arg9[%swap3A_423, %swap3A_424, %swap3A_425], %swap3A_428 {strides = array<i32>} : memref<2x512x2xi32, #tpu.memory_space<vmem>>, vector<1x512x2xi32>,
    %get3A_429 = arith.constant 0 : index
    %get3A_430 = arith.constant 128 : index
    %get3A_431 = vector.load %arg3[%get3A_429, %get3A_430] : memref<512x256xf32, #tpu.memory_space<vmem>>, vector<512x128xf32>
    %slice3A_432 = vector.extract_strided_slice %broadcast_in_dim3A_6 {offsets = [0, 128], sizes = [1, 128], strides = [1, 1]} : vector<1x256xf32> to vector<1x128xf32>
    %slice3A_433 = vector.extract_strided_slice %get3A_431 {offsets = [0, 0], sizes = [511, 128], strides = [1, 1]} : vector<512x128xf32> to vector<511x128xf32>
    %concatenate3A_434 = tpu.concatenate %slice3A_432, %slice3A_433 in 0 : vector<1x128xf32>, vector<511x128xf32> -> vector<512x128xf32>
    %slice3A_435 = vector.extract_strided_slice %get3A_431 {offsets = [0, 0], sizes = [512, 64], strides = [1, 1]} : vector<512x128xf32> to vector<512x64xf32>
    %slice3A_436 = vector.extract_strided_slice %get3A_431 {offsets = [0, 64], sizes = [512, 64], strides = [1, 1]} : vector<512x128xf32> to vector<512x64xf32>
    %slice3A_437 = vector.extract_strided_slice %concatenate3A_434 {offsets = [0, 0], sizes = [512, 64], strides = [1, 1]} : vector<512x128xf32> to vector<512x64xf32>
    %slice3A_438 = vector.extract_strided_slice %concatenate3A_434 {offsets = [0, 64], sizes = [512, 64], strides = [1, 1]} : vector<512x128xf32> to vector<512x64xf32>
    %mul3A_439 = arith.mulf %get3A_265, %slice3A_435 : vector<512x64xf32>
    %reduce_sum3A_440 = arith.constant dense<0.000000e+00> : vector<512xf32>
    %reduce_sum3A_441 = vector.multi_reduction <add>, %mul3A_439, %reduce_sum3A_440 [1] : vector<512x64xf32> to vector<512xf32>
    %broadcast_in_dim3A_442 = vector.shape_cast %reduce_sum3A_441 : vector<512xf32> to vector<512x1xf32>
    %mul3A_443 = arith.constant 1.250000e-01 : f32
    %mul3A_444 = vector.broadcast %mul3A_443 : f32 to vector<512x1xf32>
    %mul3A_445 = arith.mulf %broadcast_in_dim3A_442, %mul3A_444 : vector<512x1xf32>
    %mul3A_446 = arith.mulf %get3A_265, %slice3A_437 : vector<512x64xf32>
    %reduce_sum3A_447 = arith.constant dense<0.000000e+00> : vector<512xf32>
    %reduce_sum3A_448 = vector.multi_reduction <add>, %mul3A_446, %reduce_sum3A_447 [1] : vector<512x64xf32> to vector<512xf32>
    %broadcast_in_dim3A_449 = vector.shape_cast %reduce_sum3A_448 : vector<512xf32> to vector<512x1xf32>
    %mul3A_450 = arith.constant 1.250000e-01 : f32
    %mul3A_451 = vector.broadcast %mul3A_450 : f32 to vector<512x1xf32>
    %mul3A_452 = arith.mulf %broadcast_in_dim3A_449, %mul3A_451 : vector<512x1xf32>
    %jit3A_453 = arith.constant -1.000000e+09 : f32
    %broadcast_in_dim3A_454 = vector.broadcast %jit3A_453 : f32 to vector<512x1xf32>
    %select_n3A_455 = arith.select %ge3A_53, %mul3A_452, %broadcast_in_dim3A_454 : vector<512x1xi1>, vector<512x1xf32>
    %max3A_456 = arith.maximumf %select_n3A_455, %mul3A_445 : vector<512x1xf32>
    %sub3A_457 = arith.subf %select_n3A_455, %max3A_456 : vector<512x1xf32>
    %exp3A_458 = math.exp %sub3A_457 : vector<512x1xf32>
    %jit3A_459 = arith.constant 0.000000e+00 : f32
    %broadcast_in_dim3A_460 = vector.broadcast %jit3A_459 : f32 to vector<512x1xf32>
    %select_n3A_461 = arith.select %ge3A_53, %exp3A_458, %broadcast_in_dim3A_460 : vector<512x1xi1>, vector<512x1xf32>
    %sub3A_462 = arith.subf %mul3A_445, %max3A_456 : vector<512x1xf32>
    %exp3A_463 = math.exp %sub3A_462 : vector<512x1xf32>
    %mul3A_464 = vector.broadcast %select_n3A_461 : vector<512x1xf32> to vector<512x64xf32>
    %mul3A_465 = arith.mulf %mul3A_464, %slice3A_438 : vector<512x64xf32>
    %mul3A_466 = vector.broadcast %exp3A_463 : vector<512x1xf32> to vector<512x64xf32>
    %mul3A_467 = arith.mulf %mul3A_466, %slice3A_436 : vector<512x64xf32>
    %add3A_468 = arith.addf %mul3A_465, %mul3A_467 : vector<512x64xf32>
    %add3A_469 = arith.addf %select_n3A_461, %exp3A_463 : vector<512x1xf32>
    %div3A_470 = vector.broadcast %add3A_469 : vector<512x1xf32> to vector<512x64xf32>
    %div3A_471 = arith.divf %add3A_468, %div3A_470 : vector<512x64xf32>
    %swap3A_472 = arith.constant 1 : index
    %swap3A_473 = arith.constant 0 : index
    %swap3A_474 = arith.constant 0 : index
    %swap3A_475 = vector.load %arg8[%swap3A_472, %swap3A_473, %swap3A_474] : memref<2x512x64xf32, #tpu.memory_space<vmem>>, vector<1x512x64xf32>
    %swap3A_476 = vector.shape_cast %swap3A_475 : vector<1x512x64xf32> to vector<512x64xf32>
    %swap3A_477 = vector.shape_cast %div3A_471 : vector<512x64xf32> to vector<1x512x64xf32>
    tpu.vector_store %arg8[%swap3A_472, %swap3A_473, %swap3A_474], %swap3A_477 {strides = array<i32>} : memref<2x512x64xf32, #tpu.memory_space<vmem>>, vector<1x512x64xf32>,
    return
  }
  func.func @transform_0(%arg0: i32, %arg1: i32) -> (i32, i32) {
    %add3A = arith.constant 0 : i32
    %add3A_0 = arith.addi %add3A, %arg0 : i32
    %c0_i32 = arith.constant 0 : i32
    return %arg1, %add3A_0 : i32, i32
  }
  func.func @transform_1(%arg0: i32, %arg1: i32) -> (i32, i32) {
    %add3A = arith.constant 0 : i32
    %add3A_0 = arith.addi %add3A, %arg0 : i32
    %c0_i32 = arith.constant 0 : i32
    return %arg1, %add3A_0 : i32, i32
  }
  func.func @transform_2(%arg0: i32, %arg1: i32) -> (i32, i32) {
    %add3A = arith.constant 0 : i32
    %add3A_0 = arith.addi %add3A, %arg0 : i32
    %c0_i32 = arith.constant 0 : i32
    %c0_i32_1 = arith.constant 0 : i32
    return %c0_i32, %add3A_0 : i32, i32
  }
  func.func @transform_3(%arg0: i32, %arg1: i32) -> (i32, i32, i32) {
    %add3A = arith.constant 0 : i32
    %add3A_0 = arith.addi %add3A, %arg0 : i32
    %c0_i32 = arith.constant 0 : i32
    %c0_i32_1 = arith.constant 0 : i32
    %c0_i32_2 = arith.constant 0 : i32
    return %add3A_0, %c0_i32, %c0_i32_1 : i32, i32, i32
  }
  func.func @transform_4(%arg0: i32, %arg1: i32) -> (i32, i32, i32) {
    %add3A = arith.constant 0 : i32
    %add3A_0 = arith.addi %add3A, %arg0 : i32
    %c0_i32 = arith.constant 0 : i32
    %c0_i32_1 = arith.constant 0 : i32
    %c0_i32_2 = arith.constant 0 : i32
    return %add3A_0, %c0_i32, %c0_i32_1 : i32, i32, i32
  }
  func.func @transform_5(%arg0: i32, %arg1: i32) -> (i32, i32, i32) {
    %c0_i32 = arith.constant 0 : i32
    %c0_i32_0 = arith.constant 0 : i32
    return %arg0, %arg1, %c0_i32 : i32, i32, i32
  }
  func.func @transform_6(%arg0: i32, %arg1: i32) -> (i32, i32, i32) {
    %c0_i32 = arith.constant 0 : i32
    %c0_i32_0 = arith.constant 0 : i32
    return %arg0, %arg1, %c0_i32 : i32, i32, i32
  }
  func.func @transform_7(%arg0: i32, %arg1: i32) -> (i32, i32, i32) {
    %c0_i32 = arith.constant 0 : i32
    %c0_i32_0 = arith.constant 0 : i32
    return %arg0, %arg1, %c0_i32 : i32, i32, i32
  }
}

module attributes {stable_mosaic.version = 14 : i64} {
  func.func @_s35_body(%arg0: i32, %arg1: i32, %arg2: memref<512x128xf32, #tpu.memory_space<vmem>>, %arg3: memref<2x512x2xi32, #tpu.memory_space<vmem>>, %arg4: memref<2x2x512x512xf32, #tpu.memory_space<vmem>>, %arg5: memref<2x512x64xf32, #tpu.memory_space<vmem>>) attributes {dimension_semantics = [#tpu.dimension_semantics<arbitrary>, #tpu.dimension_semantics<arbitrary>], iteration_bounds = array<i64: 4, 4>, scalar_prefetch = 0 : i64, scratch_operands = 0 : i64, tpu.core_type = #tpu.core_type<tc>, window_params = [{transform_indices = @transform_0, window_bounds = array<i64: 512, 128>}, {transform_indices = @transform_1, window_bounds = array<i64: 2, 512, 2>}, {transform_indices = @transform_2, window_bounds = array<i64: 2, 2, 512, 512>}, {transform_indices = @transform_3, window_bounds = array<i64: 2, 512, 64>}]} {
    %mul3A = arith.constant 512 : i32
    %mul3A_0 = arith.muli %arg1, %mul3A : i32
    %iota3A = tpu.iota {dimensions = array<i32: 0>} : vector<512x1xi32>
    %add3A = vector.broadcast %mul3A_0 : i32 to vector<512x1xi32>
    %add3A_1 = arith.addi %add3A, %iota3A : vector<512x1xi32>
    %broadcast_in_dim3A = arith.constant 0.000000e+00 : f32
    %broadcast_in_dim3A_2 = vector.broadcast %broadcast_in_dim3A : f32 to vector<512x64xf32>
    %get3A = arith.constant 0 : index
    %get3A_3 = arith.constant 0 : index
    %get3A_4 = vector.load %arg2[%get3A, %get3A_3] : memref<512x128xf32, #tpu.memory_space<vmem>>, vector<512x64xf32>
    %concatenate3A = tpu.concatenate %get3A_4, %broadcast_in_dim3A_2 in 1 : vector<512x64xf32>, vector<512x64xf32> -> vector<512x128xf32>
    %get3A_5 = arith.constant 0 : index
    %get3A_6 = arith.constant 0 : index
    %get3A_7 = arith.constant 0 : index
    %get3A_8 = vector.load %arg3[%get3A_5, %get3A_6, %get3A_7] : memref<2x512x2xi32, #tpu.memory_space<vmem>>, vector<1x512x2xi32>
    %get3A_9 = vector.shape_cast %get3A_8 : vector<1x512x2xi32> to vector<512x2xi32>
    %mul3A_10 = arith.constant 2 : i32
    %mul3A_11 = arith.muli %arg0, %mul3A_10 : i32
    %add3A_12 = arith.constant 8 : i32
    %add3A_13 = arith.addi %add3A_12, %mul3A_11 : i32
    %add3A_14 = arith.constant 0 : i32
    %add3A_15 = arith.addi %add3A_13, %add3A_14 : i32
    %mul3A_16 = arith.constant 512 : i32
    %mul3A_17 = arith.muli %add3A_15, %mul3A_16 : i32
    %sub3A = vector.broadcast %mul3A_17 : i32 to vector<512x2xi32>
    %sub3A_18 = arith.subi %get3A_9, %sub3A : vector<512x2xi32>
    %slice3A = vector.extract_strided_slice %sub3A_18 {offsets = [0, 0], sizes = [512, 1], strides = [1, 1]} : vector<512x2xi32> to vector<512x1xi32>
    %get3A_19 = arith.constant 0 : index
    %get3A_20 = arith.constant 0 : index
    %get3A_21 = arith.constant 0 : index
    %get3A_22 = arith.constant 0 : index
    %get3A_23 = vector.load %arg4[%get3A_19, %get3A_20, %get3A_21, %get3A_22] : memref<2x2x512x512xf32, #tpu.memory_space<vmem>>, vector<1x1x512x128xf32>
    %get3A_24 = vector.shape_cast %get3A_23 : vector<1x1x512x128xf32> to vector<512x128xf32>
    %mul3A_25 = arith.mulf %concatenate3A, %get3A_24 : vector<512x128xf32>
    %reduce_sum3A = arith.constant dense<0.000000e+00> : vector<512xf32>
    %reduce_sum3A_26 = vector.multi_reduction <add>, %mul3A_25, %reduce_sum3A [1] : vector<512x128xf32> to vector<512xf32>
    %broadcast_in_dim3A_27 = vector.shape_cast %reduce_sum3A_26 : vector<512xf32> to vector<512x1xf32>
    %mul3A_28 = arith.constant 1.250000e-01 : f32
    %mul3A_29 = vector.broadcast %mul3A_28 : f32 to vector<512x1xf32>
    %mul3A_30 = arith.mulf %broadcast_in_dim3A_27, %mul3A_29 : vector<512x1xf32>
    %mul3A_31 = arith.constant 4 : i32
    %mul3A_32 = vector.broadcast %mul3A_31 : i32 to vector<512x1xi32>
    %mul3A_33 = arith.muli %slice3A, %mul3A_32 : vector<512x1xi32>
    %add3A_34 = arith.constant 0 : i32
    %add3A_35 = vector.broadcast %add3A_34 : i32 to vector<512x1xi32>
    %add3A_36 = arith.addi %mul3A_33, %add3A_35 : vector<512x1xi32>
    %le3A = arith.cmpi sle, %add3A_36, %add3A_1 : vector<512x1xi32>
    %jit3A = arith.constant -1.000000e+09 : f32
    %broadcast_in_dim3A_37 = vector.broadcast %jit3A : f32 to vector<512x1xf32>
    %select_n3A = arith.select %le3A, %mul3A_30, %broadcast_in_dim3A_37 : vector<512x1xi1>, vector<512x1xf32>
    %get3A_38 = arith.constant 0 : index
    %get3A_39 = arith.constant 0 : index
    %get3A_40 = arith.constant 0 : index
    %get3A_41 = arith.constant 128 : index
    %get3A_42 = vector.load %arg4[%get3A_38, %get3A_39, %get3A_40, %get3A_41] : memref<2x2x512x512xf32, #tpu.memory_space<vmem>>, vector<1x1x512x128xf32>
    %get3A_43 = vector.shape_cast %get3A_42 : vector<1x1x512x128xf32> to vector<512x128xf32>
    %mul3A_44 = arith.mulf %concatenate3A, %get3A_43 : vector<512x128xf32>
    %reduce_sum3A_45 = arith.constant dense<0.000000e+00> : vector<512xf32>
    %reduce_sum3A_46 = vector.multi_reduction <add>, %mul3A_44, %reduce_sum3A_45 [1] : vector<512x128xf32> to vector<512xf32>
    %broadcast_in_dim3A_47 = vector.shape_cast %reduce_sum3A_46 : vector<512xf32> to vector<512x1xf32>
    %mul3A_48 = arith.constant 1.250000e-01 : f32
    %mul3A_49 = vector.broadcast %mul3A_48 : f32 to vector<512x1xf32>
    %mul3A_50 = arith.mulf %broadcast_in_dim3A_47, %mul3A_49 : vector<512x1xf32>
    %mul3A_51 = arith.constant 4 : i32
    %mul3A_52 = vector.broadcast %mul3A_51 : i32 to vector<512x1xi32>
    %mul3A_53 = arith.muli %slice3A, %mul3A_52 : vector<512x1xi32>
    %add3A_54 = arith.constant 1 : i32
    %add3A_55 = vector.broadcast %add3A_54 : i32 to vector<512x1xi32>
    %add3A_56 = arith.addi %mul3A_53, %add3A_55 : vector<512x1xi32>
    %le3A_57 = arith.cmpi sle, %add3A_56, %add3A_1 : vector<512x1xi32>
    %jit3A_58 = arith.constant -1.000000e+09 : f32
    %broadcast_in_dim3A_59 = vector.broadcast %jit3A_58 : f32 to vector<512x1xf32>
    %select_n3A_60 = arith.select %le3A_57, %mul3A_50, %broadcast_in_dim3A_59 : vector<512x1xi1>, vector<512x1xf32>
    %get3A_61 = arith.constant 0 : index
    %get3A_62 = arith.constant 0 : index
    %get3A_63 = arith.constant 0 : index
    %get3A_64 = arith.constant 256 : index
    %get3A_65 = vector.load %arg4[%get3A_61, %get3A_62, %get3A_63, %get3A_64] : memref<2x2x512x512xf32, #tpu.memory_space<vmem>>, vector<1x1x512x128xf32>
    %get3A_66 = vector.shape_cast %get3A_65 : vector<1x1x512x128xf32> to vector<512x128xf32>
    %mul3A_67 = arith.mulf %concatenate3A, %get3A_66 : vector<512x128xf32>
    %reduce_sum3A_68 = arith.constant dense<0.000000e+00> : vector<512xf32>
    %reduce_sum3A_69 = vector.multi_reduction <add>, %mul3A_67, %reduce_sum3A_68 [1] : vector<512x128xf32> to vector<512xf32>
    %broadcast_in_dim3A_70 = vector.shape_cast %reduce_sum3A_69 : vector<512xf32> to vector<512x1xf32>
    %mul3A_71 = arith.constant 1.250000e-01 : f32
    %mul3A_72 = vector.broadcast %mul3A_71 : f32 to vector<512x1xf32>
    %mul3A_73 = arith.mulf %broadcast_in_dim3A_70, %mul3A_72 : vector<512x1xf32>
    %mul3A_74 = arith.constant 4 : i32
    %mul3A_75 = vector.broadcast %mul3A_74 : i32 to vector<512x1xi32>
    %mul3A_76 = arith.muli %slice3A, %mul3A_75 : vector<512x1xi32>
    %add3A_77 = arith.constant 2 : i32
    %add3A_78 = vector.broadcast %add3A_77 : i32 to vector<512x1xi32>
    %add3A_79 = arith.addi %mul3A_76, %add3A_78 : vector<512x1xi32>
    %le3A_80 = arith.cmpi sle, %add3A_79, %add3A_1 : vector<512x1xi32>
    %jit3A_81 = arith.constant -1.000000e+09 : f32
    %broadcast_in_dim3A_82 = vector.broadcast %jit3A_81 : f32 to vector<512x1xf32>
    %select_n3A_83 = arith.select %le3A_80, %mul3A_73, %broadcast_in_dim3A_82 : vector<512x1xi1>, vector<512x1xf32>
    %get3A_84 = arith.constant 0 : index
    %get3A_85 = arith.constant 0 : index
    %get3A_86 = arith.constant 0 : index
    %get3A_87 = arith.constant 384 : index
    %get3A_88 = vector.load %arg4[%get3A_84, %get3A_85, %get3A_86, %get3A_87] : memref<2x2x512x512xf32, #tpu.memory_space<vmem>>, vector<1x1x512x128xf32>
    %get3A_89 = vector.shape_cast %get3A_88 : vector<1x1x512x128xf32> to vector<512x128xf32>
    %mul3A_90 = arith.mulf %concatenate3A, %get3A_89 : vector<512x128xf32>
    %reduce_sum3A_91 = arith.constant dense<0.000000e+00> : vector<512xf32>
    %reduce_sum3A_92 = vector.multi_reduction <add>, %mul3A_90, %reduce_sum3A_91 [1] : vector<512x128xf32> to vector<512xf32>
    %broadcast_in_dim3A_93 = vector.shape_cast %reduce_sum3A_92 : vector<512xf32> to vector<512x1xf32>
    %mul3A_94 = arith.constant 1.250000e-01 : f32
    %mul3A_95 = vector.broadcast %mul3A_94 : f32 to vector<512x1xf32>
    %mul3A_96 = arith.mulf %broadcast_in_dim3A_93, %mul3A_95 : vector<512x1xf32>
    %mul3A_97 = arith.constant 4 : i32
    %mul3A_98 = vector.broadcast %mul3A_97 : i32 to vector<512x1xi32>
    %mul3A_99 = arith.muli %slice3A, %mul3A_98 : vector<512x1xi32>
    %add3A_100 = arith.constant 3 : i32
    %add3A_101 = vector.broadcast %add3A_100 : i32 to vector<512x1xi32>
    %add3A_102 = arith.addi %mul3A_99, %add3A_101 : vector<512x1xi32>
    %le3A_103 = arith.cmpi sle, %add3A_102, %add3A_1 : vector<512x1xi32>
    %jit3A_104 = arith.constant -1.000000e+09 : f32
    %broadcast_in_dim3A_105 = vector.broadcast %jit3A_104 : f32 to vector<512x1xf32>
    %select_n3A_106 = arith.select %le3A_103, %mul3A_96, %broadcast_in_dim3A_105 : vector<512x1xi1>, vector<512x1xf32>
    %slice3A_107 = vector.extract_strided_slice %sub3A_18 {offsets = [0, 1], sizes = [512, 1], strides = [1, 1]} : vector<512x2xi32> to vector<512x1xi32>
    %get3A_108 = arith.constant 0 : index
    %get3A_109 = arith.constant 1 : index
    %get3A_110 = arith.constant 0 : index
    %get3A_111 = arith.constant 0 : index
    %get3A_112 = vector.load %arg4[%get3A_108, %get3A_109, %get3A_110, %get3A_111] : memref<2x2x512x512xf32, #tpu.memory_space<vmem>>, vector<1x1x512x128xf32>
    %get3A_113 = vector.shape_cast %get3A_112 : vector<1x1x512x128xf32> to vector<512x128xf32>
    %mul3A_114 = arith.mulf %concatenate3A, %get3A_113 : vector<512x128xf32>
    %reduce_sum3A_115 = arith.constant dense<0.000000e+00> : vector<512xf32>
    %reduce_sum3A_116 = vector.multi_reduction <add>, %mul3A_114, %reduce_sum3A_115 [1] : vector<512x128xf32> to vector<512xf32>
    %broadcast_in_dim3A_117 = vector.shape_cast %reduce_sum3A_116 : vector<512xf32> to vector<512x1xf32>
    %mul3A_118 = arith.constant 1.250000e-01 : f32
    %mul3A_119 = vector.broadcast %mul3A_118 : f32 to vector<512x1xf32>
    %mul3A_120 = arith.mulf %broadcast_in_dim3A_117, %mul3A_119 : vector<512x1xf32>
    %mul3A_121 = arith.constant 4 : i32
    %mul3A_122 = vector.broadcast %mul3A_121 : i32 to vector<512x1xi32>
    %mul3A_123 = arith.muli %slice3A_107, %mul3A_122 : vector<512x1xi32>
    %add3A_124 = arith.constant 0 : i32
    %add3A_125 = vector.broadcast %add3A_124 : i32 to vector<512x1xi32>
    %add3A_126 = arith.addi %mul3A_123, %add3A_125 : vector<512x1xi32>
    %le3A_127 = arith.cmpi sle, %add3A_126, %add3A_1 : vector<512x1xi32>
    %jit3A_128 = arith.constant -1.000000e+09 : f32
    %broadcast_in_dim3A_129 = vector.broadcast %jit3A_128 : f32 to vector<512x1xf32>
    %select_n3A_130 = arith.select %le3A_127, %mul3A_120, %broadcast_in_dim3A_129 : vector<512x1xi1>, vector<512x1xf32>
    %get3A_131 = arith.constant 0 : index
    %get3A_132 = arith.constant 1 : index
    %get3A_133 = arith.constant 0 : index
    %get3A_134 = arith.constant 128 : index
    %get3A_135 = vector.load %arg4[%get3A_131, %get3A_132, %get3A_133, %get3A_134] : memref<2x2x512x512xf32, #tpu.memory_space<vmem>>, vector<1x1x512x128xf32>
    %get3A_136 = vector.shape_cast %get3A_135 : vector<1x1x512x128xf32> to vector<512x128xf32>
    %mul3A_137 = arith.mulf %concatenate3A, %get3A_136 : vector<512x128xf32>
    %reduce_sum3A_138 = arith.constant dense<0.000000e+00> : vector<512xf32>
    %reduce_sum3A_139 = vector.multi_reduction <add>, %mul3A_137, %reduce_sum3A_138 [1] : vector<512x128xf32> to vector<512xf32>
    %broadcast_in_dim3A_140 = vector.shape_cast %reduce_sum3A_139 : vector<512xf32> to vector<512x1xf32>
    %mul3A_141 = arith.constant 1.250000e-01 : f32
    %mul3A_142 = vector.broadcast %mul3A_141 : f32 to vector<512x1xf32>
    %mul3A_143 = arith.mulf %broadcast_in_dim3A_140, %mul3A_142 : vector<512x1xf32>
    %mul3A_144 = arith.constant 4 : i32
    %mul3A_145 = vector.broadcast %mul3A_144 : i32 to vector<512x1xi32>
    %mul3A_146 = arith.muli %slice3A_107, %mul3A_145 : vector<512x1xi32>
    %add3A_147 = arith.constant 1 : i32
    %add3A_148 = vector.broadcast %add3A_147 : i32 to vector<512x1xi32>
    %add3A_149 = arith.addi %mul3A_146, %add3A_148 : vector<512x1xi32>
    %le3A_150 = arith.cmpi sle, %add3A_149, %add3A_1 : vector<512x1xi32>
    %jit3A_151 = arith.constant -1.000000e+09 : f32
    %broadcast_in_dim3A_152 = vector.broadcast %jit3A_151 : f32 to vector<512x1xf32>
    %select_n3A_153 = arith.select %le3A_150, %mul3A_143, %broadcast_in_dim3A_152 : vector<512x1xi1>, vector<512x1xf32>
    %get3A_154 = arith.constant 0 : index
    %get3A_155 = arith.constant 1 : index
    %get3A_156 = arith.constant 0 : index
    %get3A_157 = arith.constant 256 : index
    %get3A_158 = vector.load %arg4[%get3A_154, %get3A_155, %get3A_156, %get3A_157] : memref<2x2x512x512xf32, #tpu.memory_space<vmem>>, vector<1x1x512x128xf32>
    %get3A_159 = vector.shape_cast %get3A_158 : vector<1x1x512x128xf32> to vector<512x128xf32>
    %mul3A_160 = arith.mulf %concatenate3A, %get3A_159 : vector<512x128xf32>
    %reduce_sum3A_161 = arith.constant dense<0.000000e+00> : vector<512xf32>
    %reduce_sum3A_162 = vector.multi_reduction <add>, %mul3A_160, %reduce_sum3A_161 [1] : vector<512x128xf32> to vector<512xf32>
    %broadcast_in_dim3A_163 = vector.shape_cast %reduce_sum3A_162 : vector<512xf32> to vector<512x1xf32>
    %mul3A_164 = arith.constant 1.250000e-01 : f32
    %mul3A_165 = vector.broadcast %mul3A_164 : f32 to vector<512x1xf32>
    %mul3A_166 = arith.mulf %broadcast_in_dim3A_163, %mul3A_165 : vector<512x1xf32>
    %mul3A_167 = arith.constant 4 : i32
    %mul3A_168 = vector.broadcast %mul3A_167 : i32 to vector<512x1xi32>
    %mul3A_169 = arith.muli %slice3A_107, %mul3A_168 : vector<512x1xi32>
    %add3A_170 = arith.constant 2 : i32
    %add3A_171 = vector.broadcast %add3A_170 : i32 to vector<512x1xi32>
    %add3A_172 = arith.addi %mul3A_169, %add3A_171 : vector<512x1xi32>
    %le3A_173 = arith.cmpi sle, %add3A_172, %add3A_1 : vector<512x1xi32>
    %jit3A_174 = arith.constant -1.000000e+09 : f32
    %broadcast_in_dim3A_175 = vector.broadcast %jit3A_174 : f32 to vector<512x1xf32>
    %select_n3A_176 = arith.select %le3A_173, %mul3A_166, %broadcast_in_dim3A_175 : vector<512x1xi1>, vector<512x1xf32>
    %get3A_177 = arith.constant 0 : index
    %get3A_178 = arith.constant 1 : index
    %get3A_179 = arith.constant 0 : index
    %get3A_180 = arith.constant 384 : index
    %get3A_181 = vector.load %arg4[%get3A_177, %get3A_178, %get3A_179, %get3A_180] : memref<2x2x512x512xf32, #tpu.memory_space<vmem>>, vector<1x1x512x128xf32>
    %get3A_182 = vector.shape_cast %get3A_181 : vector<1x1x512x128xf32> to vector<512x128xf32>
    %mul3A_183 = arith.mulf %concatenate3A, %get3A_182 : vector<512x128xf32>
    %reduce_sum3A_184 = arith.constant dense<0.000000e+00> : vector<512xf32>
    %reduce_sum3A_185 = vector.multi_reduction <add>, %mul3A_183, %reduce_sum3A_184 [1] : vector<512x128xf32> to vector<512xf32>
    %broadcast_in_dim3A_186 = vector.shape_cast %reduce_sum3A_185 : vector<512xf32> to vector<512x1xf32>
    %mul3A_187 = arith.constant 1.250000e-01 : f32
    %mul3A_188 = vector.broadcast %mul3A_187 : f32 to vector<512x1xf32>
    %mul3A_189 = arith.mulf %broadcast_in_dim3A_186, %mul3A_188 : vector<512x1xf32>
    %mul3A_190 = arith.constant 4 : i32
    %mul3A_191 = vector.broadcast %mul3A_190 : i32 to vector<512x1xi32>
    %mul3A_192 = arith.muli %slice3A_107, %mul3A_191 : vector<512x1xi32>
    %add3A_193 = arith.constant 3 : i32
    %add3A_194 = vector.broadcast %add3A_193 : i32 to vector<512x1xi32>
    %add3A_195 = arith.addi %mul3A_192, %add3A_194 : vector<512x1xi32>
    %le3A_196 = arith.cmpi sle, %add3A_195, %add3A_1 : vector<512x1xi32>
    %jit3A_197 = arith.constant -1.000000e+09 : f32
    %broadcast_in_dim3A_198 = vector.broadcast %jit3A_197 : f32 to vector<512x1xf32>
    %select_n3A_199 = arith.select %le3A_196, %mul3A_189, %broadcast_in_dim3A_198 : vector<512x1xi1>, vector<512x1xf32>
    %max3A = arith.maximumf %select_n3A, %select_n3A_60 : vector<512x1xf32>
    %max3A_200 = arith.maximumf %max3A, %select_n3A_83 : vector<512x1xf32>
    %max3A_201 = arith.maximumf %max3A_200, %select_n3A_106 : vector<512x1xf32>
    %max3A_202 = arith.maximumf %max3A_201, %select_n3A_130 : vector<512x1xf32>
    %max3A_203 = arith.maximumf %max3A_202, %select_n3A_153 : vector<512x1xf32>
    %max3A_204 = arith.maximumf %max3A_203, %select_n3A_176 : vector<512x1xf32>
    %max3A_205 = arith.maximumf %max3A_204, %select_n3A_199 : vector<512x1xf32>
    %sub3A_206 = arith.subf %select_n3A, %max3A_205 : vector<512x1xf32>
    %exp3A = math.exp %sub3A_206 : vector<512x1xf32>
    %sub3A_207 = arith.subf %select_n3A_60, %max3A_205 : vector<512x1xf32>
    %exp3A_208 = math.exp %sub3A_207 : vector<512x1xf32>
    %sub3A_209 = arith.subf %select_n3A_83, %max3A_205 : vector<512x1xf32>
    %exp3A_210 = math.exp %sub3A_209 : vector<512x1xf32>
    %sub3A_211 = arith.subf %select_n3A_106, %max3A_205 : vector<512x1xf32>
    %exp3A_212 = math.exp %sub3A_211 : vector<512x1xf32>
    %sub3A_213 = arith.subf %select_n3A_130, %max3A_205 : vector<512x1xf32>
    %exp3A_214 = math.exp %sub3A_213 : vector<512x1xf32>
    %sub3A_215 = arith.subf %select_n3A_153, %max3A_205 : vector<512x1xf32>
    %exp3A_216 = math.exp %sub3A_215 : vector<512x1xf32>
    %sub3A_217 = arith.subf %select_n3A_176, %max3A_205 : vector<512x1xf32>
    %exp3A_218 = math.exp %sub3A_217 : vector<512x1xf32>
    %sub3A_219 = arith.subf %select_n3A_199, %max3A_205 : vector<512x1xf32>
    %exp3A_220 = math.exp %sub3A_219 : vector<512x1xf32>
    %add3A_221 = arith.addf %exp3A, %exp3A_208 : vector<512x1xf32>
    %add3A_222 = arith.addf %add3A_221, %exp3A_210 : vector<512x1xf32>
    %add3A_223 = arith.addf %add3A_222, %exp3A_212 : vector<512x1xf32>
    %add3A_224 = arith.addf %add3A_223, %exp3A_214 : vector<512x1xf32>
    %add3A_225 = arith.addf %add3A_224, %exp3A_216 : vector<512x1xf32>
    %add3A_226 = arith.addf %add3A_225, %exp3A_218 : vector<512x1xf32>
    %add3A_227 = arith.addf %add3A_226, %exp3A_220 : vector<512x1xf32>
    %mul3A_228 = vector.broadcast %exp3A : vector<512x1xf32> to vector<512x128xf32>
    %mul3A_229 = arith.mulf %mul3A_228, %get3A_24 : vector<512x128xf32>
    %mul3A_230 = vector.broadcast %exp3A_208 : vector<512x1xf32> to vector<512x128xf32>
    %mul3A_231 = arith.mulf %mul3A_230, %get3A_43 : vector<512x128xf32>
    %add3A_232 = arith.addf %mul3A_229, %mul3A_231 : vector<512x128xf32>
    %mul3A_233 = vector.broadcast %exp3A_210 : vector<512x1xf32> to vector<512x128xf32>
    %mul3A_234 = arith.mulf %mul3A_233, %get3A_66 : vector<512x128xf32>
    %add3A_235 = arith.addf %add3A_232, %mul3A_234 : vector<512x128xf32>
    %mul3A_236 = vector.broadcast %exp3A_212 : vector<512x1xf32> to vector<512x128xf32>
    %mul3A_237 = arith.mulf %mul3A_236, %get3A_89 : vector<512x128xf32>
    %add3A_238 = arith.addf %add3A_235, %mul3A_237 : vector<512x128xf32>
    %mul3A_239 = vector.broadcast %exp3A_214 : vector<512x1xf32> to vector<512x128xf32>
    %mul3A_240 = arith.mulf %mul3A_239, %get3A_113 : vector<512x128xf32>
    %add3A_241 = arith.addf %add3A_238, %mul3A_240 : vector<512x128xf32>
    %mul3A_242 = vector.broadcast %exp3A_216 : vector<512x1xf32> to vector<512x128xf32>
    %mul3A_243 = arith.mulf %mul3A_242, %get3A_136 : vector<512x128xf32>
    %add3A_244 = arith.addf %add3A_241, %mul3A_243 : vector<512x128xf32>
    %mul3A_245 = vector.broadcast %exp3A_218 : vector<512x1xf32> to vector<512x128xf32>
    %mul3A_246 = arith.mulf %mul3A_245, %get3A_159 : vector<512x128xf32>
    %add3A_247 = arith.addf %add3A_244, %mul3A_246 : vector<512x128xf32>
    %mul3A_248 = vector.broadcast %exp3A_220 : vector<512x1xf32> to vector<512x128xf32>
    %mul3A_249 = arith.mulf %mul3A_248, %get3A_182 : vector<512x128xf32>
    %add3A_250 = arith.addf %add3A_247, %mul3A_249 : vector<512x128xf32>
    %slice3A_251 = vector.extract_strided_slice %add3A_250 {offsets = [0, 64], sizes = [512, 64], strides = [1, 1]} : vector<512x128xf32> to vector<512x64xf32>
    %div3A = vector.broadcast %add3A_227 : vector<512x1xf32> to vector<512x64xf32>
    %div3A_252 = arith.divf %slice3A_251, %div3A : vector<512x64xf32>
    %swap3A = arith.constant 0 : index
    %swap3A_253 = arith.constant 0 : index
    %swap3A_254 = arith.constant 0 : index
    %swap3A_255 = vector.load %arg5[%swap3A, %swap3A_253, %swap3A_254] : memref<2x512x64xf32, #tpu.memory_space<vmem>>, vector<1x512x64xf32>
    %swap3A_256 = vector.shape_cast %swap3A_255 : vector<1x512x64xf32> to vector<512x64xf32>
    %swap3A_257 = vector.shape_cast %div3A_252 : vector<512x64xf32> to vector<1x512x64xf32>
    tpu.vector_store %arg5[%swap3A, %swap3A_253, %swap3A_254], %swap3A_257 {strides = array<i32>} : memref<2x512x64xf32, #tpu.memory_space<vmem>>, vector<1x512x64xf32>,
    %get3A_258 = arith.constant 0 : index
    %get3A_259 = arith.constant 64 : index
    %get3A_260 = vector.load %arg2[%get3A_258, %get3A_259] : memref<512x128xf32, #tpu.memory_space<vmem>>, vector<512x64xf32>
    %concatenate3A_261 = tpu.concatenate %get3A_260, %broadcast_in_dim3A_2 in 1 : vector<512x64xf32>, vector<512x64xf32> -> vector<512x128xf32>
    %get3A_262 = arith.constant 1 : index
    %get3A_263 = arith.constant 0 : index
    %get3A_264 = arith.constant 0 : index
    %get3A_265 = vector.load %arg3[%get3A_262, %get3A_263, %get3A_264] : memref<2x512x2xi32, #tpu.memory_space<vmem>>, vector<1x512x2xi32>
    %get3A_266 = vector.shape_cast %get3A_265 : vector<1x512x2xi32> to vector<512x2xi32>
    %mul3A_267 = arith.constant 2 : i32
    %mul3A_268 = arith.muli %arg0, %mul3A_267 : i32
    %add3A_269 = arith.constant 8 : i32
    %add3A_270 = arith.addi %add3A_269, %mul3A_268 : i32
    %add3A_271 = arith.constant 1 : i32
    %add3A_272 = arith.addi %add3A_270, %add3A_271 : i32
    %mul3A_273 = arith.constant 512 : i32
    %mul3A_274 = arith.muli %add3A_272, %mul3A_273 : i32
    %sub3A_275 = vector.broadcast %mul3A_274 : i32 to vector<512x2xi32>
    %sub3A_276 = arith.subi %get3A_266, %sub3A_275 : vector<512x2xi32>
    %slice3A_277 = vector.extract_strided_slice %sub3A_276 {offsets = [0, 0], sizes = [512, 1], strides = [1, 1]} : vector<512x2xi32> to vector<512x1xi32>
    %get3A_278 = arith.constant 1 : index
    %get3A_279 = arith.constant 0 : index
    %get3A_280 = arith.constant 0 : index
    %get3A_281 = arith.constant 0 : index
    %get3A_282 = vector.load %arg4[%get3A_278, %get3A_279, %get3A_280, %get3A_281] : memref<2x2x512x512xf32, #tpu.memory_space<vmem>>, vector<1x1x512x128xf32>
    %get3A_283 = vector.shape_cast %get3A_282 : vector<1x1x512x128xf32> to vector<512x128xf32>
    %mul3A_284 = arith.mulf %concatenate3A_261, %get3A_283 : vector<512x128xf32>
    %reduce_sum3A_285 = arith.constant dense<0.000000e+00> : vector<512xf32>
    %reduce_sum3A_286 = vector.multi_reduction <add>, %mul3A_284, %reduce_sum3A_285 [1] : vector<512x128xf32> to vector<512xf32>
    %broadcast_in_dim3A_287 = vector.shape_cast %reduce_sum3A_286 : vector<512xf32> to vector<512x1xf32>
    %mul3A_288 = arith.constant 1.250000e-01 : f32
    %mul3A_289 = vector.broadcast %mul3A_288 : f32 to vector<512x1xf32>
    %mul3A_290 = arith.mulf %broadcast_in_dim3A_287, %mul3A_289 : vector<512x1xf32>
    %mul3A_291 = arith.constant 4 : i32
    %mul3A_292 = vector.broadcast %mul3A_291 : i32 to vector<512x1xi32>
    %mul3A_293 = arith.muli %slice3A_277, %mul3A_292 : vector<512x1xi32>
    %add3A_294 = arith.constant 0 : i32
    %add3A_295 = vector.broadcast %add3A_294 : i32 to vector<512x1xi32>
    %add3A_296 = arith.addi %mul3A_293, %add3A_295 : vector<512x1xi32>
    %le3A_297 = arith.cmpi sle, %add3A_296, %add3A_1 : vector<512x1xi32>
    %jit3A_298 = arith.constant -1.000000e+09 : f32
    %broadcast_in_dim3A_299 = vector.broadcast %jit3A_298 : f32 to vector<512x1xf32>
    %select_n3A_300 = arith.select %le3A_297, %mul3A_290, %broadcast_in_dim3A_299 : vector<512x1xi1>, vector<512x1xf32>
    %get3A_301 = arith.constant 1 : index
    %get3A_302 = arith.constant 0 : index
    %get3A_303 = arith.constant 0 : index
    %get3A_304 = arith.constant 128 : index
    %get3A_305 = vector.load %arg4[%get3A_301, %get3A_302, %get3A_303, %get3A_304] : memref<2x2x512x512xf32, #tpu.memory_space<vmem>>, vector<1x1x512x128xf32>
    %get3A_306 = vector.shape_cast %get3A_305 : vector<1x1x512x128xf32> to vector<512x128xf32>
    %mul3A_307 = arith.mulf %concatenate3A_261, %get3A_306 : vector<512x128xf32>
    %reduce_sum3A_308 = arith.constant dense<0.000000e+00> : vector<512xf32>
    %reduce_sum3A_309 = vector.multi_reduction <add>, %mul3A_307, %reduce_sum3A_308 [1] : vector<512x128xf32> to vector<512xf32>
    %broadcast_in_dim3A_310 = vector.shape_cast %reduce_sum3A_309 : vector<512xf32> to vector<512x1xf32>
    %mul3A_311 = arith.constant 1.250000e-01 : f32
    %mul3A_312 = vector.broadcast %mul3A_311 : f32 to vector<512x1xf32>
    %mul3A_313 = arith.mulf %broadcast_in_dim3A_310, %mul3A_312 : vector<512x1xf32>
    %mul3A_314 = arith.constant 4 : i32
    %mul3A_315 = vector.broadcast %mul3A_314 : i32 to vector<512x1xi32>
    %mul3A_316 = arith.muli %slice3A_277, %mul3A_315 : vector<512x1xi32>
    %add3A_317 = arith.constant 1 : i32
    %add3A_318 = vector.broadcast %add3A_317 : i32 to vector<512x1xi32>
    %add3A_319 = arith.addi %mul3A_316, %add3A_318 : vector<512x1xi32>
    %le3A_320 = arith.cmpi sle, %add3A_319, %add3A_1 : vector<512x1xi32>
    %jit3A_321 = arith.constant -1.000000e+09 : f32
    %broadcast_in_dim3A_322 = vector.broadcast %jit3A_321 : f32 to vector<512x1xf32>
    %select_n3A_323 = arith.select %le3A_320, %mul3A_313, %broadcast_in_dim3A_322 : vector<512x1xi1>, vector<512x1xf32>
    %get3A_324 = arith.constant 1 : index
    %get3A_325 = arith.constant 0 : index
    %get3A_326 = arith.constant 0 : index
    %get3A_327 = arith.constant 256 : index
    %get3A_328 = vector.load %arg4[%get3A_324, %get3A_325, %get3A_326, %get3A_327] : memref<2x2x512x512xf32, #tpu.memory_space<vmem>>, vector<1x1x512x128xf32>
    %get3A_329 = vector.shape_cast %get3A_328 : vector<1x1x512x128xf32> to vector<512x128xf32>
    %mul3A_330 = arith.mulf %concatenate3A_261, %get3A_329 : vector<512x128xf32>
    %reduce_sum3A_331 = arith.constant dense<0.000000e+00> : vector<512xf32>
    %reduce_sum3A_332 = vector.multi_reduction <add>, %mul3A_330, %reduce_sum3A_331 [1] : vector<512x128xf32> to vector<512xf32>
    %broadcast_in_dim3A_333 = vector.shape_cast %reduce_sum3A_332 : vector<512xf32> to vector<512x1xf32>
    %mul3A_334 = arith.constant 1.250000e-01 : f32
    %mul3A_335 = vector.broadcast %mul3A_334 : f32 to vector<512x1xf32>
    %mul3A_336 = arith.mulf %broadcast_in_dim3A_333, %mul3A_335 : vector<512x1xf32>
    %mul3A_337 = arith.constant 4 : i32
    %mul3A_338 = vector.broadcast %mul3A_337 : i32 to vector<512x1xi32>
    %mul3A_339 = arith.muli %slice3A_277, %mul3A_338 : vector<512x1xi32>
    %add3A_340 = arith.constant 2 : i32
    %add3A_341 = vector.broadcast %add3A_340 : i32 to vector<512x1xi32>
    %add3A_342 = arith.addi %mul3A_339, %add3A_341 : vector<512x1xi32>
    %le3A_343 = arith.cmpi sle, %add3A_342, %add3A_1 : vector<512x1xi32>
    %jit3A_344 = arith.constant -1.000000e+09 : f32
    %broadcast_in_dim3A_345 = vector.broadcast %jit3A_344 : f32 to vector<512x1xf32>
    %select_n3A_346 = arith.select %le3A_343, %mul3A_336, %broadcast_in_dim3A_345 : vector<512x1xi1>, vector<512x1xf32>
    %get3A_347 = arith.constant 1 : index
    %get3A_348 = arith.constant 0 : index
    %get3A_349 = arith.constant 0 : index
    %get3A_350 = arith.constant 384 : index
    %get3A_351 = vector.load %arg4[%get3A_347, %get3A_348, %get3A_349, %get3A_350] : memref<2x2x512x512xf32, #tpu.memory_space<vmem>>, vector<1x1x512x128xf32>
    %get3A_352 = vector.shape_cast %get3A_351 : vector<1x1x512x128xf32> to vector<512x128xf32>
    %mul3A_353 = arith.mulf %concatenate3A_261, %get3A_352 : vector<512x128xf32>
    %reduce_sum3A_354 = arith.constant dense<0.000000e+00> : vector<512xf32>
    %reduce_sum3A_355 = vector.multi_reduction <add>, %mul3A_353, %reduce_sum3A_354 [1] : vector<512x128xf32> to vector<512xf32>
    %broadcast_in_dim3A_356 = vector.shape_cast %reduce_sum3A_355 : vector<512xf32> to vector<512x1xf32>
    %mul3A_357 = arith.constant 1.250000e-01 : f32
    %mul3A_358 = vector.broadcast %mul3A_357 : f32 to vector<512x1xf32>
    %mul3A_359 = arith.mulf %broadcast_in_dim3A_356, %mul3A_358 : vector<512x1xf32>
    %mul3A_360 = arith.constant 4 : i32
    %mul3A_361 = vector.broadcast %mul3A_360 : i32 to vector<512x1xi32>
    %mul3A_362 = arith.muli %slice3A_277, %mul3A_361 : vector<512x1xi32>
    %add3A_363 = arith.constant 3 : i32
    %add3A_364 = vector.broadcast %add3A_363 : i32 to vector<512x1xi32>
    %add3A_365 = arith.addi %mul3A_362, %add3A_364 : vector<512x1xi32>
    %le3A_366 = arith.cmpi sle, %add3A_365, %add3A_1 : vector<512x1xi32>
    %jit3A_367 = arith.constant -1.000000e+09 : f32
    %broadcast_in_dim3A_368 = vector.broadcast %jit3A_367 : f32 to vector<512x1xf32>
    %select_n3A_369 = arith.select %le3A_366, %mul3A_359, %broadcast_in_dim3A_368 : vector<512x1xi1>, vector<512x1xf32>
    %slice3A_370 = vector.extract_strided_slice %sub3A_276 {offsets = [0, 1], sizes = [512, 1], strides = [1, 1]} : vector<512x2xi32> to vector<512x1xi32>
    %get3A_371 = arith.constant 1 : index
    %get3A_372 = arith.constant 1 : index
    %get3A_373 = arith.constant 0 : index
    %get3A_374 = arith.constant 0 : index
    %get3A_375 = vector.load %arg4[%get3A_371, %get3A_372, %get3A_373, %get3A_374] : memref<2x2x512x512xf32, #tpu.memory_space<vmem>>, vector<1x1x512x128xf32>
    %get3A_376 = vector.shape_cast %get3A_375 : vector<1x1x512x128xf32> to vector<512x128xf32>
    %mul3A_377 = arith.mulf %concatenate3A_261, %get3A_376 : vector<512x128xf32>
    %reduce_sum3A_378 = arith.constant dense<0.000000e+00> : vector<512xf32>
    %reduce_sum3A_379 = vector.multi_reduction <add>, %mul3A_377, %reduce_sum3A_378 [1] : vector<512x128xf32> to vector<512xf32>
    %broadcast_in_dim3A_380 = vector.shape_cast %reduce_sum3A_379 : vector<512xf32> to vector<512x1xf32>
    %mul3A_381 = arith.constant 1.250000e-01 : f32
    %mul3A_382 = vector.broadcast %mul3A_381 : f32 to vector<512x1xf32>
    %mul3A_383 = arith.mulf %broadcast_in_dim3A_380, %mul3A_382 : vector<512x1xf32>
    %mul3A_384 = arith.constant 4 : i32
    %mul3A_385 = vector.broadcast %mul3A_384 : i32 to vector<512x1xi32>
    %mul3A_386 = arith.muli %slice3A_370, %mul3A_385 : vector<512x1xi32>
    %add3A_387 = arith.constant 0 : i32
    %add3A_388 = vector.broadcast %add3A_387 : i32 to vector<512x1xi32>
    %add3A_389 = arith.addi %mul3A_386, %add3A_388 : vector<512x1xi32>
    %le3A_390 = arith.cmpi sle, %add3A_389, %add3A_1 : vector<512x1xi32>
    %jit3A_391 = arith.constant -1.000000e+09 : f32
    %broadcast_in_dim3A_392 = vector.broadcast %jit3A_391 : f32 to vector<512x1xf32>
    %select_n3A_393 = arith.select %le3A_390, %mul3A_383, %broadcast_in_dim3A_392 : vector<512x1xi1>, vector<512x1xf32>
    %get3A_394 = arith.constant 1 : index
    %get3A_395 = arith.constant 1 : index
    %get3A_396 = arith.constant 0 : index
    %get3A_397 = arith.constant 128 : index
    %get3A_398 = vector.load %arg4[%get3A_394, %get3A_395, %get3A_396, %get3A_397] : memref<2x2x512x512xf32, #tpu.memory_space<vmem>>, vector<1x1x512x128xf32>
    %get3A_399 = vector.shape_cast %get3A_398 : vector<1x1x512x128xf32> to vector<512x128xf32>
    %mul3A_400 = arith.mulf %concatenate3A_261, %get3A_399 : vector<512x128xf32>
    %reduce_sum3A_401 = arith.constant dense<0.000000e+00> : vector<512xf32>
    %reduce_sum3A_402 = vector.multi_reduction <add>, %mul3A_400, %reduce_sum3A_401 [1] : vector<512x128xf32> to vector<512xf32>
    %broadcast_in_dim3A_403 = vector.shape_cast %reduce_sum3A_402 : vector<512xf32> to vector<512x1xf32>
    %mul3A_404 = arith.constant 1.250000e-01 : f32
    %mul3A_405 = vector.broadcast %mul3A_404 : f32 to vector<512x1xf32>
    %mul3A_406 = arith.mulf %broadcast_in_dim3A_403, %mul3A_405 : vector<512x1xf32>
    %mul3A_407 = arith.constant 4 : i32
    %mul3A_408 = vector.broadcast %mul3A_407 : i32 to vector<512x1xi32>
    %mul3A_409 = arith.muli %slice3A_370, %mul3A_408 : vector<512x1xi32>
    %add3A_410 = arith.constant 1 : i32
    %add3A_411 = vector.broadcast %add3A_410 : i32 to vector<512x1xi32>
    %add3A_412 = arith.addi %mul3A_409, %add3A_411 : vector<512x1xi32>
    %le3A_413 = arith.cmpi sle, %add3A_412, %add3A_1 : vector<512x1xi32>
    %jit3A_414 = arith.constant -1.000000e+09 : f32
    %broadcast_in_dim3A_415 = vector.broadcast %jit3A_414 : f32 to vector<512x1xf32>
    %select_n3A_416 = arith.select %le3A_413, %mul3A_406, %broadcast_in_dim3A_415 : vector<512x1xi1>, vector<512x1xf32>
    %get3A_417 = arith.constant 1 : index
    %get3A_418 = arith.constant 1 : index
    %get3A_419 = arith.constant 0 : index
    %get3A_420 = arith.constant 256 : index
    %get3A_421 = vector.load %arg4[%get3A_417, %get3A_418, %get3A_419, %get3A_420] : memref<2x2x512x512xf32, #tpu.memory_space<vmem>>, vector<1x1x512x128xf32>
    %get3A_422 = vector.shape_cast %get3A_421 : vector<1x1x512x128xf32> to vector<512x128xf32>
    %mul3A_423 = arith.mulf %concatenate3A_261, %get3A_422 : vector<512x128xf32>
    %reduce_sum3A_424 = arith.constant dense<0.000000e+00> : vector<512xf32>
    %reduce_sum3A_425 = vector.multi_reduction <add>, %mul3A_423, %reduce_sum3A_424 [1] : vector<512x128xf32> to vector<512xf32>
    %broadcast_in_dim3A_426 = vector.shape_cast %reduce_sum3A_425 : vector<512xf32> to vector<512x1xf32>
    %mul3A_427 = arith.constant 1.250000e-01 : f32
    %mul3A_428 = vector.broadcast %mul3A_427 : f32 to vector<512x1xf32>
    %mul3A_429 = arith.mulf %broadcast_in_dim3A_426, %mul3A_428 : vector<512x1xf32>
    %mul3A_430 = arith.constant 4 : i32
    %mul3A_431 = vector.broadcast %mul3A_430 : i32 to vector<512x1xi32>
    %mul3A_432 = arith.muli %slice3A_370, %mul3A_431 : vector<512x1xi32>
    %add3A_433 = arith.constant 2 : i32
    %add3A_434 = vector.broadcast %add3A_433 : i32 to vector<512x1xi32>
    %add3A_435 = arith.addi %mul3A_432, %add3A_434 : vector<512x1xi32>
    %le3A_436 = arith.cmpi sle, %add3A_435, %add3A_1 : vector<512x1xi32>
    %jit3A_437 = arith.constant -1.000000e+09 : f32
    %broadcast_in_dim3A_438 = vector.broadcast %jit3A_437 : f32 to vector<512x1xf32>
    %select_n3A_439 = arith.select %le3A_436, %mul3A_429, %broadcast_in_dim3A_438 : vector<512x1xi1>, vector<512x1xf32>
    %get3A_440 = arith.constant 1 : index
    %get3A_441 = arith.constant 1 : index
    %get3A_442 = arith.constant 0 : index
    %get3A_443 = arith.constant 384 : index
    %get3A_444 = vector.load %arg4[%get3A_440, %get3A_441, %get3A_442, %get3A_443] : memref<2x2x512x512xf32, #tpu.memory_space<vmem>>, vector<1x1x512x128xf32>
    %get3A_445 = vector.shape_cast %get3A_444 : vector<1x1x512x128xf32> to vector<512x128xf32>
    %mul3A_446 = arith.mulf %concatenate3A_261, %get3A_445 : vector<512x128xf32>
    %reduce_sum3A_447 = arith.constant dense<0.000000e+00> : vector<512xf32>
    %reduce_sum3A_448 = vector.multi_reduction <add>, %mul3A_446, %reduce_sum3A_447 [1] : vector<512x128xf32> to vector<512xf32>
    %broadcast_in_dim3A_449 = vector.shape_cast %reduce_sum3A_448 : vector<512xf32> to vector<512x1xf32>
    %mul3A_450 = arith.constant 1.250000e-01 : f32
    %mul3A_451 = vector.broadcast %mul3A_450 : f32 to vector<512x1xf32>
    %mul3A_452 = arith.mulf %broadcast_in_dim3A_449, %mul3A_451 : vector<512x1xf32>
    %mul3A_453 = arith.constant 4 : i32
    %mul3A_454 = vector.broadcast %mul3A_453 : i32 to vector<512x1xi32>
    %mul3A_455 = arith.muli %slice3A_370, %mul3A_454 : vector<512x1xi32>
    %add3A_456 = arith.constant 3 : i32
    %add3A_457 = vector.broadcast %add3A_456 : i32 to vector<512x1xi32>
    %add3A_458 = arith.addi %mul3A_455, %add3A_457 : vector<512x1xi32>
    %le3A_459 = arith.cmpi sle, %add3A_458, %add3A_1 : vector<512x1xi32>
    %jit3A_460 = arith.constant -1.000000e+09 : f32
    %broadcast_in_dim3A_461 = vector.broadcast %jit3A_460 : f32 to vector<512x1xf32>
    %select_n3A_462 = arith.select %le3A_459, %mul3A_452, %broadcast_in_dim3A_461 : vector<512x1xi1>, vector<512x1xf32>
    %max3A_463 = arith.maximumf %select_n3A_300, %select_n3A_323 : vector<512x1xf32>
    %max3A_464 = arith.maximumf %max3A_463, %select_n3A_346 : vector<512x1xf32>
    %max3A_465 = arith.maximumf %max3A_464, %select_n3A_369 : vector<512x1xf32>
    %max3A_466 = arith.maximumf %max3A_465, %select_n3A_393 : vector<512x1xf32>
    %max3A_467 = arith.maximumf %max3A_466, %select_n3A_416 : vector<512x1xf32>
    %max3A_468 = arith.maximumf %max3A_467, %select_n3A_439 : vector<512x1xf32>
    %max3A_469 = arith.maximumf %max3A_468, %select_n3A_462 : vector<512x1xf32>
    %sub3A_470 = arith.subf %select_n3A_300, %max3A_469 : vector<512x1xf32>
    %exp3A_471 = math.exp %sub3A_470 : vector<512x1xf32>
    %sub3A_472 = arith.subf %select_n3A_323, %max3A_469 : vector<512x1xf32>
    %exp3A_473 = math.exp %sub3A_472 : vector<512x1xf32>
    %sub3A_474 = arith.subf %select_n3A_346, %max3A_469 : vector<512x1xf32>
    %exp3A_475 = math.exp %sub3A_474 : vector<512x1xf32>
    %sub3A_476 = arith.subf %select_n3A_369, %max3A_469 : vector<512x1xf32>
    %exp3A_477 = math.exp %sub3A_476 : vector<512x1xf32>
    %sub3A_478 = arith.subf %select_n3A_393, %max3A_469 : vector<512x1xf32>
    %exp3A_479 = math.exp %sub3A_478 : vector<512x1xf32>
    %sub3A_480 = arith.subf %select_n3A_416, %max3A_469 : vector<512x1xf32>
    %exp3A_481 = math.exp %sub3A_480 : vector<512x1xf32>
    %sub3A_482 = arith.subf %select_n3A_439, %max3A_469 : vector<512x1xf32>
    %exp3A_483 = math.exp %sub3A_482 : vector<512x1xf32>
    %sub3A_484 = arith.subf %select_n3A_462, %max3A_469 : vector<512x1xf32>
    %exp3A_485 = math.exp %sub3A_484 : vector<512x1xf32>
    %add3A_486 = arith.addf %exp3A_471, %exp3A_473 : vector<512x1xf32>
    %add3A_487 = arith.addf %add3A_486, %exp3A_475 : vector<512x1xf32>
    %add3A_488 = arith.addf %add3A_487, %exp3A_477 : vector<512x1xf32>
    %add3A_489 = arith.addf %add3A_488, %exp3A_479 : vector<512x1xf32>
    %add3A_490 = arith.addf %add3A_489, %exp3A_481 : vector<512x1xf32>
    %add3A_491 = arith.addf %add3A_490, %exp3A_483 : vector<512x1xf32>
    %add3A_492 = arith.addf %add3A_491, %exp3A_485 : vector<512x1xf32>
    %mul3A_493 = vector.broadcast %exp3A_471 : vector<512x1xf32> to vector<512x128xf32>
    %mul3A_494 = arith.mulf %mul3A_493, %get3A_283 : vector<512x128xf32>
    %mul3A_495 = vector.broadcast %exp3A_473 : vector<512x1xf32> to vector<512x128xf32>
    %mul3A_496 = arith.mulf %mul3A_495, %get3A_306 : vector<512x128xf32>
    %add3A_497 = arith.addf %mul3A_494, %mul3A_496 : vector<512x128xf32>
    %mul3A_498 = vector.broadcast %exp3A_475 : vector<512x1xf32> to vector<512x128xf32>
    %mul3A_499 = arith.mulf %mul3A_498, %get3A_329 : vector<512x128xf32>
    %add3A_500 = arith.addf %add3A_497, %mul3A_499 : vector<512x128xf32>
    %mul3A_501 = vector.broadcast %exp3A_477 : vector<512x1xf32> to vector<512x128xf32>
    %mul3A_502 = arith.mulf %mul3A_501, %get3A_352 : vector<512x128xf32>
    %add3A_503 = arith.addf %add3A_500, %mul3A_502 : vector<512x128xf32>
    %mul3A_504 = vector.broadcast %exp3A_479 : vector<512x1xf32> to vector<512x128xf32>
    %mul3A_505 = arith.mulf %mul3A_504, %get3A_376 : vector<512x128xf32>
    %add3A_506 = arith.addf %add3A_503, %mul3A_505 : vector<512x128xf32>
    %mul3A_507 = vector.broadcast %exp3A_481 : vector<512x1xf32> to vector<512x128xf32>
    %mul3A_508 = arith.mulf %mul3A_507, %get3A_399 : vector<512x128xf32>
    %add3A_509 = arith.addf %add3A_506, %mul3A_508 : vector<512x128xf32>
    %mul3A_510 = vector.broadcast %exp3A_483 : vector<512x1xf32> to vector<512x128xf32>
    %mul3A_511 = arith.mulf %mul3A_510, %get3A_422 : vector<512x128xf32>
    %add3A_512 = arith.addf %add3A_509, %mul3A_511 : vector<512x128xf32>
    %mul3A_513 = vector.broadcast %exp3A_485 : vector<512x1xf32> to vector<512x128xf32>
    %mul3A_514 = arith.mulf %mul3A_513, %get3A_445 : vector<512x128xf32>
    %add3A_515 = arith.addf %add3A_512, %mul3A_514 : vector<512x128xf32>
    %slice3A_516 = vector.extract_strided_slice %add3A_515 {offsets = [0, 64], sizes = [512, 64], strides = [1, 1]} : vector<512x128xf32> to vector<512x64xf32>
    %div3A_517 = vector.broadcast %add3A_492 : vector<512x1xf32> to vector<512x64xf32>
    %div3A_518 = arith.divf %slice3A_516, %div3A_517 : vector<512x64xf32>
    %swap3A_519 = arith.constant 1 : index
    %swap3A_520 = arith.constant 0 : index
    %swap3A_521 = arith.constant 0 : index
    %swap3A_522 = vector.load %arg5[%swap3A_519, %swap3A_520, %swap3A_521] : memref<2x512x64xf32, #tpu.memory_space<vmem>>, vector<1x512x64xf32>
    %swap3A_523 = vector.shape_cast %swap3A_522 : vector<1x512x64xf32> to vector<512x64xf32>
    %swap3A_524 = vector.shape_cast %div3A_518 : vector<512x64xf32> to vector<1x512x64xf32>
    tpu.vector_store %arg5[%swap3A_519, %swap3A_520, %swap3A_521], %swap3A_524 {strides = array<i32>} : memref<2x512x64xf32, #tpu.memory_space<vmem>>, vector<1x512x64xf32>,
    return
  }
  func.func @transform_0(%arg0: i32, %arg1: i32) -> (i32, i32) {
    %add3A = arith.constant 4 : i32
    %add3A_0 = arith.addi %add3A, %arg0 : i32
    %c0_i32 = arith.constant 0 : i32
    return %arg1, %add3A_0 : i32, i32
  }
  func.func @transform_1(%arg0: i32, %arg1: i32) -> (i32, i32, i32) {
    %c0_i32 = arith.constant 0 : i32
    %c0_i32_0 = arith.constant 0 : i32
    return %arg0, %arg1, %c0_i32 : i32, i32, i32
  }
  func.func @transform_2(%arg0: i32, %arg1: i32) -> (i32, i32, i32, i32) {
    %c0_i32 = arith.constant 0 : i32
    %c0_i32_0 = arith.constant 0 : i32
    %c0_i32_1 = arith.constant 0 : i32
    return %arg0, %c0_i32, %arg1, %c0_i32_0 : i32, i32, i32, i32
  }
  func.func @transform_3(%arg0: i32, %arg1: i32) -> (i32, i32, i32) {
    %c0_i32 = arith.constant 0 : i32
    %c0_i32_0 = arith.constant 0 : i32
    return %arg0, %arg1, %c0_i32 : i32, i32, i32
  }
}

module attributes {stable_mosaic.version = 14 : i64} {
  func.func @_s35_body(%arg0: i32, %arg1: i32, %arg2: memref<512x128xf32, #tpu.memory_space<vmem>>, %arg3: memref<2x512x2xi32, #tpu.memory_space<vmem>>, %arg4: memref<2x2x512x512xf32, #tpu.memory_space<vmem>>, %arg5: memref<2x512x64xf32, #tpu.memory_space<vmem>>) attributes {dimension_semantics = [#tpu.dimension_semantics<arbitrary>, #tpu.dimension_semantics<arbitrary>], iteration_bounds = array<i64: 4, 4>, scalar_prefetch = 0 : i64, scratch_operands = 0 : i64, tpu.core_type = #tpu.core_type<tc>, window_params = [{transform_indices = @transform_0, window_bounds = array<i64: 512, 128>}, {transform_indices = @transform_1, window_bounds = array<i64: 2, 512, 2>}, {transform_indices = @transform_2, window_bounds = array<i64: 2, 2, 512, 512>}, {transform_indices = @transform_3, window_bounds = array<i64: 2, 512, 64>}]} {
    %mul3A = arith.constant 512 : i32
    %mul3A_0 = arith.muli %arg1, %mul3A : i32
    %iota3A = tpu.iota {dimensions = array<i32: 0>} : vector<512x1xi32>
    %add3A = vector.broadcast %mul3A_0 : i32 to vector<512x1xi32>
    %add3A_1 = arith.addi %add3A, %iota3A : vector<512x1xi32>
    %broadcast_in_dim3A = arith.constant 0.000000e+00 : f32
    %broadcast_in_dim3A_2 = vector.broadcast %broadcast_in_dim3A : f32 to vector<512x64xf32>
    %get3A = arith.constant 0 : index
    %get3A_3 = arith.constant 0 : index
    %get3A_4 = vector.load %arg2[%get3A, %get3A_3] : memref<512x128xf32, #tpu.memory_space<vmem>>, vector<512x64xf32>
    %concatenate3A = tpu.concatenate %get3A_4, %broadcast_in_dim3A_2 in 1 : vector<512x64xf32>, vector<512x64xf32> -> vector<512x128xf32>
    %get3A_5 = arith.constant 0 : index
    %get3A_6 = arith.constant 0 : index
    %get3A_7 = arith.constant 0 : index
    %get3A_8 = vector.load %arg3[%get3A_5, %get3A_6, %get3A_7] : memref<2x512x2xi32, #tpu.memory_space<vmem>>, vector<1x512x2xi32>
    %get3A_9 = vector.shape_cast %get3A_8 : vector<1x512x2xi32> to vector<512x2xi32>
    %mul3A_10 = arith.constant 2 : i32
    %mul3A_11 = arith.muli %arg0, %mul3A_10 : i32
    %add3A_12 = arith.constant 0 : i32
    %add3A_13 = arith.addi %add3A_12, %mul3A_11 : i32
    %add3A_14 = arith.constant 0 : i32
    %add3A_15 = arith.addi %add3A_13, %add3A_14 : i32
    %mul3A_16 = arith.constant 512 : i32
    %mul3A_17 = arith.muli %add3A_15, %mul3A_16 : i32
    %sub3A = vector.broadcast %mul3A_17 : i32 to vector<512x2xi32>
    %sub3A_18 = arith.subi %get3A_9, %sub3A : vector<512x2xi32>
    %slice3A = vector.extract_strided_slice %sub3A_18 {offsets = [0, 0], sizes = [512, 1], strides = [1, 1]} : vector<512x2xi32> to vector<512x1xi32>
    %get3A_19 = arith.constant 0 : index
    %get3A_20 = arith.constant 0 : index
    %get3A_21 = arith.constant 0 : index
    %get3A_22 = arith.constant 0 : index
    %get3A_23 = vector.load %arg4[%get3A_19, %get3A_20, %get3A_21, %get3A_22] : memref<2x2x512x512xf32, #tpu.memory_space<vmem>>, vector<1x1x512x128xf32>
    %get3A_24 = vector.shape_cast %get3A_23 : vector<1x1x512x128xf32> to vector<512x128xf32>
    %mul3A_25 = arith.mulf %concatenate3A, %get3A_24 : vector<512x128xf32>
    %reduce_sum3A = arith.constant dense<0.000000e+00> : vector<512xf32>
    %reduce_sum3A_26 = vector.multi_reduction <add>, %mul3A_25, %reduce_sum3A [1] : vector<512x128xf32> to vector<512xf32>
    %broadcast_in_dim3A_27 = vector.shape_cast %reduce_sum3A_26 : vector<512xf32> to vector<512x1xf32>
    %mul3A_28 = arith.constant 1.250000e-01 : f32
    %mul3A_29 = vector.broadcast %mul3A_28 : f32 to vector<512x1xf32>
    %mul3A_30 = arith.mulf %broadcast_in_dim3A_27, %mul3A_29 : vector<512x1xf32>
    %mul3A_31 = arith.constant 4 : i32
    %mul3A_32 = vector.broadcast %mul3A_31 : i32 to vector<512x1xi32>
    %mul3A_33 = arith.muli %slice3A, %mul3A_32 : vector<512x1xi32>
    %add3A_34 = arith.constant 0 : i32
    %add3A_35 = vector.broadcast %add3A_34 : i32 to vector<512x1xi32>
    %add3A_36 = arith.addi %mul3A_33, %add3A_35 : vector<512x1xi32>
    %le3A = arith.cmpi sle, %add3A_36, %add3A_1 : vector<512x1xi32>
    %jit3A = arith.constant -1.000000e+09 : f32
    %broadcast_in_dim3A_37 = vector.broadcast %jit3A : f32 to vector<512x1xf32>
    %select_n3A = arith.select %le3A, %mul3A_30, %broadcast_in_dim3A_37 : vector<512x1xi1>, vector<512x1xf32>
    %get3A_38 = arith.constant 0 : index
    %get3A_39 = arith.constant 0 : index
    %get3A_40 = arith.constant 0 : index
    %get3A_41 = arith.constant 128 : index
    %get3A_42 = vector.load %arg4[%get3A_38, %get3A_39, %get3A_40, %get3A_41] : memref<2x2x512x512xf32, #tpu.memory_space<vmem>>, vector<1x1x512x128xf32>
    %get3A_43 = vector.shape_cast %get3A_42 : vector<1x1x512x128xf32> to vector<512x128xf32>
    %mul3A_44 = arith.mulf %concatenate3A, %get3A_43 : vector<512x128xf32>
    %reduce_sum3A_45 = arith.constant dense<0.000000e+00> : vector<512xf32>
    %reduce_sum3A_46 = vector.multi_reduction <add>, %mul3A_44, %reduce_sum3A_45 [1] : vector<512x128xf32> to vector<512xf32>
    %broadcast_in_dim3A_47 = vector.shape_cast %reduce_sum3A_46 : vector<512xf32> to vector<512x1xf32>
    %mul3A_48 = arith.constant 1.250000e-01 : f32
    %mul3A_49 = vector.broadcast %mul3A_48 : f32 to vector<512x1xf32>
    %mul3A_50 = arith.mulf %broadcast_in_dim3A_47, %mul3A_49 : vector<512x1xf32>
    %mul3A_51 = arith.constant 4 : i32
    %mul3A_52 = vector.broadcast %mul3A_51 : i32 to vector<512x1xi32>
    %mul3A_53 = arith.muli %slice3A, %mul3A_52 : vector<512x1xi32>
    %add3A_54 = arith.constant 1 : i32
    %add3A_55 = vector.broadcast %add3A_54 : i32 to vector<512x1xi32>
    %add3A_56 = arith.addi %mul3A_53, %add3A_55 : vector<512x1xi32>
    %le3A_57 = arith.cmpi sle, %add3A_56, %add3A_1 : vector<512x1xi32>
    %jit3A_58 = arith.constant -1.000000e+09 : f32
    %broadcast_in_dim3A_59 = vector.broadcast %jit3A_58 : f32 to vector<512x1xf32>
    %select_n3A_60 = arith.select %le3A_57, %mul3A_50, %broadcast_in_dim3A_59 : vector<512x1xi1>, vector<512x1xf32>
    %get3A_61 = arith.constant 0 : index
    %get3A_62 = arith.constant 0 : index
    %get3A_63 = arith.constant 0 : index
    %get3A_64 = arith.constant 256 : index
    %get3A_65 = vector.load %arg4[%get3A_61, %get3A_62, %get3A_63, %get3A_64] : memref<2x2x512x512xf32, #tpu.memory_space<vmem>>, vector<1x1x512x128xf32>
    %get3A_66 = vector.shape_cast %get3A_65 : vector<1x1x512x128xf32> to vector<512x128xf32>
    %mul3A_67 = arith.mulf %concatenate3A, %get3A_66 : vector<512x128xf32>
    %reduce_sum3A_68 = arith.constant dense<0.000000e+00> : vector<512xf32>
    %reduce_sum3A_69 = vector.multi_reduction <add>, %mul3A_67, %reduce_sum3A_68 [1] : vector<512x128xf32> to vector<512xf32>
    %broadcast_in_dim3A_70 = vector.shape_cast %reduce_sum3A_69 : vector<512xf32> to vector<512x1xf32>
    %mul3A_71 = arith.constant 1.250000e-01 : f32
    %mul3A_72 = vector.broadcast %mul3A_71 : f32 to vector<512x1xf32>
    %mul3A_73 = arith.mulf %broadcast_in_dim3A_70, %mul3A_72 : vector<512x1xf32>
    %mul3A_74 = arith.constant 4 : i32
    %mul3A_75 = vector.broadcast %mul3A_74 : i32 to vector<512x1xi32>
    %mul3A_76 = arith.muli %slice3A, %mul3A_75 : vector<512x1xi32>
    %add3A_77 = arith.constant 2 : i32
    %add3A_78 = vector.broadcast %add3A_77 : i32 to vector<512x1xi32>
    %add3A_79 = arith.addi %mul3A_76, %add3A_78 : vector<512x1xi32>
    %le3A_80 = arith.cmpi sle, %add3A_79, %add3A_1 : vector<512x1xi32>
    %jit3A_81 = arith.constant -1.000000e+09 : f32
    %broadcast_in_dim3A_82 = vector.broadcast %jit3A_81 : f32 to vector<512x1xf32>
    %select_n3A_83 = arith.select %le3A_80, %mul3A_73, %broadcast_in_dim3A_82 : vector<512x1xi1>, vector<512x1xf32>
    %get3A_84 = arith.constant 0 : index
    %get3A_85 = arith.constant 0 : index
    %get3A_86 = arith.constant 0 : index
    %get3A_87 = arith.constant 384 : index
    %get3A_88 = vector.load %arg4[%get3A_84, %get3A_85, %get3A_86, %get3A_87] : memref<2x2x512x512xf32, #tpu.memory_space<vmem>>, vector<1x1x512x128xf32>
    %get3A_89 = vector.shape_cast %get3A_88 : vector<1x1x512x128xf32> to vector<512x128xf32>
    %mul3A_90 = arith.mulf %concatenate3A, %get3A_89 : vector<512x128xf32>
    %reduce_sum3A_91 = arith.constant dense<0.000000e+00> : vector<512xf32>
    %reduce_sum3A_92 = vector.multi_reduction <add>, %mul3A_90, %reduce_sum3A_91 [1] : vector<512x128xf32> to vector<512xf32>
    %broadcast_in_dim3A_93 = vector.shape_cast %reduce_sum3A_92 : vector<512xf32> to vector<512x1xf32>
    %mul3A_94 = arith.constant 1.250000e-01 : f32
    %mul3A_95 = vector.broadcast %mul3A_94 : f32 to vector<512x1xf32>
    %mul3A_96 = arith.mulf %broadcast_in_dim3A_93, %mul3A_95 : vector<512x1xf32>
    %mul3A_97 = arith.constant 4 : i32
    %mul3A_98 = vector.broadcast %mul3A_97 : i32 to vector<512x1xi32>
    %mul3A_99 = arith.muli %slice3A, %mul3A_98 : vector<512x1xi32>
    %add3A_100 = arith.constant 3 : i32
    %add3A_101 = vector.broadcast %add3A_100 : i32 to vector<512x1xi32>
    %add3A_102 = arith.addi %mul3A_99, %add3A_101 : vector<512x1xi32>
    %le3A_103 = arith.cmpi sle, %add3A_102, %add3A_1 : vector<512x1xi32>
    %jit3A_104 = arith.constant -1.000000e+09 : f32
    %broadcast_in_dim3A_105 = vector.broadcast %jit3A_104 : f32 to vector<512x1xf32>
    %select_n3A_106 = arith.select %le3A_103, %mul3A_96, %broadcast_in_dim3A_105 : vector<512x1xi1>, vector<512x1xf32>
    %slice3A_107 = vector.extract_strided_slice %sub3A_18 {offsets = [0, 1], sizes = [512, 1], strides = [1, 1]} : vector<512x2xi32> to vector<512x1xi32>
    %get3A_108 = arith.constant 0 : index
    %get3A_109 = arith.constant 1 : index
    %get3A_110 = arith.constant 0 : index
    %get3A_111 = arith.constant 0 : index
    %get3A_112 = vector.load %arg4[%get3A_108, %get3A_109, %get3A_110, %get3A_111] : memref<2x2x512x512xf32, #tpu.memory_space<vmem>>, vector<1x1x512x128xf32>
    %get3A_113 = vector.shape_cast %get3A_112 : vector<1x1x512x128xf32> to vector<512x128xf32>
    %mul3A_114 = arith.mulf %concatenate3A, %get3A_113 : vector<512x128xf32>
    %reduce_sum3A_115 = arith.constant dense<0.000000e+00> : vector<512xf32>
    %reduce_sum3A_116 = vector.multi_reduction <add>, %mul3A_114, %reduce_sum3A_115 [1] : vector<512x128xf32> to vector<512xf32>
    %broadcast_in_dim3A_117 = vector.shape_cast %reduce_sum3A_116 : vector<512xf32> to vector<512x1xf32>
    %mul3A_118 = arith.constant 1.250000e-01 : f32
    %mul3A_119 = vector.broadcast %mul3A_118 : f32 to vector<512x1xf32>
    %mul3A_120 = arith.mulf %broadcast_in_dim3A_117, %mul3A_119 : vector<512x1xf32>
    %mul3A_121 = arith.constant 4 : i32
    %mul3A_122 = vector.broadcast %mul3A_121 : i32 to vector<512x1xi32>
    %mul3A_123 = arith.muli %slice3A_107, %mul3A_122 : vector<512x1xi32>
    %add3A_124 = arith.constant 0 : i32
    %add3A_125 = vector.broadcast %add3A_124 : i32 to vector<512x1xi32>
    %add3A_126 = arith.addi %mul3A_123, %add3A_125 : vector<512x1xi32>
    %le3A_127 = arith.cmpi sle, %add3A_126, %add3A_1 : vector<512x1xi32>
    %jit3A_128 = arith.constant -1.000000e+09 : f32
    %broadcast_in_dim3A_129 = vector.broadcast %jit3A_128 : f32 to vector<512x1xf32>
    %select_n3A_130 = arith.select %le3A_127, %mul3A_120, %broadcast_in_dim3A_129 : vector<512x1xi1>, vector<512x1xf32>
    %get3A_131 = arith.constant 0 : index
    %get3A_132 = arith.constant 1 : index
    %get3A_133 = arith.constant 0 : index
    %get3A_134 = arith.constant 128 : index
    %get3A_135 = vector.load %arg4[%get3A_131, %get3A_132, %get3A_133, %get3A_134] : memref<2x2x512x512xf32, #tpu.memory_space<vmem>>, vector<1x1x512x128xf32>
    %get3A_136 = vector.shape_cast %get3A_135 : vector<1x1x512x128xf32> to vector<512x128xf32>
    %mul3A_137 = arith.mulf %concatenate3A, %get3A_136 : vector<512x128xf32>
    %reduce_sum3A_138 = arith.constant dense<0.000000e+00> : vector<512xf32>
    %reduce_sum3A_139 = vector.multi_reduction <add>, %mul3A_137, %reduce_sum3A_138 [1] : vector<512x128xf32> to vector<512xf32>
    %broadcast_in_dim3A_140 = vector.shape_cast %reduce_sum3A_139 : vector<512xf32> to vector<512x1xf32>
    %mul3A_141 = arith.constant 1.250000e-01 : f32
    %mul3A_142 = vector.broadcast %mul3A_141 : f32 to vector<512x1xf32>
    %mul3A_143 = arith.mulf %broadcast_in_dim3A_140, %mul3A_142 : vector<512x1xf32>
    %mul3A_144 = arith.constant 4 : i32
    %mul3A_145 = vector.broadcast %mul3A_144 : i32 to vector<512x1xi32>
    %mul3A_146 = arith.muli %slice3A_107, %mul3A_145 : vector<512x1xi32>
    %add3A_147 = arith.constant 1 : i32
    %add3A_148 = vector.broadcast %add3A_147 : i32 to vector<512x1xi32>
    %add3A_149 = arith.addi %mul3A_146, %add3A_148 : vector<512x1xi32>
    %le3A_150 = arith.cmpi sle, %add3A_149, %add3A_1 : vector<512x1xi32>
    %jit3A_151 = arith.constant -1.000000e+09 : f32
    %broadcast_in_dim3A_152 = vector.broadcast %jit3A_151 : f32 to vector<512x1xf32>
    %select_n3A_153 = arith.select %le3A_150, %mul3A_143, %broadcast_in_dim3A_152 : vector<512x1xi1>, vector<512x1xf32>
    %get3A_154 = arith.constant 0 : index
    %get3A_155 = arith.constant 1 : index
    %get3A_156 = arith.constant 0 : index
    %get3A_157 = arith.constant 256 : index
    %get3A_158 = vector.load %arg4[%get3A_154, %get3A_155, %get3A_156, %get3A_157] : memref<2x2x512x512xf32, #tpu.memory_space<vmem>>, vector<1x1x512x128xf32>
    %get3A_159 = vector.shape_cast %get3A_158 : vector<1x1x512x128xf32> to vector<512x128xf32>
    %mul3A_160 = arith.mulf %concatenate3A, %get3A_159 : vector<512x128xf32>
    %reduce_sum3A_161 = arith.constant dense<0.000000e+00> : vector<512xf32>
    %reduce_sum3A_162 = vector.multi_reduction <add>, %mul3A_160, %reduce_sum3A_161 [1] : vector<512x128xf32> to vector<512xf32>
    %broadcast_in_dim3A_163 = vector.shape_cast %reduce_sum3A_162 : vector<512xf32> to vector<512x1xf32>
    %mul3A_164 = arith.constant 1.250000e-01 : f32
    %mul3A_165 = vector.broadcast %mul3A_164 : f32 to vector<512x1xf32>
    %mul3A_166 = arith.mulf %broadcast_in_dim3A_163, %mul3A_165 : vector<512x1xf32>
    %mul3A_167 = arith.constant 4 : i32
    %mul3A_168 = vector.broadcast %mul3A_167 : i32 to vector<512x1xi32>
    %mul3A_169 = arith.muli %slice3A_107, %mul3A_168 : vector<512x1xi32>
    %add3A_170 = arith.constant 2 : i32
    %add3A_171 = vector.broadcast %add3A_170 : i32 to vector<512x1xi32>
    %add3A_172 = arith.addi %mul3A_169, %add3A_171 : vector<512x1xi32>
    %le3A_173 = arith.cmpi sle, %add3A_172, %add3A_1 : vector<512x1xi32>
    %jit3A_174 = arith.constant -1.000000e+09 : f32
    %broadcast_in_dim3A_175 = vector.broadcast %jit3A_174 : f32 to vector<512x1xf32>
    %select_n3A_176 = arith.select %le3A_173, %mul3A_166, %broadcast_in_dim3A_175 : vector<512x1xi1>, vector<512x1xf32>
    %get3A_177 = arith.constant 0 : index
    %get3A_178 = arith.constant 1 : index
    %get3A_179 = arith.constant 0 : index
    %get3A_180 = arith.constant 384 : index
    %get3A_181 = vector.load %arg4[%get3A_177, %get3A_178, %get3A_179, %get3A_180] : memref<2x2x512x512xf32, #tpu.memory_space<vmem>>, vector<1x1x512x128xf32>
    %get3A_182 = vector.shape_cast %get3A_181 : vector<1x1x512x128xf32> to vector<512x128xf32>
    %mul3A_183 = arith.mulf %concatenate3A, %get3A_182 : vector<512x128xf32>
    %reduce_sum3A_184 = arith.constant dense<0.000000e+00> : vector<512xf32>
    %reduce_sum3A_185 = vector.multi_reduction <add>, %mul3A_183, %reduce_sum3A_184 [1] : vector<512x128xf32> to vector<512xf32>
    %broadcast_in_dim3A_186 = vector.shape_cast %reduce_sum3A_185 : vector<512xf32> to vector<512x1xf32>
    %mul3A_187 = arith.constant 1.250000e-01 : f32
    %mul3A_188 = vector.broadcast %mul3A_187 : f32 to vector<512x1xf32>
    %mul3A_189 = arith.mulf %broadcast_in_dim3A_186, %mul3A_188 : vector<512x1xf32>
    %mul3A_190 = arith.constant 4 : i32
    %mul3A_191 = vector.broadcast %mul3A_190 : i32 to vector<512x1xi32>
    %mul3A_192 = arith.muli %slice3A_107, %mul3A_191 : vector<512x1xi32>
    %add3A_193 = arith.constant 3 : i32
    %add3A_194 = vector.broadcast %add3A_193 : i32 to vector<512x1xi32>
    %add3A_195 = arith.addi %mul3A_192, %add3A_194 : vector<512x1xi32>
    %le3A_196 = arith.cmpi sle, %add3A_195, %add3A_1 : vector<512x1xi32>
    %jit3A_197 = arith.constant -1.000000e+09 : f32
    %broadcast_in_dim3A_198 = vector.broadcast %jit3A_197 : f32 to vector<512x1xf32>
    %select_n3A_199 = arith.select %le3A_196, %mul3A_189, %broadcast_in_dim3A_198 : vector<512x1xi1>, vector<512x1xf32>
    %max3A = arith.maximumf %select_n3A, %select_n3A_60 : vector<512x1xf32>
    %max3A_200 = arith.maximumf %max3A, %select_n3A_83 : vector<512x1xf32>
    %max3A_201 = arith.maximumf %max3A_200, %select_n3A_106 : vector<512x1xf32>
    %max3A_202 = arith.maximumf %max3A_201, %select_n3A_130 : vector<512x1xf32>
    %max3A_203 = arith.maximumf %max3A_202, %select_n3A_153 : vector<512x1xf32>
    %max3A_204 = arith.maximumf %max3A_203, %select_n3A_176 : vector<512x1xf32>
    %max3A_205 = arith.maximumf %max3A_204, %select_n3A_199 : vector<512x1xf32>
    %sub3A_206 = arith.subf %select_n3A, %max3A_205 : vector<512x1xf32>
    %exp3A = math.exp %sub3A_206 : vector<512x1xf32>
    %sub3A_207 = arith.subf %select_n3A_60, %max3A_205 : vector<512x1xf32>
    %exp3A_208 = math.exp %sub3A_207 : vector<512x1xf32>
    %sub3A_209 = arith.subf %select_n3A_83, %max3A_205 : vector<512x1xf32>
    %exp3A_210 = math.exp %sub3A_209 : vector<512x1xf32>
    %sub3A_211 = arith.subf %select_n3A_106, %max3A_205 : vector<512x1xf32>
    %exp3A_212 = math.exp %sub3A_211 : vector<512x1xf32>
    %sub3A_213 = arith.subf %select_n3A_130, %max3A_205 : vector<512x1xf32>
    %exp3A_214 = math.exp %sub3A_213 : vector<512x1xf32>
    %sub3A_215 = arith.subf %select_n3A_153, %max3A_205 : vector<512x1xf32>
    %exp3A_216 = math.exp %sub3A_215 : vector<512x1xf32>
    %sub3A_217 = arith.subf %select_n3A_176, %max3A_205 : vector<512x1xf32>
    %exp3A_218 = math.exp %sub3A_217 : vector<512x1xf32>
    %sub3A_219 = arith.subf %select_n3A_199, %max3A_205 : vector<512x1xf32>
    %exp3A_220 = math.exp %sub3A_219 : vector<512x1xf32>
    %add3A_221 = arith.addf %exp3A, %exp3A_208 : vector<512x1xf32>
    %add3A_222 = arith.addf %add3A_221, %exp3A_210 : vector<512x1xf32>
    %add3A_223 = arith.addf %add3A_222, %exp3A_212 : vector<512x1xf32>
    %add3A_224 = arith.addf %add3A_223, %exp3A_214 : vector<512x1xf32>
    %add3A_225 = arith.addf %add3A_224, %exp3A_216 : vector<512x1xf32>
    %add3A_226 = arith.addf %add3A_225, %exp3A_218 : vector<512x1xf32>
    %add3A_227 = arith.addf %add3A_226, %exp3A_220 : vector<512x1xf32>
    %mul3A_228 = vector.broadcast %exp3A : vector<512x1xf32> to vector<512x128xf32>
    %mul3A_229 = arith.mulf %mul3A_228, %get3A_24 : vector<512x128xf32>
    %mul3A_230 = vector.broadcast %exp3A_208 : vector<512x1xf32> to vector<512x128xf32>
    %mul3A_231 = arith.mulf %mul3A_230, %get3A_43 : vector<512x128xf32>
    %add3A_232 = arith.addf %mul3A_229, %mul3A_231 : vector<512x128xf32>
    %mul3A_233 = vector.broadcast %exp3A_210 : vector<512x1xf32> to vector<512x128xf32>
    %mul3A_234 = arith.mulf %mul3A_233, %get3A_66 : vector<512x128xf32>
    %add3A_235 = arith.addf %add3A_232, %mul3A_234 : vector<512x128xf32>
    %mul3A_236 = vector.broadcast %exp3A_212 : vector<512x1xf32> to vector<512x128xf32>
    %mul3A_237 = arith.mulf %mul3A_236, %get3A_89 : vector<512x128xf32>
    %add3A_238 = arith.addf %add3A_235, %mul3A_237 : vector<512x128xf32>
    %mul3A_239 = vector.broadcast %exp3A_214 : vector<512x1xf32> to vector<512x128xf32>
    %mul3A_240 = arith.mulf %mul3A_239, %get3A_113 : vector<512x128xf32>
    %add3A_241 = arith.addf %add3A_238, %mul3A_240 : vector<512x128xf32>
    %mul3A_242 = vector.broadcast %exp3A_216 : vector<512x1xf32> to vector<512x128xf32>
    %mul3A_243 = arith.mulf %mul3A_242, %get3A_136 : vector<512x128xf32>
    %add3A_244 = arith.addf %add3A_241, %mul3A_243 : vector<512x128xf32>
    %mul3A_245 = vector.broadcast %exp3A_218 : vector<512x1xf32> to vector<512x128xf32>
    %mul3A_246 = arith.mulf %mul3A_245, %get3A_159 : vector<512x128xf32>
    %add3A_247 = arith.addf %add3A_244, %mul3A_246 : vector<512x128xf32>
    %mul3A_248 = vector.broadcast %exp3A_220 : vector<512x1xf32> to vector<512x128xf32>
    %mul3A_249 = arith.mulf %mul3A_248, %get3A_182 : vector<512x128xf32>
    %add3A_250 = arith.addf %add3A_247, %mul3A_249 : vector<512x128xf32>
    %slice3A_251 = vector.extract_strided_slice %add3A_250 {offsets = [0, 64], sizes = [512, 64], strides = [1, 1]} : vector<512x128xf32> to vector<512x64xf32>
    %div3A = vector.broadcast %add3A_227 : vector<512x1xf32> to vector<512x64xf32>
    %div3A_252 = arith.divf %slice3A_251, %div3A : vector<512x64xf32>
    %swap3A = arith.constant 0 : index
    %swap3A_253 = arith.constant 0 : index
    %swap3A_254 = arith.constant 0 : index
    %swap3A_255 = vector.load %arg5[%swap3A, %swap3A_253, %swap3A_254] : memref<2x512x64xf32, #tpu.memory_space<vmem>>, vector<1x512x64xf32>
    %swap3A_256 = vector.shape_cast %swap3A_255 : vector<1x512x64xf32> to vector<512x64xf32>
    %swap3A_257 = vector.shape_cast %div3A_252 : vector<512x64xf32> to vector<1x512x64xf32>
    tpu.vector_store %arg5[%swap3A, %swap3A_253, %swap3A_254], %swap3A_257 {strides = array<i32>} : memref<2x512x64xf32, #tpu.memory_space<vmem>>, vector<1x512x64xf32>,
    %get3A_258 = arith.constant 0 : index
    %get3A_259 = arith.constant 64 : index
    %get3A_260 = vector.load %arg2[%get3A_258, %get3A_259] : memref<512x128xf32, #tpu.memory_space<vmem>>, vector<512x64xf32>
    %concatenate3A_261 = tpu.concatenate %get3A_260, %broadcast_in_dim3A_2 in 1 : vector<512x64xf32>, vector<512x64xf32> -> vector<512x128xf32>
    %get3A_262 = arith.constant 1 : index
    %get3A_263 = arith.constant 0 : index
    %get3A_264 = arith.constant 0 : index
    %get3A_265 = vector.load %arg3[%get3A_262, %get3A_263, %get3A_264] : memref<2x512x2xi32, #tpu.memory_space<vmem>>, vector<1x512x2xi32>
    %get3A_266 = vector.shape_cast %get3A_265 : vector<1x512x2xi32> to vector<512x2xi32>
    %mul3A_267 = arith.constant 2 : i32
    %mul3A_268 = arith.muli %arg0, %mul3A_267 : i32
    %add3A_269 = arith.constant 0 : i32
    %add3A_270 = arith.addi %add3A_269, %mul3A_268 : i32
    %add3A_271 = arith.constant 1 : i32
    %add3A_272 = arith.addi %add3A_270, %add3A_271 : i32
    %mul3A_273 = arith.constant 512 : i32
    %mul3A_274 = arith.muli %add3A_272, %mul3A_273 : i32
    %sub3A_275 = vector.broadcast %mul3A_274 : i32 to vector<512x2xi32>
    %sub3A_276 = arith.subi %get3A_266, %sub3A_275 : vector<512x2xi32>
    %slice3A_277 = vector.extract_strided_slice %sub3A_276 {offsets = [0, 0], sizes = [512, 1], strides = [1, 1]} : vector<512x2xi32> to vector<512x1xi32>
    %get3A_278 = arith.constant 1 : index
    %get3A_279 = arith.constant 0 : index
    %get3A_280 = arith.constant 0 : index
    %get3A_281 = arith.constant 0 : index
    %get3A_282 = vector.load %arg4[%get3A_278, %get3A_279, %get3A_280, %get3A_281] : memref<2x2x512x512xf32, #tpu.memory_space<vmem>>, vector<1x1x512x128xf32>
    %get3A_283 = vector.shape_cast %get3A_282 : vector<1x1x512x128xf32> to vector<512x128xf32>
    %mul3A_284 = arith.mulf %concatenate3A_261, %get3A_283 : vector<512x128xf32>
    %reduce_sum3A_285 = arith.constant dense<0.000000e+00> : vector<512xf32>
    %reduce_sum3A_286 = vector.multi_reduction <add>, %mul3A_284, %reduce_sum3A_285 [1] : vector<512x128xf32> to vector<512xf32>
    %broadcast_in_dim3A_287 = vector.shape_cast %reduce_sum3A_286 : vector<512xf32> to vector<512x1xf32>
    %mul3A_288 = arith.constant 1.250000e-01 : f32
    %mul3A_289 = vector.broadcast %mul3A_288 : f32 to vector<512x1xf32>
    %mul3A_290 = arith.mulf %broadcast_in_dim3A_287, %mul3A_289 : vector<512x1xf32>
    %mul3A_291 = arith.constant 4 : i32
    %mul3A_292 = vector.broadcast %mul3A_291 : i32 to vector<512x1xi32>
    %mul3A_293 = arith.muli %slice3A_277, %mul3A_292 : vector<512x1xi32>
    %add3A_294 = arith.constant 0 : i32
    %add3A_295 = vector.broadcast %add3A_294 : i32 to vector<512x1xi32>
    %add3A_296 = arith.addi %mul3A_293, %add3A_295 : vector<512x1xi32>
    %le3A_297 = arith.cmpi sle, %add3A_296, %add3A_1 : vector<512x1xi32>
    %jit3A_298 = arith.constant -1.000000e+09 : f32
    %broadcast_in_dim3A_299 = vector.broadcast %jit3A_298 : f32 to vector<512x1xf32>
    %select_n3A_300 = arith.select %le3A_297, %mul3A_290, %broadcast_in_dim3A_299 : vector<512x1xi1>, vector<512x1xf32>
    %get3A_301 = arith.constant 1 : index
    %get3A_302 = arith.constant 0 : index
    %get3A_303 = arith.constant 0 : index
    %get3A_304 = arith.constant 128 : index
    %get3A_305 = vector.load %arg4[%get3A_301, %get3A_302, %get3A_303, %get3A_304] : memref<2x2x512x512xf32, #tpu.memory_space<vmem>>, vector<1x1x512x128xf32>
    %get3A_306 = vector.shape_cast %get3A_305 : vector<1x1x512x128xf32> to vector<512x128xf32>
    %mul3A_307 = arith.mulf %concatenate3A_261, %get3A_306 : vector<512x128xf32>
    %reduce_sum3A_308 = arith.constant dense<0.000000e+00> : vector<512xf32>
    %reduce_sum3A_309 = vector.multi_reduction <add>, %mul3A_307, %reduce_sum3A_308 [1] : vector<512x128xf32> to vector<512xf32>
    %broadcast_in_dim3A_310 = vector.shape_cast %reduce_sum3A_309 : vector<512xf32> to vector<512x1xf32>
    %mul3A_311 = arith.constant 1.250000e-01 : f32
    %mul3A_312 = vector.broadcast %mul3A_311 : f32 to vector<512x1xf32>
    %mul3A_313 = arith.mulf %broadcast_in_dim3A_310, %mul3A_312 : vector<512x1xf32>
    %mul3A_314 = arith.constant 4 : i32
    %mul3A_315 = vector.broadcast %mul3A_314 : i32 to vector<512x1xi32>
    %mul3A_316 = arith.muli %slice3A_277, %mul3A_315 : vector<512x1xi32>
    %add3A_317 = arith.constant 1 : i32
    %add3A_318 = vector.broadcast %add3A_317 : i32 to vector<512x1xi32>
    %add3A_319 = arith.addi %mul3A_316, %add3A_318 : vector<512x1xi32>
    %le3A_320 = arith.cmpi sle, %add3A_319, %add3A_1 : vector<512x1xi32>
    %jit3A_321 = arith.constant -1.000000e+09 : f32
    %broadcast_in_dim3A_322 = vector.broadcast %jit3A_321 : f32 to vector<512x1xf32>
    %select_n3A_323 = arith.select %le3A_320, %mul3A_313, %broadcast_in_dim3A_322 : vector<512x1xi1>, vector<512x1xf32>
    %get3A_324 = arith.constant 1 : index
    %get3A_325 = arith.constant 0 : index
    %get3A_326 = arith.constant 0 : index
    %get3A_327 = arith.constant 256 : index
    %get3A_328 = vector.load %arg4[%get3A_324, %get3A_325, %get3A_326, %get3A_327] : memref<2x2x512x512xf32, #tpu.memory_space<vmem>>, vector<1x1x512x128xf32>
    %get3A_329 = vector.shape_cast %get3A_328 : vector<1x1x512x128xf32> to vector<512x128xf32>
    %mul3A_330 = arith.mulf %concatenate3A_261, %get3A_329 : vector<512x128xf32>
    %reduce_sum3A_331 = arith.constant dense<0.000000e+00> : vector<512xf32>
    %reduce_sum3A_332 = vector.multi_reduction <add>, %mul3A_330, %reduce_sum3A_331 [1] : vector<512x128xf32> to vector<512xf32>
    %broadcast_in_dim3A_333 = vector.shape_cast %reduce_sum3A_332 : vector<512xf32> to vector<512x1xf32>
    %mul3A_334 = arith.constant 1.250000e-01 : f32
    %mul3A_335 = vector.broadcast %mul3A_334 : f32 to vector<512x1xf32>
    %mul3A_336 = arith.mulf %broadcast_in_dim3A_333, %mul3A_335 : vector<512x1xf32>
    %mul3A_337 = arith.constant 4 : i32
    %mul3A_338 = vector.broadcast %mul3A_337 : i32 to vector<512x1xi32>
    %mul3A_339 = arith.muli %slice3A_277, %mul3A_338 : vector<512x1xi32>
    %add3A_340 = arith.constant 2 : i32
    %add3A_341 = vector.broadcast %add3A_340 : i32 to vector<512x1xi32>
    %add3A_342 = arith.addi %mul3A_339, %add3A_341 : vector<512x1xi32>
    %le3A_343 = arith.cmpi sle, %add3A_342, %add3A_1 : vector<512x1xi32>
    %jit3A_344 = arith.constant -1.000000e+09 : f32
    %broadcast_in_dim3A_345 = vector.broadcast %jit3A_344 : f32 to vector<512x1xf32>
    %select_n3A_346 = arith.select %le3A_343, %mul3A_336, %broadcast_in_dim3A_345 : vector<512x1xi1>, vector<512x1xf32>
    %get3A_347 = arith.constant 1 : index
    %get3A_348 = arith.constant 0 : index
    %get3A_349 = arith.constant 0 : index
    %get3A_350 = arith.constant 384 : index
    %get3A_351 = vector.load %arg4[%get3A_347, %get3A_348, %get3A_349, %get3A_350] : memref<2x2x512x512xf32, #tpu.memory_space<vmem>>, vector<1x1x512x128xf32>
    %get3A_352 = vector.shape_cast %get3A_351 : vector<1x1x512x128xf32> to vector<512x128xf32>
    %mul3A_353 = arith.mulf %concatenate3A_261, %get3A_352 : vector<512x128xf32>
    %reduce_sum3A_354 = arith.constant dense<0.000000e+00> : vector<512xf32>
    %reduce_sum3A_355 = vector.multi_reduction <add>, %mul3A_353, %reduce_sum3A_354 [1] : vector<512x128xf32> to vector<512xf32>
    %broadcast_in_dim3A_356 = vector.shape_cast %reduce_sum3A_355 : vector<512xf32> to vector<512x1xf32>
    %mul3A_357 = arith.constant 1.250000e-01 : f32
    %mul3A_358 = vector.broadcast %mul3A_357 : f32 to vector<512x1xf32>
    %mul3A_359 = arith.mulf %broadcast_in_dim3A_356, %mul3A_358 : vector<512x1xf32>
    %mul3A_360 = arith.constant 4 : i32
    %mul3A_361 = vector.broadcast %mul3A_360 : i32 to vector<512x1xi32>
    %mul3A_362 = arith.muli %slice3A_277, %mul3A_361 : vector<512x1xi32>
    %add3A_363 = arith.constant 3 : i32
    %add3A_364 = vector.broadcast %add3A_363 : i32 to vector<512x1xi32>
    %add3A_365 = arith.addi %mul3A_362, %add3A_364 : vector<512x1xi32>
    %le3A_366 = arith.cmpi sle, %add3A_365, %add3A_1 : vector<512x1xi32>
    %jit3A_367 = arith.constant -1.000000e+09 : f32
    %broadcast_in_dim3A_368 = vector.broadcast %jit3A_367 : f32 to vector<512x1xf32>
    %select_n3A_369 = arith.select %le3A_366, %mul3A_359, %broadcast_in_dim3A_368 : vector<512x1xi1>, vector<512x1xf32>
    %slice3A_370 = vector.extract_strided_slice %sub3A_276 {offsets = [0, 1], sizes = [512, 1], strides = [1, 1]} : vector<512x2xi32> to vector<512x1xi32>
    %get3A_371 = arith.constant 1 : index
    %get3A_372 = arith.constant 1 : index
    %get3A_373 = arith.constant 0 : index
    %get3A_374 = arith.constant 0 : index
    %get3A_375 = vector.load %arg4[%get3A_371, %get3A_372, %get3A_373, %get3A_374] : memref<2x2x512x512xf32, #tpu.memory_space<vmem>>, vector<1x1x512x128xf32>
    %get3A_376 = vector.shape_cast %get3A_375 : vector<1x1x512x128xf32> to vector<512x128xf32>
    %mul3A_377 = arith.mulf %concatenate3A_261, %get3A_376 : vector<512x128xf32>
    %reduce_sum3A_378 = arith.constant dense<0.000000e+00> : vector<512xf32>
    %reduce_sum3A_379 = vector.multi_reduction <add>, %mul3A_377, %reduce_sum3A_378 [1] : vector<512x128xf32> to vector<512xf32>
    %broadcast_in_dim3A_380 = vector.shape_cast %reduce_sum3A_379 : vector<512xf32> to vector<512x1xf32>
    %mul3A_381 = arith.constant 1.250000e-01 : f32
    %mul3A_382 = vector.broadcast %mul3A_381 : f32 to vector<512x1xf32>
    %mul3A_383 = arith.mulf %broadcast_in_dim3A_380, %mul3A_382 : vector<512x1xf32>
    %mul3A_384 = arith.constant 4 : i32
    %mul3A_385 = vector.broadcast %mul3A_384 : i32 to vector<512x1xi32>
    %mul3A_386 = arith.muli %slice3A_370, %mul3A_385 : vector<512x1xi32>
    %add3A_387 = arith.constant 0 : i32
    %add3A_388 = vector.broadcast %add3A_387 : i32 to vector<512x1xi32>
    %add3A_389 = arith.addi %mul3A_386, %add3A_388 : vector<512x1xi32>
    %le3A_390 = arith.cmpi sle, %add3A_389, %add3A_1 : vector<512x1xi32>
    %jit3A_391 = arith.constant -1.000000e+09 : f32
    %broadcast_in_dim3A_392 = vector.broadcast %jit3A_391 : f32 to vector<512x1xf32>
    %select_n3A_393 = arith.select %le3A_390, %mul3A_383, %broadcast_in_dim3A_392 : vector<512x1xi1>, vector<512x1xf32>
    %get3A_394 = arith.constant 1 : index
    %get3A_395 = arith.constant 1 : index
    %get3A_396 = arith.constant 0 : index
    %get3A_397 = arith.constant 128 : index
    %get3A_398 = vector.load %arg4[%get3A_394, %get3A_395, %get3A_396, %get3A_397] : memref<2x2x512x512xf32, #tpu.memory_space<vmem>>, vector<1x1x512x128xf32>
    %get3A_399 = vector.shape_cast %get3A_398 : vector<1x1x512x128xf32> to vector<512x128xf32>
    %mul3A_400 = arith.mulf %concatenate3A_261, %get3A_399 : vector<512x128xf32>
    %reduce_sum3A_401 = arith.constant dense<0.000000e+00> : vector<512xf32>
    %reduce_sum3A_402 = vector.multi_reduction <add>, %mul3A_400, %reduce_sum3A_401 [1] : vector<512x128xf32> to vector<512xf32>
    %broadcast_in_dim3A_403 = vector.shape_cast %reduce_sum3A_402 : vector<512xf32> to vector<512x1xf32>
    %mul3A_404 = arith.constant 1.250000e-01 : f32
    %mul3A_405 = vector.broadcast %mul3A_404 : f32 to vector<512x1xf32>
    %mul3A_406 = arith.mulf %broadcast_in_dim3A_403, %mul3A_405 : vector<512x1xf32>
    %mul3A_407 = arith.constant 4 : i32
    %mul3A_408 = vector.broadcast %mul3A_407 : i32 to vector<512x1xi32>
    %mul3A_409 = arith.muli %slice3A_370, %mul3A_408 : vector<512x1xi32>
    %add3A_410 = arith.constant 1 : i32
    %add3A_411 = vector.broadcast %add3A_410 : i32 to vector<512x1xi32>
    %add3A_412 = arith.addi %mul3A_409, %add3A_411 : vector<512x1xi32>
    %le3A_413 = arith.cmpi sle, %add3A_412, %add3A_1 : vector<512x1xi32>
    %jit3A_414 = arith.constant -1.000000e+09 : f32
    %broadcast_in_dim3A_415 = vector.broadcast %jit3A_414 : f32 to vector<512x1xf32>
    %select_n3A_416 = arith.select %le3A_413, %mul3A_406, %broadcast_in_dim3A_415 : vector<512x1xi1>, vector<512x1xf32>
    %get3A_417 = arith.constant 1 : index
    %get3A_418 = arith.constant 1 : index
    %get3A_419 = arith.constant 0 : index
    %get3A_420 = arith.constant 256 : index
    %get3A_421 = vector.load %arg4[%get3A_417, %get3A_418, %get3A_419, %get3A_420] : memref<2x2x512x512xf32, #tpu.memory_space<vmem>>, vector<1x1x512x128xf32>
    %get3A_422 = vector.shape_cast %get3A_421 : vector<1x1x512x128xf32> to vector<512x128xf32>
    %mul3A_423 = arith.mulf %concatenate3A_261, %get3A_422 : vector<512x128xf32>
    %reduce_sum3A_424 = arith.constant dense<0.000000e+00> : vector<512xf32>
    %reduce_sum3A_425 = vector.multi_reduction <add>, %mul3A_423, %reduce_sum3A_424 [1] : vector<512x128xf32> to vector<512xf32>
    %broadcast_in_dim3A_426 = vector.shape_cast %reduce_sum3A_425 : vector<512xf32> to vector<512x1xf32>
    %mul3A_427 = arith.constant 1.250000e-01 : f32
    %mul3A_428 = vector.broadcast %mul3A_427 : f32 to vector<512x1xf32>
    %mul3A_429 = arith.mulf %broadcast_in_dim3A_426, %mul3A_428 : vector<512x1xf32>
    %mul3A_430 = arith.constant 4 : i32
    %mul3A_431 = vector.broadcast %mul3A_430 : i32 to vector<512x1xi32>
    %mul3A_432 = arith.muli %slice3A_370, %mul3A_431 : vector<512x1xi32>
    %add3A_433 = arith.constant 2 : i32
    %add3A_434 = vector.broadcast %add3A_433 : i32 to vector<512x1xi32>
    %add3A_435 = arith.addi %mul3A_432, %add3A_434 : vector<512x1xi32>
    %le3A_436 = arith.cmpi sle, %add3A_435, %add3A_1 : vector<512x1xi32>
    %jit3A_437 = arith.constant -1.000000e+09 : f32
    %broadcast_in_dim3A_438 = vector.broadcast %jit3A_437 : f32 to vector<512x1xf32>
    %select_n3A_439 = arith.select %le3A_436, %mul3A_429, %broadcast_in_dim3A_438 : vector<512x1xi1>, vector<512x1xf32>
    %get3A_440 = arith.constant 1 : index
    %get3A_441 = arith.constant 1 : index
    %get3A_442 = arith.constant 0 : index
    %get3A_443 = arith.constant 384 : index
    %get3A_444 = vector.load %arg4[%get3A_440, %get3A_441, %get3A_442, %get3A_443] : memref<2x2x512x512xf32, #tpu.memory_space<vmem>>, vector<1x1x512x128xf32>
    %get3A_445 = vector.shape_cast %get3A_444 : vector<1x1x512x128xf32> to vector<512x128xf32>
    %mul3A_446 = arith.mulf %concatenate3A_261, %get3A_445 : vector<512x128xf32>
    %reduce_sum3A_447 = arith.constant dense<0.000000e+00> : vector<512xf32>
    %reduce_sum3A_448 = vector.multi_reduction <add>, %mul3A_446, %reduce_sum3A_447 [1] : vector<512x128xf32> to vector<512xf32>
    %broadcast_in_dim3A_449 = vector.shape_cast %reduce_sum3A_448 : vector<512xf32> to vector<512x1xf32>
    %mul3A_450 = arith.constant 1.250000e-01 : f32
    %mul3A_451 = vector.broadcast %mul3A_450 : f32 to vector<512x1xf32>
    %mul3A_452 = arith.mulf %broadcast_in_dim3A_449, %mul3A_451 : vector<512x1xf32>
    %mul3A_453 = arith.constant 4 : i32
    %mul3A_454 = vector.broadcast %mul3A_453 : i32 to vector<512x1xi32>
    %mul3A_455 = arith.muli %slice3A_370, %mul3A_454 : vector<512x1xi32>
    %add3A_456 = arith.constant 3 : i32
    %add3A_457 = vector.broadcast %add3A_456 : i32 to vector<512x1xi32>
    %add3A_458 = arith.addi %mul3A_455, %add3A_457 : vector<512x1xi32>
    %le3A_459 = arith.cmpi sle, %add3A_458, %add3A_1 : vector<512x1xi32>
    %jit3A_460 = arith.constant -1.000000e+09 : f32
    %broadcast_in_dim3A_461 = vector.broadcast %jit3A_460 : f32 to vector<512x1xf32>
    %select_n3A_462 = arith.select %le3A_459, %mul3A_452, %broadcast_in_dim3A_461 : vector<512x1xi1>, vector<512x1xf32>
    %max3A_463 = arith.maximumf %select_n3A_300, %select_n3A_323 : vector<512x1xf32>
    %max3A_464 = arith.maximumf %max3A_463, %select_n3A_346 : vector<512x1xf32>
    %max3A_465 = arith.maximumf %max3A_464, %select_n3A_369 : vector<512x1xf32>
    %max3A_466 = arith.maximumf %max3A_465, %select_n3A_393 : vector<512x1xf32>
    %max3A_467 = arith.maximumf %max3A_466, %select_n3A_416 : vector<512x1xf32>
    %max3A_468 = arith.maximumf %max3A_467, %select_n3A_439 : vector<512x1xf32>
    %max3A_469 = arith.maximumf %max3A_468, %select_n3A_462 : vector<512x1xf32>
    %sub3A_470 = arith.subf %select_n3A_300, %max3A_469 : vector<512x1xf32>
    %exp3A_471 = math.exp %sub3A_470 : vector<512x1xf32>
    %sub3A_472 = arith.subf %select_n3A_323, %max3A_469 : vector<512x1xf32>
    %exp3A_473 = math.exp %sub3A_472 : vector<512x1xf32>
    %sub3A_474 = arith.subf %select_n3A_346, %max3A_469 : vector<512x1xf32>
    %exp3A_475 = math.exp %sub3A_474 : vector<512x1xf32>
    %sub3A_476 = arith.subf %select_n3A_369, %max3A_469 : vector<512x1xf32>
    %exp3A_477 = math.exp %sub3A_476 : vector<512x1xf32>
    %sub3A_478 = arith.subf %select_n3A_393, %max3A_469 : vector<512x1xf32>
    %exp3A_479 = math.exp %sub3A_478 : vector<512x1xf32>
    %sub3A_480 = arith.subf %select_n3A_416, %max3A_469 : vector<512x1xf32>
    %exp3A_481 = math.exp %sub3A_480 : vector<512x1xf32>
    %sub3A_482 = arith.subf %select_n3A_439, %max3A_469 : vector<512x1xf32>
    %exp3A_483 = math.exp %sub3A_482 : vector<512x1xf32>
    %sub3A_484 = arith.subf %select_n3A_462, %max3A_469 : vector<512x1xf32>
    %exp3A_485 = math.exp %sub3A_484 : vector<512x1xf32>
    %add3A_486 = arith.addf %exp3A_471, %exp3A_473 : vector<512x1xf32>
    %add3A_487 = arith.addf %add3A_486, %exp3A_475 : vector<512x1xf32>
    %add3A_488 = arith.addf %add3A_487, %exp3A_477 : vector<512x1xf32>
    %add3A_489 = arith.addf %add3A_488, %exp3A_479 : vector<512x1xf32>
    %add3A_490 = arith.addf %add3A_489, %exp3A_481 : vector<512x1xf32>
    %add3A_491 = arith.addf %add3A_490, %exp3A_483 : vector<512x1xf32>
    %add3A_492 = arith.addf %add3A_491, %exp3A_485 : vector<512x1xf32>
    %mul3A_493 = vector.broadcast %exp3A_471 : vector<512x1xf32> to vector<512x128xf32>
    %mul3A_494 = arith.mulf %mul3A_493, %get3A_283 : vector<512x128xf32>
    %mul3A_495 = vector.broadcast %exp3A_473 : vector<512x1xf32> to vector<512x128xf32>
    %mul3A_496 = arith.mulf %mul3A_495, %get3A_306 : vector<512x128xf32>
    %add3A_497 = arith.addf %mul3A_494, %mul3A_496 : vector<512x128xf32>
    %mul3A_498 = vector.broadcast %exp3A_475 : vector<512x1xf32> to vector<512x128xf32>
    %mul3A_499 = arith.mulf %mul3A_498, %get3A_329 : vector<512x128xf32>
    %add3A_500 = arith.addf %add3A_497, %mul3A_499 : vector<512x128xf32>
    %mul3A_501 = vector.broadcast %exp3A_477 : vector<512x1xf32> to vector<512x128xf32>
    %mul3A_502 = arith.mulf %mul3A_501, %get3A_352 : vector<512x128xf32>
    %add3A_503 = arith.addf %add3A_500, %mul3A_502 : vector<512x128xf32>
    %mul3A_504 = vector.broadcast %exp3A_479 : vector<512x1xf32> to vector<512x128xf32>
    %mul3A_505 = arith.mulf %mul3A_504, %get3A_376 : vector<512x128xf32>
    %add3A_506 = arith.addf %add3A_503, %mul3A_505 : vector<512x128xf32>
    %mul3A_507 = vector.broadcast %exp3A_481 : vector<512x1xf32> to vector<512x128xf32>
    %mul3A_508 = arith.mulf %mul3A_507, %get3A_399 : vector<512x128xf32>
    %add3A_509 = arith.addf %add3A_506, %mul3A_508 : vector<512x128xf32>
    %mul3A_510 = vector.broadcast %exp3A_483 : vector<512x1xf32> to vector<512x128xf32>
    %mul3A_511 = arith.mulf %mul3A_510, %get3A_422 : vector<512x128xf32>
    %add3A_512 = arith.addf %add3A_509, %mul3A_511 : vector<512x128xf32>
    %mul3A_513 = vector.broadcast %exp3A_485 : vector<512x1xf32> to vector<512x128xf32>
    %mul3A_514 = arith.mulf %mul3A_513, %get3A_445 : vector<512x128xf32>
    %add3A_515 = arith.addf %add3A_512, %mul3A_514 : vector<512x128xf32>
    %slice3A_516 = vector.extract_strided_slice %add3A_515 {offsets = [0, 64], sizes = [512, 64], strides = [1, 1]} : vector<512x128xf32> to vector<512x64xf32>
    %div3A_517 = vector.broadcast %add3A_492 : vector<512x1xf32> to vector<512x64xf32>
    %div3A_518 = arith.divf %slice3A_516, %div3A_517 : vector<512x64xf32>
    %swap3A_519 = arith.constant 1 : index
    %swap3A_520 = arith.constant 0 : index
    %swap3A_521 = arith.constant 0 : index
    %swap3A_522 = vector.load %arg5[%swap3A_519, %swap3A_520, %swap3A_521] : memref<2x512x64xf32, #tpu.memory_space<vmem>>, vector<1x512x64xf32>
    %swap3A_523 = vector.shape_cast %swap3A_522 : vector<1x512x64xf32> to vector<512x64xf32>
    %swap3A_524 = vector.shape_cast %div3A_518 : vector<512x64xf32> to vector<1x512x64xf32>
    tpu.vector_store %arg5[%swap3A_519, %swap3A_520, %swap3A_521], %swap3A_524 {strides = array<i32>} : memref<2x512x64xf32, #tpu.memory_space<vmem>>, vector<1x512x64xf32>,
    return
  }
  func.func @transform_0(%arg0: i32, %arg1: i32) -> (i32, i32) {
    %add3A = arith.constant 0 : i32
    %add3A_0 = arith.addi %add3A, %arg0 : i32
    %c0_i32 = arith.constant 0 : i32
    return %arg1, %add3A_0 : i32, i32
  }
  func.func @transform_1(%arg0: i32, %arg1: i32) -> (i32, i32, i32) {
    %c0_i32 = arith.constant 0 : i32
    %c0_i32_0 = arith.constant 0 : i32
    return %arg0, %arg1, %c0_i32 : i32, i32, i32
  }
  func.func @transform_2(%arg0: i32, %arg1: i32) -> (i32, i32, i32, i32) {
    %c0_i32 = arith.constant 0 : i32
    %c0_i32_0 = arith.constant 0 : i32
    %c0_i32_1 = arith.constant 0 : i32
    return %arg0, %c0_i32, %arg1, %c0_i32_0 : i32, i32, i32, i32
  }
  func.func @transform_3(%arg0: i32, %arg1: i32) -> (i32, i32, i32) {
    %c0_i32 = arith.constant 0 : i32
    %c0_i32_0 = arith.constant 0 : i32
    return %arg0, %arg1, %c0_i32 : i32, i32, i32
  }
}

module attributes {stable_mosaic.version = 14 : i64} {
  func.func @_s4a_body(%arg0: i32, %arg1: i32, %arg2: memref<4x256x64xf32, #tpu.memory_space<vmem>>, %arg3: memref<4x256x64xf32, #tpu.memory_space<vmem>>, %arg4: memref<4x256x64xf32, #tpu.memory_space<vmem>>, %arg5: memref<256x48xf32, #tpu.memory_space<vmem>>, %arg6: memref<1x48x768xf32, #tpu.memory_space<vmem>>, %arg7: memref<256x1024xf32, #tpu.memory_space<vmem>>, %arg8: memref<256x1024xf32, #tpu.memory_space<vmem>>, %arg9: memref<1x1024xf32, #tpu.memory_space<vmem>>, %arg10: memref<256x1024xf32, #tpu.memory_space<vmem>>) attributes {dimension_semantics = [#tpu.dimension_semantics<arbitrary>, #tpu.dimension_semantics<arbitrary>], iteration_bounds = array<i64: 8, 4>, scalar_prefetch = 0 : i64, scratch_operands = 0 : i64, tpu.core_type = #tpu.core_type<tc>, window_params = [{transform_indices = @transform_0, window_bounds = array<i64: 4, 256, 64>}, {transform_indices = @transform_1, window_bounds = array<i64: 4, 256, 64>}, {transform_indices = @transform_2, window_bounds = array<i64: 4, 256, 64>}, {transform_indices = @transform_3, window_bounds = array<i64: 256, 48>}, {transform_indices = @transform_4, window_bounds = array<i64: 1, 48, 768>}, {transform_indices = @transform_5, window_bounds = array<i64: 256, 1024>}, {transform_indices = @transform_6, window_bounds = array<i64: 256, 1024>}, {pipeline_mode = #tpu.pipeline_mode<synchronous>, transform_indices = @transform_7, window_bounds = array<i64: 1, 1024>}, {transform_indices = @transform_8, window_bounds = array<i64: 256, 1024>}]} {
    %get3A = arith.constant 0 : index
    %get3A_0 = arith.constant 0 : index
    %get3A_1 = vector.load %arg5[%get3A, %get3A_0] : memref<256x48xf32, #tpu.memory_space<vmem>>, vector<256x48xf32>
    %logistic3A = arith.negf %get3A_1 : vector<256x48xf32>
    %logistic3A_2 = math.exp %logistic3A : vector<256x48xf32>
    %logistic3A_3 = arith.constant 1.000000e+00 : f32
    %logistic3A_4 = vector.broadcast %logistic3A_3 : f32 to vector<256x48xf32>
    %logistic3A_5 = arith.addf %logistic3A_4, %logistic3A_2 : vector<256x48xf32>
    %logistic3A_6 = arith.divf %logistic3A_4, %logistic3A_5 : vector<256x48xf32>
    %get3A_7 = arith.constant 0 : index
    %get3A_8 = arith.constant 0 : index
    %get3A_9 = arith.constant 0 : index
    %get3A_10 = vector.load %arg6[%get3A_7, %get3A_8, %get3A_9] : memref<1x48x768xf32, #tpu.memory_space<vmem>>, vector<1x48x768xf32>
    %get3A_11 = vector.shape_cast %get3A_10 : vector<1x48x768xf32> to vector<48x768xf32>
    %dot_general3A = arith.constant dense<0.000000e+00> : vector<256x768xf32>
    %dot_general3A_12 = tpu.matmul %logistic3A_6, %get3A_11, %dot_general3A {dimension_numbers = #tpu.dot_dimension_numbers<[1], [0], [0], [1], [0, 0, 1, 1], [], []>, transpose_lhs_hint = false} : vector<256x48xf32>, vector<48x768xf32>, vector<256x768xf32> -> vector<256x768xf32>
    %slice3A = vector.extract_strided_slice %dot_general3A_12 {offsets = [0, 0], sizes = [256, 256], strides = [1, 1]} : vector<256x768xf32> to vector<256x256xf32>
    %get3A_13 = arith.constant 0 : index
    %get3A_14 = arith.constant 0 : index
    %get3A_15 = arith.constant 0 : index
    %get3A_16 = vector.load %arg2[%get3A_13, %get3A_14, %get3A_15] : memref<4x256x64xf32, #tpu.memory_space<vmem>>, vector<1x256x64xf32>
    %get3A_17 = vector.shape_cast %get3A_16 : vector<1x256x64xf32> to vector<256x64xf32>
    %get3A_18 = arith.constant 1 : index
    %get3A_19 = arith.constant 0 : index
    %get3A_20 = arith.constant 0 : index
    %get3A_21 = vector.load %arg2[%get3A_18, %get3A_19, %get3A_20] : memref<4x256x64xf32, #tpu.memory_space<vmem>>, vector<1x256x64xf32>
    %get3A_22 = vector.shape_cast %get3A_21 : vector<1x256x64xf32> to vector<256x64xf32>
    %get3A_23 = arith.constant 2 : index
    %get3A_24 = arith.constant 0 : index
    %get3A_25 = arith.constant 0 : index
    %get3A_26 = vector.load %arg2[%get3A_23, %get3A_24, %get3A_25] : memref<4x256x64xf32, #tpu.memory_space<vmem>>, vector<1x256x64xf32>
    %get3A_27 = vector.shape_cast %get3A_26 : vector<1x256x64xf32> to vector<256x64xf32>
    %get3A_28 = arith.constant 3 : index
    %get3A_29 = arith.constant 0 : index
    %get3A_30 = arith.constant 0 : index
    %get3A_31 = vector.load %arg2[%get3A_28, %get3A_29, %get3A_30] : memref<4x256x64xf32, #tpu.memory_space<vmem>>, vector<1x256x64xf32>
    %get3A_32 = vector.shape_cast %get3A_31 : vector<1x256x64xf32> to vector<256x64xf32>
    %concatenate3A = tpu.concatenate %get3A_17, %get3A_22, %get3A_27, %get3A_32 in 1 : vector<256x64xf32>, vector<256x64xf32>, vector<256x64xf32>, vector<256x64xf32> -> vector<256x256xf32>
    %mul3A = arith.mulf %slice3A, %concatenate3A : vector<256x256xf32>
    %slice3A_33 = vector.extract_strided_slice %dot_general3A_12 {offsets = [0, 256], sizes = [256, 256], strides = [1, 1]} : vector<256x768xf32> to vector<256x256xf32>
    %get3A_34 = arith.constant 0 : index
    %get3A_35 = arith.constant 0 : index
    %get3A_36 = arith.constant 0 : index
    %get3A_37 = vector.load %arg3[%get3A_34, %get3A_35, %get3A_36] : memref<4x256x64xf32, #tpu.memory_space<vmem>>, vector<1x256x64xf32>
    %get3A_38 = vector.shape_cast %get3A_37 : vector<1x256x64xf32> to vector<256x64xf32>
    %get3A_39 = arith.constant 1 : index
    %get3A_40 = arith.constant 0 : index
    %get3A_41 = arith.constant 0 : index
    %get3A_42 = vector.load %arg3[%get3A_39, %get3A_40, %get3A_41] : memref<4x256x64xf32, #tpu.memory_space<vmem>>, vector<1x256x64xf32>
    %get3A_43 = vector.shape_cast %get3A_42 : vector<1x256x64xf32> to vector<256x64xf32>
    %get3A_44 = arith.constant 2 : index
    %get3A_45 = arith.constant 0 : index
    %get3A_46 = arith.constant 0 : index
    %get3A_47 = vector.load %arg3[%get3A_44, %get3A_45, %get3A_46] : memref<4x256x64xf32, #tpu.memory_space<vmem>>, vector<1x256x64xf32>
    %get3A_48 = vector.shape_cast %get3A_47 : vector<1x256x64xf32> to vector<256x64xf32>
    %get3A_49 = arith.constant 3 : index
    %get3A_50 = arith.constant 0 : index
    %get3A_51 = arith.constant 0 : index
    %get3A_52 = vector.load %arg3[%get3A_49, %get3A_50, %get3A_51] : memref<4x256x64xf32, #tpu.memory_space<vmem>>, vector<1x256x64xf32>
    %get3A_53 = vector.shape_cast %get3A_52 : vector<1x256x64xf32> to vector<256x64xf32>
    %concatenate3A_54 = tpu.concatenate %get3A_38, %get3A_43, %get3A_48, %get3A_53 in 1 : vector<256x64xf32>, vector<256x64xf32>, vector<256x64xf32>, vector<256x64xf32> -> vector<256x256xf32>
    %mul3A_55 = arith.mulf %slice3A_33, %concatenate3A_54 : vector<256x256xf32>
    %add3A = arith.addf %mul3A, %mul3A_55 : vector<256x256xf32>
    %slice3A_56 = vector.extract_strided_slice %dot_general3A_12 {offsets = [0, 512], sizes = [256, 256], strides = [1, 1]} : vector<256x768xf32> to vector<256x256xf32>
    %get3A_57 = arith.constant 0 : index
    %get3A_58 = arith.constant 0 : index
    %get3A_59 = arith.constant 0 : index
    %get3A_60 = vector.load %arg4[%get3A_57, %get3A_58, %get3A_59] : memref<4x256x64xf32, #tpu.memory_space<vmem>>, vector<1x256x64xf32>
    %get3A_61 = vector.shape_cast %get3A_60 : vector<1x256x64xf32> to vector<256x64xf32>
    %get3A_62 = arith.constant 1 : index
    %get3A_63 = arith.constant 0 : index
    %get3A_64 = arith.constant 0 : index
    %get3A_65 = vector.load %arg4[%get3A_62, %get3A_63, %get3A_64] : memref<4x256x64xf32, #tpu.memory_space<vmem>>, vector<1x256x64xf32>
    %get3A_66 = vector.shape_cast %get3A_65 : vector<1x256x64xf32> to vector<256x64xf32>
    %get3A_67 = arith.constant 2 : index
    %get3A_68 = arith.constant 0 : index
    %get3A_69 = arith.constant 0 : index
    %get3A_70 = vector.load %arg4[%get3A_67, %get3A_68, %get3A_69] : memref<4x256x64xf32, #tpu.memory_space<vmem>>, vector<1x256x64xf32>
    %get3A_71 = vector.shape_cast %get3A_70 : vector<1x256x64xf32> to vector<256x64xf32>
    %get3A_72 = arith.constant 3 : index
    %get3A_73 = arith.constant 0 : index
    %get3A_74 = arith.constant 0 : index
    %get3A_75 = vector.load %arg4[%get3A_72, %get3A_73, %get3A_74] : memref<4x256x64xf32, #tpu.memory_space<vmem>>, vector<1x256x64xf32>
    %get3A_76 = vector.shape_cast %get3A_75 : vector<1x256x64xf32> to vector<256x64xf32>
    %concatenate3A_77 = tpu.concatenate %get3A_61, %get3A_66, %get3A_71, %get3A_76 in 1 : vector<256x64xf32>, vector<256x64xf32>, vector<256x64xf32>, vector<256x64xf32> -> vector<256x256xf32>
    %mul3A_78 = arith.mulf %slice3A_56, %concatenate3A_77 : vector<256x256xf32>
    %add3A_79 = arith.addf %add3A, %mul3A_78 : vector<256x256xf32>
    %get3A_80 = arith.constant 0 : index
    %get3A_81 = arith.constant 0 : index
    %get3A_82 = vector.load %arg7[%get3A_80, %get3A_81] : memref<256x1024xf32, #tpu.memory_space<vmem>>, vector<256x1024xf32>
    %dot_general3A_83 = arith.constant dense<0.000000e+00> : vector<256x1024xf32>
    %dot_general3A_84 = tpu.matmul %add3A_79, %get3A_82, %dot_general3A_83 {dimension_numbers = #tpu.dot_dimension_numbers<[1], [0], [0], [1], [0, 0, 1, 1], [], []>, transpose_lhs_hint = false} : vector<256x256xf32>, vector<256x1024xf32>, vector<256x1024xf32> -> vector<256x1024xf32>
    %eq3A = arith.constant 0 : i32
    %eq3A_85 = arith.cmpi eq, %arg1, %eq3A : i32
    %convert_element_type3A = arith.extui %eq3A_85 : i1 to i32
    %cond3A = arith.constant 0 : i32
    %cond3A_86 = arith.cmpi ne, %convert_element_type3A, %cond3A : i32
    scf.if %cond3A_86 {
      %get3A_91 = arith.constant 0 : index
      %get3A_92 = arith.constant 0 : index
      %get3A_93 = vector.load %arg8[%get3A_91, %get3A_92] : memref<256x1024xf32, #tpu.memory_space<vmem>>, vector<256x1024xf32>
      %get3A_94 = arith.constant 0 : index
      %get3A_95 = arith.constant 0 : index
      %get3A_96 = vector.load %arg9[%get3A_94, %get3A_95] : memref<1x1024xf32, #tpu.memory_space<vmem>>, vector<1x1024xf32>
      %add3A_97 = vector.broadcast %get3A_96 : vector<1x1024xf32> to vector<256x1024xf32>
      %add3A_98 = arith.addf %get3A_93, %add3A_97 : vector<256x1024xf32>
      %add3A_99 = arith.addf %add3A_98, %dot_general3A_84 : vector<256x1024xf32>
      %swap3A = arith.constant 0 : index
      %swap3A_100 = arith.constant 0 : index
      %swap3A_101 = vector.load %arg10[%swap3A, %swap3A_100] : memref<256x1024xf32, #tpu.memory_space<vmem>>, vector<256x1024xf32>
      tpu.vector_store %arg10[%swap3A, %swap3A_100], %add3A_99 {strides = array<i32>} : memref<256x1024xf32, #tpu.memory_space<vmem>>, vector<256x1024xf32>,
    } else {
    }
    %ne3A = arith.constant 0 : i32
    %ne3A_87 = arith.cmpi ne, %arg1, %ne3A : i32
    %convert_element_type3A_88 = arith.extui %ne3A_87 : i1 to i32
    %cond3A_89 = arith.constant 0 : i32
    %cond3A_90 = arith.cmpi ne, %convert_element_type3A_88, %cond3A_89 : i32
    scf.if %cond3A_90 {
      %get3A_91 = arith.constant 0 : index
      %get3A_92 = arith.constant 0 : index
      %get3A_93 = vector.load %arg10[%get3A_91, %get3A_92] : memref<256x1024xf32, #tpu.memory_space<vmem>>, vector<256x1024xf32>
      %add3A_94 = arith.addf %get3A_93, %dot_general3A_84 : vector<256x1024xf32>
      %swap3A = arith.constant 0 : index
      %swap3A_95 = arith.constant 0 : index
      %swap3A_96 = vector.load %arg10[%swap3A, %swap3A_95] : memref<256x1024xf32, #tpu.memory_space<vmem>>, vector<256x1024xf32>
      tpu.vector_store %arg10[%swap3A, %swap3A_95], %add3A_94 {strides = array<i32>} : memref<256x1024xf32, #tpu.memory_space<vmem>>, vector<256x1024xf32>,
    } else {
    }
    return
  }
  func.func @transform_0(%arg0: i32, %arg1: i32) -> (i32, i32, i32) {
    %c0_i32 = arith.constant 0 : i32
    %c0_i32_0 = arith.constant 0 : i32
    return %arg1, %arg0, %c0_i32 : i32, i32, i32
  }
  func.func @transform_1(%arg0: i32, %arg1: i32) -> (i32, i32, i32) {
    %c0_i32 = arith.constant 0 : i32
    %c0_i32_0 = arith.constant 0 : i32
    return %arg1, %arg0, %c0_i32 : i32, i32, i32
  }
  func.func @transform_2(%arg0: i32, %arg1: i32) -> (i32, i32, i32) {
    %c0_i32 = arith.constant 0 : i32
    %c0_i32_0 = arith.constant 0 : i32
    return %arg1, %arg0, %c0_i32 : i32, i32, i32
  }
  func.func @transform_3(%arg0: i32, %arg1: i32) -> (i32, i32) {
    %c0_i32 = arith.constant 0 : i32
    %c0_i32_0 = arith.constant 0 : i32
    return %arg0, %c0_i32 : i32, i32
  }
  func.func @transform_4(%arg0: i32, %arg1: i32) -> (i32, i32, i32) {
    %c0_i32 = arith.constant 0 : i32
    %c0_i32_0 = arith.constant 0 : i32
    %c0_i32_1 = arith.constant 0 : i32
    return %arg1, %c0_i32, %c0_i32_0 : i32, i32, i32
  }
  func.func @transform_5(%arg0: i32, %arg1: i32) -> (i32, i32) {
    %c0_i32 = arith.constant 0 : i32
    %c0_i32_0 = arith.constant 0 : i32
    return %arg1, %c0_i32 : i32, i32
  }
  func.func @transform_6(%arg0: i32, %arg1: i32) -> (i32, i32) {
    %c0_i32 = arith.constant 0 : i32
    %c0_i32_0 = arith.constant 0 : i32
    return %arg0, %c0_i32 : i32, i32
  }
  func.func @transform_7(%arg0: i32, %arg1: i32) -> (i32, i32) {
    %c0_i32 = arith.constant 0 : i32
    %c0_i32_0 = arith.constant 0 : i32
    %c0_i32_1 = arith.constant 0 : i32
    return %c0_i32, %c0_i32_0 : i32, i32
  }
  func.func @transform_8(%arg0: i32, %arg1: i32) -> (i32, i32) {
    %c0_i32 = arith.constant 0 : i32
    %c0_i32_0 = arith.constant 0 : i32
    return %arg0, %c0_i32 : i32, i32
  }
}

module attributes {stable_mosaic.version = 14 : i64} {
  func.func @_s4b_body(%arg0: i32, %arg1: i32, %arg2: memref<256x1024xf32, #tpu.memory_space<vmem>>, %arg3: memref<1x1024xf32, #tpu.memory_space<vmem>>, %arg4: memref<1x1024xf32, #tpu.memory_space<vmem>>, %arg5: memref<1024x512xf32, #tpu.memory_space<vmem>>, %arg6: memref<1x512xf32, #tpu.memory_space<vmem>>, %arg7: memref<512x1024xf32, #tpu.memory_space<vmem>>, %arg8: memref<1x1024xf32, #tpu.memory_space<vmem>>, %arg9: memref<256x1024xf32, #tpu.memory_space<vmem>>, %arg10: memref<256x1024xf32, #tpu.memory_space<vmem>>) attributes {dimension_semantics = [#tpu.dimension_semantics<arbitrary>, #tpu.dimension_semantics<arbitrary>], iteration_bounds = array<i64: 8, 8>, scalar_prefetch = 0 : i64, scratch_operands = 1 : i64, tpu.core_type = #tpu.core_type<tc>, window_params = [{transform_indices = @transform_0, window_bounds = array<i64: 256, 1024>}, {pipeline_mode = #tpu.pipeline_mode<synchronous>, transform_indices = @transform_1, window_bounds = array<i64: 1, 1024>}, {pipeline_mode = #tpu.pipeline_mode<synchronous>, transform_indices = @transform_2, window_bounds = array<i64: 1, 1024>}, {transform_indices = @transform_3, window_bounds = array<i64: 1024, 512>}, {transform_indices = @transform_4, window_bounds = array<i64: 1, 512>}, {transform_indices = @transform_5, window_bounds = array<i64: 512, 1024>}, {pipeline_mode = #tpu.pipeline_mode<synchronous>, transform_indices = @transform_6, window_bounds = array<i64: 1, 1024>}, {transform_indices = @transform_7, window_bounds = array<i64: 256, 1024>}]} {
    %eq3A = arith.constant 0 : i32
    %eq3A_0 = arith.cmpi eq, %arg1, %eq3A : i32
    %convert_element_type3A = arith.extui %eq3A_0 : i1 to i32
    %cond3A = arith.constant 0 : i32
    %cond3A_1 = arith.cmpi ne, %convert_element_type3A, %cond3A : i32
    scf.if %cond3A_1 {
      %get3A_37 = arith.constant 0 : index
      %get3A_38 = arith.constant 0 : index
      %get3A_39 = vector.load %arg2[%get3A_37, %get3A_38] : memref<256x1024xf32, #tpu.memory_space<vmem>>, vector<256x1024xf32>
      %reduce_sum3A = arith.constant dense<0.000000e+00> : vector<256xf32>
      %reduce_sum3A_40 = vector.multi_reduction <add>, %get3A_39, %reduce_sum3A [1] : vector<256x1024xf32> to vector<256xf32>
      %broadcast_in_dim3A = vector.shape_cast %reduce_sum3A_40 : vector<256xf32> to vector<256x1xf32>
      %div3A = arith.constant 1.024000e+03 : f32
      %div3A_41 = vector.broadcast %div3A : f32 to vector<256x1xf32>
      %div3A_42 = arith.divf %broadcast_in_dim3A, %div3A_41 : vector<256x1xf32>
      %sub3A = vector.broadcast %div3A_42 : vector<256x1xf32> to vector<256x1024xf32>
      %sub3A_43 = arith.subf %get3A_39, %sub3A : vector<256x1024xf32>
      %integer_pow3A_44 = arith.mulf %sub3A_43, %sub3A_43 : vector<256x1024xf32>
      %reduce_sum3A_45 = arith.constant dense<0.000000e+00> : vector<256xf32>
      %reduce_sum3A_46 = vector.multi_reduction <add>, %integer_pow3A_44, %reduce_sum3A_45 [1] : vector<256x1024xf32> to vector<256xf32>
      %broadcast_in_dim3A_47 = vector.shape_cast %reduce_sum3A_46 : vector<256xf32> to vector<256x1xf32>
      %div3A_48 = arith.constant 1.024000e+03 : f32
      %div3A_49 = vector.broadcast %div3A_48 : f32 to vector<256x1xf32>
      %div3A_50 = arith.divf %broadcast_in_dim3A_47, %div3A_49 : vector<256x1xf32>
      %sub3A_51 = vector.broadcast %div3A_42 : vector<256x1xf32> to vector<256x1024xf32>
      %sub3A_52 = arith.subf %get3A_39, %sub3A_51 : vector<256x1024xf32>
      %add3A_53 = arith.constant 9.99999974E-6 : f32
      %add3A_54 = vector.broadcast %add3A_53 : f32 to vector<256x1xf32>
      %add3A_55 = arith.addf %div3A_50, %add3A_54 : vector<256x1xf32>
      %sqrt3A = math.sqrt %add3A_55 : vector<256x1xf32>
      %div3A_56 = vector.broadcast %sqrt3A : vector<256x1xf32> to vector<256x1024xf32>
      %div3A_57 = arith.divf %sub3A_52, %div3A_56 : vector<256x1024xf32>
      %get3A_58 = arith.constant 0 : index
      %get3A_59 = arith.constant 0 : index
      %get3A_60 = vector.load %arg3[%get3A_58, %get3A_59] : memref<1x1024xf32, #tpu.memory_space<vmem>>, vector<1x1024xf32>
      %mul3A_61 = vector.broadcast %get3A_60 : vector<1x1024xf32> to vector<256x1024xf32>
      %mul3A_62 = arith.mulf %div3A_57, %mul3A_61 : vector<256x1024xf32>
      %get3A_63 = arith.constant 0 : index
      %get3A_64 = arith.constant 0 : index
      %get3A_65 = vector.load %arg4[%get3A_63, %get3A_64] : memref<1x1024xf32, #tpu.memory_space<vmem>>, vector<1x1024xf32>
      %add3A_66 = vector.broadcast %get3A_65 : vector<1x1024xf32> to vector<256x1024xf32>
      %add3A_67 = arith.addf %mul3A_62, %add3A_66 : vector<256x1024xf32>
      %swap3A_68 = arith.constant 0 : index
      %swap3A_69 = arith.constant 0 : index
      %swap3A_70 = vector.load %arg10[%swap3A_68, %swap3A_69] : memref<256x1024xf32, #tpu.memory_space<vmem>>, vector<256x1024xf32>
      tpu.vector_store %arg10[%swap3A_68, %swap3A_69], %add3A_67 {strides = array<i32>} : memref<256x1024xf32, #tpu.memory_space<vmem>>, vector<256x1024xf32>,
      %get3A_71 = arith.constant 0 : index
      %get3A_72 = arith.constant 0 : index
      %get3A_73 = vector.load %arg8[%get3A_71, %get3A_72] : memref<1x1024xf32, #tpu.memory_space<vmem>>, vector<1x1024xf32>
      %add3A_74 = vector.broadcast %get3A_73 : vector<1x1024xf32> to vector<256x1024xf32>
      %add3A_75 = arith.addf %get3A_39, %add3A_74 : vector<256x1024xf32>
      %swap3A_76 = arith.constant 0 : index
      %swap3A_77 = arith.constant 0 : index
      %swap3A_78 = vector.load %arg9[%swap3A_76, %swap3A_77] : memref<256x1024xf32, #tpu.memory_space<vmem>>, vector<256x1024xf32>
      tpu.vector_store %arg9[%swap3A_76, %swap3A_77], %add3A_75 {strides = array<i32>} : memref<256x1024xf32, #tpu.memory_space<vmem>>, vector<256x1024xf32>,
    } else {
    }
    %get3A = arith.constant 0 : index
    %get3A_2 = arith.constant 0 : index
    %get3A_3 = vector.load %arg10[%get3A, %get3A_2] : memref<256x1024xf32, #tpu.memory_space<vmem>>, vector<256x1024xf32>
    %get3A_4 = arith.constant 0 : index
    %get3A_5 = arith.constant 0 : index
    %get3A_6 = vector.load %arg5[%get3A_4, %get3A_5] : memref<1024x512xf32, #tpu.memory_space<vmem>>, vector<1024x512xf32>
    %dot_general3A = arith.constant dense<0.000000e+00> : vector<256x512xf32>
    %dot_general3A_7 = tpu.matmul %get3A_3, %get3A_6, %dot_general3A {dimension_numbers = #tpu.dot_dimension_numbers<[1], [0], [0], [1], [0, 0, 1, 1], [], []>, transpose_lhs_hint = false} : vector<256x1024xf32>, vector<1024x512xf32>, vector<256x512xf32> -> vector<256x512xf32>
    %get3A_8 = arith.constant 0 : index
    %get3A_9 = arith.constant 0 : index
    %get3A_10 = vector.load %arg6[%get3A_8, %get3A_9] : memref<1x512xf32, #tpu.memory_space<vmem>>, vector<1x512xf32>
    %add3A = vector.broadcast %get3A_10 : vector<1x512xf32> to vector<256x512xf32>
    %add3A_11 = arith.addf %dot_general3A_7, %add3A : vector<256x512xf32>
    %integer_pow3A = arith.mulf %add3A_11, %add3A_11 : vector<256x512xf32>
    %integer_pow3A_12 = arith.mulf %add3A_11, %integer_pow3A : vector<256x512xf32>
    %mul3A = arith.constant 4.471500e-02 : f32
    %mul3A_13 = vector.broadcast %mul3A : f32 to vector<256x512xf32>
    %mul3A_14 = arith.mulf %mul3A_13, %integer_pow3A_12 : vector<256x512xf32>
    %add3A_15 = arith.addf %add3A_11, %mul3A_14 : vector<256x512xf32>
    %mul3A_16 = arith.constant 0.797884583 : f32
    %mul3A_17 = vector.broadcast %mul3A_16 : f32 to vector<256x512xf32>
    %mul3A_18 = arith.mulf %mul3A_17, %add3A_15 : vector<256x512xf32>
    %tanh3A = math.tanh %mul3A_18 : vector<256x512xf32>
    %add3A_19 = arith.constant 1.000000e+00 : f32
    %add3A_20 = vector.broadcast %add3A_19 : f32 to vector<256x512xf32>
    %add3A_21 = arith.addf %add3A_20, %tanh3A : vector<256x512xf32>
    %mul3A_22 = arith.constant 5.000000e-01 : f32
    %mul3A_23 = vector.broadcast %mul3A_22 : f32 to vector<256x512xf32>
    %mul3A_24 = arith.mulf %mul3A_23, %add3A_21 : vector<256x512xf32>
    %mul3A_25 = arith.mulf %add3A_11, %mul3A_24 : vector<256x512xf32>
    %get3A_26 = arith.constant 0 : index
    %get3A_27 = arith.constant 0 : index
    %get3A_28 = vector.load %arg9[%get3A_26, %get3A_27] : memref<256x1024xf32, #tpu.memory_space<vmem>>, vector<256x1024xf32>
    %get3A_29 = arith.constant 0 : index
    %get3A_30 = arith.constant 0 : index
    %get3A_31 = vector.load %arg7[%get3A_29, %get3A_30] : memref<512x1024xf32, #tpu.memory_space<vmem>>, vector<512x1024xf32>
    %dot_general3A_32 = arith.constant dense<0.000000e+00> : vector<256x1024xf32>
    %dot_general3A_33 = tpu.matmul %mul3A_25, %get3A_31, %dot_general3A_32 {dimension_numbers = #tpu.dot_dimension_numbers<[1], [0], [0], [1], [0, 0, 1, 1], [], []>, transpose_lhs_hint = false} : vector<256x512xf32>, vector<512x1024xf32>, vector<256x1024xf32> -> vector<256x1024xf32>
    %add3A_34 = arith.addf %get3A_28, %dot_general3A_33 : vector<256x1024xf32>
    %swap3A = arith.constant 0 : index
    %swap3A_35 = arith.constant 0 : index
    %swap3A_36 = vector.load %arg9[%swap3A, %swap3A_35] : memref<256x1024xf32, #tpu.memory_space<vmem>>, vector<256x1024xf32>
    tpu.vector_store %arg9[%swap3A, %swap3A_35], %add3A_34 {strides = array<i32>} : memref<256x1024xf32, #tpu.memory_space<vmem>>, vector<256x1024xf32>,
    return
  }
  func.func @transform_0(%arg0: i32, %arg1: i32) -> (i32, i32) {
    %c0_i32 = arith.constant 0 : i32
    %c0_i32_0 = arith.constant 0 : i32
    return %arg0, %c0_i32 : i32, i32
  }
  func.func @transform_1(%arg0: i32, %arg1: i32) -> (i32, i32) {
    %c0_i32 = arith.constant 0 : i32
    %c0_i32_0 = arith.constant 0 : i32
    %c0_i32_1 = arith.constant 0 : i32
    return %c0_i32, %c0_i32_0 : i32, i32
  }
  func.func @transform_2(%arg0: i32, %arg1: i32) -> (i32, i32) {
    %c0_i32 = arith.constant 0 : i32
    %c0_i32_0 = arith.constant 0 : i32
    %c0_i32_1 = arith.constant 0 : i32
    return %c0_i32, %c0_i32_0 : i32, i32
  }
  func.func @transform_3(%arg0: i32, %arg1: i32) -> (i32, i32) {
    %c0_i32 = arith.constant 0 : i32
    %c0_i32_0 = arith.constant 0 : i32
    return %c0_i32, %arg1 : i32, i32
  }
  func.func @transform_4(%arg0: i32, %arg1: i32) -> (i32, i32) {
    %c0_i32 = arith.constant 0 : i32
    %c0_i32_0 = arith.constant 0 : i32
    return %c0_i32, %arg1 : i32, i32
  }
  func.func @transform_5(%arg0: i32, %arg1: i32) -> (i32, i32) {
    %c0_i32 = arith.constant 0 : i32
    %c0_i32_0 = arith.constant 0 : i32
    return %arg1, %c0_i32 : i32, i32
  }
  func.func @transform_6(%arg0: i32, %arg1: i32) -> (i32, i32) {
    %c0_i32 = arith.constant 0 : i32
    %c0_i32_0 = arith.constant 0 : i32
    %c0_i32_1 = arith.constant 0 : i32
    return %c0_i32, %c0_i32_0 : i32, i32
  }
  func.func @transform_7(%arg0: i32, %arg1: i32) -> (i32, i32) {
    %c0_i32 = arith.constant 0 : i32
    %c0_i32_0 = arith.constant 0 : i32
    return %arg0, %c0_i32 : i32, i32
  }
}

</mosaic_0001>

<sc_bundles>
// kernel: kernel.12.cloned.1.call-start
scs
__scs_entry_jumppad:
0x0: {  	(pc) =	sbr.rel $0x88, $3  }
0x1: {  	(tag) =	ssettag $0x0;
	lr =	simm.s32 $0x1  }
0x2: {  	[smem:$0x3F8D] =	sst lr;
	_ =	strace $0xD0000000  }
0x3: {  	_ = 	snop  }
0x4: {  	_ = 	snop  }
0x5: {  	_ = 	snop  }
0x6: {  	_ = 	snop  }
0x7: {  	_ = 	snop  }
__scs_overlays_trampoline_lowered:
0x8: {  	[smem:$0x3F9C] =	sst s0  }
0x9: {  	[smem:$0x3F9D] =	sst s1  }
0xa: {  	[smem:$0x3F9E] =	sst s2  }
0xb: {  	[smem:$0x3F9F] =	sst s3  }
0xc: {  	[smem:$0x3FA0] =	sst s4  }
0xd: {  	[smem:$0x3FA1] =	sst s5  }
0xe: {  	[smem:$0x3FA2] =	sst s6  }
0xf: {  	[smem:$0x3FA3] =	sst s7  }
0x10: {  	[smem:$0x3FA4] =	sst s8  }
0x11: {  	[smem:$0x3FA5] =	sst s9;
	s0 =	simm.s32 @!p0 $0x0  }
0x12: {  	s1 =	sld [smem:$0x3F8B];
	s0 =	simm.s32 @p0 $0x1  }
0x13: {  	[smem:$0x3FA6] =	sst s0;
	s0 =	simm.s32 @!p1 $0x0  }
0x14: {  	s2 =	sld [smem:$0x3F8A];
	s0 =	simm.s32 @p1 $0x1  }
0x15: {  	[smem:$0x3FA7] =	sst s0;
	s0 =	simm.s32 @!p2 $0x0  }
0x16: {  	s3 =	sld [smem:$0x3FDB];
	s0 =	simm.s32 @p2 $0x1  }
0x17: {  	s4 =	simm.s32 $0x1BF5;
	[smem:$0x3FA9] =	sst s0  }
0x18: {  	s0 =	sld [smem:$0x3F8C];
	_ =	swait.ge [sflag:s4], $0x0  }
0x19: {  	s7 =	sld [smem:$0x3F8D]  }
0x1a: {  	s8 =	sadd.s32 $0xFFFFE003, lr  }
0x1b: {  	s9 =	sadd.s32 $0xFFFFFEF7, lr;
	s5 =	simm.s32 $0xFFFFFFFF;
	p2 =	slt.u32 s8, $0xFFFFF086  }
0x1c: {  	p1 =	slt.u32 s9, $0xF7A;
	s5 =	simm.s32 @!p2 $0x0  }
0x1d: {  	s5 =	simm.s32 @p1 $0x1;
	p0 =	seq.s32 s7, s2  }
0x1e: {  	s7 =	smul.u32 @!p0 $0xF7A, s2;
	p2 =	seq.s32 @!p0 s5, $0x0  }
0x1f: {  	s9 =	smul.u32 $0xF7A, s1;
	s8 =	simm.s32 @!p0 $0x1BF5;
	p2 =	por !p2, p0  }
0x20: {  	[sflag:s8] =	ssyncset.s32 @!p0 $0xFFFFF086;
	s6 =	sadd.s32 @!p0 s3, s7;
	s7 =	simm.s32 @!p0 $0x108  }
0x21: {  	s3 =	sadd.s32 s3, s9;
	s6 =	sadd.s32 @!p0 $0x88, s6;
	s7 =	simm.s32 @p2 $0x1082  }
0x22: {  	[simem:s7], [sflag:s8] =	dma.local @!p0 [hbm:s6], $0xF7A  }
0x23: {  	s9 =	sor.u32 $0xD0000000, s2;
	s6 =	simm.s32 $0x108;
	_ =	swait.ge @!p0 [sflag:s8], $0x0  }
0x24: {  	s3 =	sadd.s32 $0x88, s3;
	s6 =	simm.s32 @!p1 $0x1082;
	[sflag:s4] =	ssyncset.s32 $0xFFFFF086  }
0x25: {  	[simem:s6], [sflag:s4] =	dma.local [hbm:s3], $0xF7A  }
0x26: {  	[smem:$0x3F8D] =	sst s1;
	(tag) =	ssettag s2;
	_ =	strace s9  }
0x27: {  	s1 =	sld [smem:$0x3F9D]  }
0x28: {  	s2 =	sld [smem:$0x3F9E]  }
0x29: {  	s4 =	sld [smem:$0x3FA0]  }
0x2a: {  	p0 =	seq.s32 s5, $0x0;
	s5 =	sld [smem:$0x3FA1]  }
0x2b: {  	s6 =	sld [smem:$0x3FA2]  }
0x2c: {  	s7 =	sld [smem:$0x3FA3]  }
0x2d: {  	s3 =	simm.s32 $0x108;
	s8 =	sld [smem:$0x3FA4]  }
0x2e: {  	s3 =	simm.s32 @!p0 $0x1082;
	s9 =	sld [smem:$0x3FA5]  }
0x2f: {  	lr =	sadd.s32 s0, s3;
	s0 =	sld [smem:$0x3F9C]  }
0x30: {  	s3 =	sld [smem:$0x3F9F]  }
0x31: {  	[smem:$0x3FA8] =	sst s10  }
0x32: {  	s10 =	sld [smem:$0x3FA6];
	_ =	sdelay $0x3  }
0x33: {  	p0 =	seq.s32 s10, $0x1;
	s10 =	sld [smem:$0x3FA8];
	_ =	sdelay $0x3  }
0x34: {  	[smem:$0x3FA8] =	sst s10  }
0x35: {  	s10 =	sld [smem:$0x3FA7];
	_ =	sdelay $0x3  }
0x36: {  	p1 =	seq.s32 s10, $0x1;
	s10 =	sld [smem:$0x3FA8];
	_ =	sdelay $0x3  }
0x37: {  	[smem:$0x3FA8] =	sst s10  }
0x38: {  	s10 =	sld [smem:$0x3FA9]  }
0x39: {  	_ = 	snop;
	(pc) =	sbr.ind lr, $3  }
0x3a: {  	_ = 	snop  }
0x3b: {  	_ = 	snop  }
0x3c: {  	p2 =	seq.s32 s10, $0x1;
	s10 =	sld [smem:$0x3FA8]  }
0x3d: {  	_ =	shalt  }
0x3e: {  	_ =	shalt  }
0x3f: {  	_ =	shalt  }
0x40: {  	_ =	shalt  }
0x41: {  	_ =	shalt  }
0x42: {  	_ =	shalt  }
0x43: {  	_ =	shalt  }
0x44: {  	_ =	shalt  }
0x45: {  	_ =	shalt  }
0x46: {  	_ =	shalt  }
0x47: {  	_ =	shalt  }
0x48: {  	_ =	shalt  }
0x49: {  	_ =	shalt  }
0x4a: {  	_ =	shalt  }
0x4b: {  	_ =	shalt  }
0x4c: {  	_ =	shalt  }
0x4d: {  	_ =	shalt  }
0x4e: {  	_ =	shalt  }
0x4f: {  	_ =	shalt  }
0x50: {  	_ =	shalt  }
0x51: {  	_ =	shalt  }
0x52: {  	_ =	shalt  }
0x53: {  	_ =	shalt  }
0x54: {  	_ =	shalt  }
0x55: {  	_ =	shalt  }
0x56: {  	_ =	shalt  }
0x57: {  	_ =	shalt  }
0x58: {  	_ =	shalt  }
0x59: {  	_ =	shalt  }
0x5a: {  	_ =	shalt  }
0x5b: {  	_ =	shalt  }
0x5c: {  	_ =	shalt  }
0x5d: {  	_ =	shalt  }
0x5e: {  	_ =	shalt  }
0x5f: {  	_ =	shalt  }
0x60: {  	_ =	shalt  }
0x61: {  	_ =	shalt  }
0x62: {  	_ =	shalt  }
0x63: {  	_ =	shalt  }
0x64: {  	_ =	shalt  }
0x65: {  	_ =	shalt  }
0x66: {  	_ =	shalt  }
0x67: {  	_ =	shalt  }
0x68: {  	_ =	shalt  }
0x69: {  	_ =	shalt  }
0x6a: {  	_ =	shalt  }
0x6b: {  	_ =	shalt  }
0x6c: {  	_ =	shalt  }
0x6d: {  	_ =	shalt  }
0x6e: {  	_ =	shalt  }
0x6f: {  	_ =	shalt  }
0x70: {  	_ =	shalt  }
0x71: {  	_ =	shalt  }
0x72: {  	_ =	shalt  }
0x73: {  	_ =	shalt  }
0x74: {  	_ =	shalt  }
0x75: {  	_ =	shalt  }
0x76: {  	_ =	shalt  }
0x77: {  	_ =	shalt  }
0x78: {  	_ =	shalt  }
0x79: {  	_ =	shalt  }
0x7a: {  	_ =	shalt  }
0x7b: {  	_ =	shalt  }
0x7c: {  	_ =	shalt  }
0x7d: {  	_ =	shalt  }
0x7e: {  	_ =	shalt  }
0x7f: {  	_ =	shalt  }
0x80: {  	_ =	shalt  }
0x81: {  	_ =	shalt  }
0x82: {  	_ =	shalt  }
0x83: {  	_ =	shalt  }
0x84: {  	_ =	shalt  }
0x85: {  	_ =	shalt  }
0x86: {  	_ =	shalt  }
0x87: {  	_ =	shalt  }
.Lfunc_end0:
.L_simem_size_0:
called_computation_lowered:
.L_overlay_start_0:
0x88: {  	s2 =	sld [smem:$0x3FD9]  }
0x89: {  	s3 =	sld [smem:$0x3FFE];
	_ =	sdelay $0x1  }
0x8a: {  	s1 =	srdreg.scid  }
0x8b: {  	s0 =	sand.u32 $0x1, s1  }
0x8c: {  	s17 =	sshll.u32 s0, $0xA;
	s2 =	sadd.s32 s3, s2  }
0x8d: {  	s2 =	sadd.s32 s2, s17  }
0x8e: {  	[smem:$0x3FB4] =	sst s2  }
0x8f: {  	_ = 	snop  }
0x90: {  	(tm) =	ssettm $0x1  }
0x91: {  	s18 =	sld [smem:$0x3FFB];
	_ =	sdelay $0x3  }
0x92: {  	_ =	strace s18  }
0x93: {  	s2 =	sld [smem:$0x3FFC];
	_ =	sdelay $0x3  }
0x94: {  	_ =	strace s2  }
0x95: {  	s2 =	sld [smem:$0x3FFD];
	_ =	sdelay $0x3  }
0x96: {  	_ =	strace s2  }
0x97: {  	_ =	strace $0x8FFFFFFF  }
0x98: {  	s19 =	sld [smem:$0x3FDB];
	_ =	sdelay $0x1  }
0x99: {  	s20 =	simm.s32 $_scs_section_size  }
0x9a: {  	s4 =	simm.s32 $_size__tile_overlayer_lowered;
	s5 =	simm.s32 $_tile_overlayer_lowered  }
0x9b: {  	s6 =	simm.s32 $0x1BFF;
	s21 =	sshll.u32 s5, $0x1;
	s3 =	sadd.s32 s20, s19  }
0x9c: {  	s22 =	simm.s32 $0x0;
	s4 =	sshll.u32 s4, $0x1;
	s5 =	sadd.s32 s21, s3  }
0x9d: {  	[timem:s22], [sflag:s6] =	dma.local [hbm:s5], s4  }
0x9e: {  	_ =	swait.ge [sflag:s6], s4  }
0x9f: {  	s4 =	ssub.s32 $0x0, s4;
	[sflag:s6] =	ssyncset.done $0x0  }
0xa0: {  	[sflag:s6] =	ssyncadd.s32 s4;
	_ =	sdelay $0x1  }
0xa1: {  	s23 =	simm.s32 $0x1B8B  }
0xa2: {  	_ =	swait.ge [sflag:s23], $0x1  }
0xa3: {  	[sflag:s23] =	ssyncset.done $0x0  }
0xa4: {  	[sflag:s23] =	ssyncadd.s32 $0xFFFFFFFF  }
0xa5: {  	s4 =	sld [smem:$0x0]  }
0xa6: {  	s5 =	sand.u32 $0xFFFFFFFE, s1  }
0xa7: {  	p0 =	sne.s32 s1, s5  }
0xa8: {  	s5 =	sshll.u32 @p0 s5, $0xE  }
0xa9: {  	s5 =	sadd.s32 @p0 $0x11B8D, s5;
	s6 =	sshll.u32 @p0 s4, $0x11  }
0xaa: {  	s5 =	sor.u32 @p0 s6, s5  }
0xab: {  	[sflag:s5] =	ssyncadd.remote.s32 @p0 $0x1;
	_ =	sdelay $0x1  }
0xac: {  	s5 =	simm.s32 @p0 $0x1B8D  }
0xad: {  	_ =	swait.eq @p0 [sflag:s5], $0x1  }
0xae: {  	[sflag:s5] =	ssyncadd.s32 @p0 $0xFFFFFFFF  }
0xaf: {  	s6 =	sshll.u32 @!p0 s1, $0xE  }
0xb0: {  	s6 =	sor.u32 @!p0 $0x4000, s6;
	s5 =	simm.s32 @!p0 $0x1B8D  }
0xb1: {  	s4 =	sshll.u32 @!p0 s4, $0x11;
	s6 =	sadd.s32 @!p0 $0x11B8D, s6;
	_ =	swait.eq @!p0 [sflag:s5], $0x1  }
0xb2: {  	s4 =	sor.u32 @!p0 s4, s6;
	[sflag:s5] =	ssyncadd.s32 @!p0 $0xFFFFFFFF  }
0xb3: {  	s25 =	simm.s32 $0x1B8E;
	s24 =	sld [smem:$0x3FFE];
	[sflag:s4] =	ssyncadd.remote.s32 @!p0 $0x1  }
0xb4: {  	s26 =	simm.s32 $execute0_lowered;
	[smem:$0x3FD2] =	sst s25  }
0xb5: {  	s5 =	sshll.u32 s26, $0x1;
	_ =	strace $0x80000049;
	[dreg:$0x1] =	wrdreg $0xFFFFFFFF  }
0xb6: {  	s28 =	simm.s32 $_size_execute0_lowered;
	s3 =	sadd.s32 s3, s5;
	[dreg:$0x0] =	wrdreg $0x0  }
0xb7: {  	s5 =	sshll.u32 s28, $0x1;
	[dreg:$0x2] =	wrdreg s3  }
0xb8: {  	[dreg:$0x3] =	wrdreg s5  }
0xb9: {  	[dreg:$0x4] =	wrdreg $0xC0  }
0xba: {  	_ =	task [dreg:s22], $0x5FFFF  }
0xbb: {  	[dreg:$0x1] =	wrdreg $0xFFFFFFFF  }
0xbc: {  	[dreg:$0x0] =	wrdreg $0x60  }
0xbd: {  	[dreg:$0x2] =	wrdreg s24  }
0xbe: {  	[dreg:$0x3] =	wrdreg $0x9  }
0xbf: {  	_ =	task.clear_ibuf [dreg:s22], $0x4FFFF;
	_ =	strace $0x90000049  }
0xc0: {  	s29 =	simm.s32 $0x9;
	_ =	strace $0x8000004B  }
0xc1: {  	_ =	swait.ge [sflag:s29], $0x1  }
0xc2: {  	[sflag:s29] =	ssyncadd.s32 $0xFFFFFFFF  }
0xc3: {  	_ =	strace $0x9000004B  }
0xc4: {  	_ =	sfence  }
0xc5: {  	s30 =	sld [smem:$0x0];
	_ =	sdelay $0x2  }
0xc6: {  	s31 =	sshll.u32 s1, $0xD;
	s1 =	sshrl.u32 s1, $0x2  }
0xc7: {  	s4 =	sand.u32 $0x4000, s31;
	s1 =	sadd.s32 s1, s30  }
0xc8: {  	s0 =	sor.u32 s4, s0;
	s1 =	sshll.u32 s1, $0x11  }
0xc9: {  	s0 =	sor.u32 s1, s0  }
0xca: {  	s0 =	sadd.s32 $0x8F2B, s0  }
0xcb: {  	[sflag:s0] =	ssyncadd.remote.s32 $0x1  }
0xcc: {  	_ =	sfence.sel $0xFFFF  }
0xcd: {  	[dreg:$0x0] =	wrdreg $0xFFFFFFFF;
	(pc) =	sbr.abs _section_cstart, $3  }
0xce: {  	[dreg:$0x1] =	wrdreg $0xFFFFFFFF  }
0xcf: {  	_ =	task.clear_ibuf [dreg:s22], $0x2FFFF;
	_ =	strace $0x9FFFFFFF  }
0xd0: {  	(tm) =	ssettm $0x7FFFFFFF  }
0xd1: {  	_ =	shalt  }
tec
execute0_lowered:
.L_overlay_start_1:
0x0: {  	(tag) =	ssettag $0x1  }
0x1: {  	s1 =	srdreg.scid  }
0x2: {  	s0 =	stileid.u32;
	s6 =	sand.u32 $0x1, s1  }
0x3: {  	s4 =	rddreg [dreg:$0x0];
	s12 =	sshll.u32 s0, $0xB;
	s2 =	sshll.u32 s6, $0xA  }
0x4: {  	s13 =	simm.s32 $0x900;
	s3 =	sor.u32 s2, s12;
	s2 =	simm.s32 $0x0  }
0x5: {  	s14 =	simm.s32 $0x1100;
	s15 =	simm.s32 $0x1900;
	[smem:$0x7FF] =	sst s2  }
0x6: {  	s17 =	simm.s32 $0x2100;
	_ =	strace $0x8000004A;
	[dreg:$0x4] =	wrdreg s13  }
0x7: {  	s18 =	simm.s32 $0x2900;
	s19 =	simm.s32 $0x3100;
	[dreg:$0x5] =	wrdreg s14  }
0x8: {  	s20 =	simm.s32 $0x3900;
	s21 =	simm.s32 $0x4100;
	[dreg:$0x6] =	wrdreg s15  }
0x9: {  	s22 =	simm.s32 $0x4900;
	s23 =	simm.s32 $0x5100;
	[dreg:$0x7] =	wrdreg s17  }
0xa: {  	s24 =	simm.s32 $0x5900;
	s25 =	simm.s32 $0x6100;
	[dreg:$0x8] =	wrdreg s18  }
0xb: {  	s26 =	simm.s32 $0x6900;
	s30 =	simm.s32 $0x7100;
	[dreg:$0x9] =	wrdreg s19  }
0xc: {  	s31 =	simm.s32 $0x7900;
	s10 =	simm.s32 $0x8100;
	[dreg:$0xa] =	wrdreg s20  }
0xd: {  	s11 =	simm.s32 $0x8900;
	s28 =	simm.s32 $0x2;
	[dreg:$0xb] =	wrdreg s21  }
0xe: {  	s29 =	simm.s32 $0x0;
	s7 =	sadd.s32 $0x8F000, s4;
	[dreg:$0xc] =	wrdreg s22  }
0xf: {  	s16 =	sshll.u32 s0, $0x11;
	s8 =	ssub.s32 $0x2, s6;
	[dreg:$0xd] =	wrdreg s23  }
0x10: {  	s6 =	sshll.u32 s6, $0x10;
	s9 =	sshrl.u32 s8, $0x1;
	[dreg:$0xe] =	wrdreg s24  }
0x11: {  	s12 =	simm.s32 $0x9100;
	s5 =	sor.u32 $0x40, s3;
	[dreg:$0xf] =	wrdreg s25  }
0x12: {  	s3 =	sshrl.u32 s3, $0x3;
	s8 =	ssub.s32 s8, s9;
	[dreg:$0x10] =	wrdreg s26  }
0x13: {  	s9 =	simm.s32 $0x80;
	s5 =	sshrl.u32 s5, $0x3;
	[dreg:$0x11] =	wrdreg s30  }
0x14: {  	s3 =	sadd.s32 s3, s7;
	[dreg:$0x12] =	wrdreg s31;
	s13 =	simm.s32 $0x9900  }
0x15: {  	s14 =	simm.s32 $0xA100;
	s15 =	simm.s32 $0xA900;
	s17 =	simm.s32 $0xB900  }
0x16: {  	s18 =	simm.s32 $0xC100;
	s19 =	simm.s32 $0xC900;
	s20 =	simm.s32 $0xD100  }
0x17: {  	s21 =	simm.s32 $0xD900;
	s22 =	simm.s32 $0xE100;
	s23 =	simm.s32 $0xE900  }
0x18: {  	s24 =	simm.s32 $0xF100;
	s25 =	simm.s32 $0xF900;
	s26 =	simm.s32 $0x1  }
0x19: {  	s5 =	sadd.s32 s5, s7;
	[dreg:$0x3] =	wrdreg s3;
	s3 =	sadd.s32 $0x10F000, s4  }
0x1a: {  	v2 =	vlaneseq.u32;
	s7 =	sadd.s32 s16, s4;
	s4 =	sadd.s32 $0x10F100, s4;
	s16 =	simm.s32 $0xB100  }
0x1b: {  	vm0 =	vmmov $0xffff;
	v1 =	vshrl.u32 v2, $0x3;
	[dreg:$0x2] =	wrdreg s5;
	s5 =	smax.u32 s8, $0x1;
	s6 =	sadd.s32 s6, s7  }
0x1c: {  	v0 =	vand.u32 $0x7, v2;
	v2 =	vor.u32 $0x8, v2;
	v1 =	vmul.u32 $0x8, v1;
	s7 =	simm.s32 $0x3;
	s8 =	simm.s32 $0x100;
	s6 =	sadd.s32 $0x490000, s6  }
.LBB2_1:
0x1d: {  	s30 =	smov.u32 s6;
	s31 =	simm.s32 $0x0  }
.LBB2_2:
0x1e: {  	s1 =	rddreg [dreg:$0x3]  }
0x1f: {  	s1 =	sadd.s32 s31, s1  }
0x20: {  	[tilespmem:s2], [sflag:$0x3] =	stream.linear.gather [hbm4b:s1+s2], $0x40, $0x38;
	[tilespmem:$0x10100] =	vst v63  }
0x21: {  	_ =	swait.ge [sflag:s7], $0x40  }
0x22: {  	[sflag:s7] =	ssyncset.done $0x0  }
0x23: {  	[sflag:s7] =	ssyncadd.s32 $0xFFFFFFC0  }
0x24: {  	v3 =	vld [tilespmem:$0x0];
	_ =	sdelay $0x4  }
0x25: {  	v4 =	vshll.u32 v3, $0x2  }
0x26: {  	v3 =	vand.u32 $0x7, v3;
	v4 =	vand.u32 $0xFFFFFFE0, v4  }
0x27: {  	v3 =	vor.u32 v3, v4  }
0x28: {  	v4 =	vperm.xlane v3, v0;
	_ =	sdelay $0x1  }
0x29: {  	v4 =	vadd.s32 v1, v4;
	_ =	sdelay $0x1  }
0x2a: {  	v3 =	vperm.xlane v3, v2;
	_ =	sdelay $0x1  }
0x2b: {  	v3 =	vadd.s32 v1, v3  }
0x2c: {  	[tilespmem:s8], [sflag:$0x1] =	stream.indirect_vreg.gather [hbm4b:s3+s2], $0x80, v4, vm0, $0xb8;
	[tilespmem:$0x10100] =	vst v63  }
0x2d: {  	s1 =	rddreg [dreg:$0x4]  }
0x2e: {  	[tilespmem:s1], [sflag:$0x1] =	stream.indirect_vreg.gather [hbm4b:s4+s2], $0x80, v4, vm0, $0xb8;
	[tilespmem:$0x10100] =	vst v63  }
0x2f: {  	s0 =	rddreg [dreg:$0x5]  }
0x30: {  	[tilespmem:s0], [sflag:$0x1] =	stream.indirect_vreg.gather [hbm4b:s3+s2], $0x80, v3, vm0, $0xb8;
	[tilespmem:$0x10100] =	vst v63  }
0x31: {  	s1 =	rddreg [dreg:$0x6]  }
0x32: {  	[tilespmem:s1], [sflag:$0x1] =	stream.indirect_vreg.gather [hbm4b:s4+s2], $0x80, v3, vm0, $0xb8;
	[tilespmem:$0x10100] =	vst v63  }
0x33: {  	v3 =	vld [tilespmem:$0x10];
	_ =	sdelay $0x4  }
0x34: {  	v57 =	vshll.u32 v3, $0x2  }
0x35: {  	v3 =	vand.u32 $0x7, v3;
	v4 =	vand.u32 $0xFFFFFFE0, v57  }
0x36: {  	v3 =	vor.u32 v3, v4  }
0x37: {  	v4 =	vperm.xlane v3, v0;
	_ =	sdelay $0x1  }
0x38: {  	v4 =	vadd.s32 v1, v4;
	_ =	sdelay $0x1  }
0x39: {  	v3 =	vperm.xlane v3, v2;
	_ =	sdelay $0x1  }
0x3a: {  	s0 =	rddreg [dreg:$0x7];
	v3 =	vadd.s32 v1, v3  }
0x3b: {  	[tilespmem:s0], [sflag:$0x1] =	stream.indirect_vreg.gather [hbm4b:s3+s2], $0x80, v4, vm0, $0xb8;
	[tilespmem:$0x10100] =	vst v63  }
0x3c: {  	s1 =	rddreg [dreg:$0x8]  }
0x3d: {  	[tilespmem:s1], [sflag:$0x1] =	stream.indirect_vreg.gather [hbm4b:s4+s2], $0x80, v4, vm0, $0xb8;
	[tilespmem:$0x10100] =	vst v63  }
0x3e: {  	s0 =	rddreg [dreg:$0x9]  }
0x3f: {  	[tilespmem:s0], [sflag:$0x1] =	stream.indirect_vreg.gather [hbm4b:s3+s2], $0x80, v3, vm0, $0xb8;
	[tilespmem:$0x10100] =	vst v63  }
0x40: {  	s1 =	rddreg [dreg:$0xa]  }
0x41: {  	[tilespmem:s1], [sflag:$0x1] =	stream.indirect_vreg.gather [hbm4b:s4+s2], $0x80, v3, vm0, $0xb8;
	[tilespmem:$0x10100] =	vst v63  }
0x42: {  	v3 =	vld [tilespmem:$0x20];
	_ =	sdelay $0x4  }
0x43: {  	v58 =	vshll.u32 v3, $0x2  }
0x44: {  	v3 =	vand.u32 $0x7, v3;
	v4 =	vand.u32 $0xFFFFFFE0, v58  }
0x45: {  	v3 =	vor.u32 v3, v4  }
0x46: {  	v4 =	vperm.xlane v3, v0;
	_ =	sdelay $0x1  }
0x47: {  	v4 =	vadd.s32 v1, v4;
	_ =	sdelay $0x1  }
0x48: {  	v3 =	vperm.xlane v3, v2;
	_ =	sdelay $0x1  }
0x49: {  	s0 =	rddreg [dreg:$0xb];
	v3 =	vadd.s32 v1, v3  }
0x4a: {  	[tilespmem:s0], [sflag:$0x1] =	stream.indirect_vreg.gather [hbm4b:s3+s2], $0x80, v4, vm0, $0xb8;
	[tilespmem:$0x10100] =	vst v63  }
0x4b: {  	s1 =	rddreg [dreg:$0xc]  }
0x4c: {  	[tilespmem:s1], [sflag:$0x1] =	stream.indirect_vreg.gather [hbm4b:s4+s2], $0x80, v4, vm0, $0xb8;
	[tilespmem:$0x10100] =	vst v63  }
0x4d: {  	s0 =	rddreg [dreg:$0xd]  }
0x4e: {  	[tilespmem:s0], [sflag:$0x1] =	stream.indirect_vreg.gather [hbm4b:s3+s2], $0x80, v3, vm0, $0xb8;
	[tilespmem:$0x10100] =	vst v63  }
0x4f: {  	s1 =	rddreg [dreg:$0xe]  }
0x50: {  	[tilespmem:s1], [sflag:$0x1] =	stream.indirect_vreg.gather [hbm4b:s4+s2], $0x80, v3, vm0, $0xb8;
	[tilespmem:$0x10100] =	vst v63  }
0x51: {  	v3 =	vld [tilespmem:$0x30];
	_ =	sdelay $0x4  }
0x52: {  	v59 =	vshll.u32 v3, $0x2  }
0x53: {  	v3 =	vand.u32 $0x7, v3;
	v4 =	vand.u32 $0xFFFFFFE0, v59  }
0x54: {  	v3 =	vor.u32 v3, v4  }
0x55: {  	v4 =	vperm.xlane v3, v0;
	_ =	sdelay $0x1  }
0x56: {  	v4 =	vadd.s32 v1, v4;
	_ =	sdelay $0x1  }
0x57: {  	v3 =	vperm.xlane v3, v2  }
0x58: {  	s0 =	rddreg [dreg:$0xf]  }
0x59: {  	s1 =	rddreg [dreg:$0x10];
	v3 =	vadd.s32 v1, v3  }
0x5a: {  	[tilespmem:s0], [sflag:$0x1] =	stream.indirect_vreg.gather [hbm4b:s3+s2], $0x80, v4, vm0, $0xb8;
	[tilespmem:$0x10100] =	vst v63  }
0x5b: {  	s0 =	rddreg [dreg:$0x11]  }
0x5c: {  	[tilespmem:s1], [sflag:$0x1] =	stream.indirect_vreg.gather [hbm4b:s4+s2], $0x80, v4, vm0, $0xb8;
	[tilespmem:$0x10100] =	vst v63  }
0x5d: {  	s1 =	rddreg [dreg:$0x2]  }
0x5e: {  	[tilespmem:s0], [sflag:$0x1] =	stream.indirect_vreg.gather [hbm4b:s3+s2], $0x80, v3, vm0, $0xb8;
	[tilespmem:$0x10100] =	vst v63  }
0x5f: {  	s0 =	rddreg [dreg:$0x12]  }
0x60: {  	[tilespmem:s0], [sflag:$0x1] =	stream.indirect_vreg.gather [hbm4b:s4+s2], $0x80, v3, vm0, $0xb8;
	[tilespmem:$0x10100] =	vst v63  }
0x61: {  	s1 =	sadd.s32 s31, s1  }
0x62: {  	[tilespmem:s9], [sflag:$0x3] =	stream.linear.gather [hbm4b:s1+s2], $0x40, $0x38;
	[tilespmem:$0x10100] =	vst v63  }
0x63: {  	_ =	swait.ge [sflag:s7], $0x40  }
0x64: {  	[sflag:s7] =	ssyncset.done $0x0  }
0x65: {  	[sflag:s7] =	ssyncadd.s32 $0xFFFFFFC0  }
0x66: {  	v3 =	vld [tilespmem:$0x80];
	_ =	sdelay $0x4  }
0x67: {  	v60 =	vshll.u32 v3, $0x2  }
0x68: {  	v3 =	vand.u32 $0x7, v3;
	v4 =	vand.u32 $0xFFFFFFE0, v60  }
0x69: {  	v3 =	vor.u32 v3, v4  }
0x6a: {  	v4 =	vperm.xlane v3, v0;
	_ =	sdelay $0x1  }
0x6b: {  	v4 =	vadd.s32 v1, v4;
	_ =	sdelay $0x1  }
0x6c: {  	v3 =	vperm.xlane v3, v2;
	_ =	sdelay $0x1  }
0x6d: {  	v3 =	vadd.s32 v1, v3  }
0x6e: {  	[tilespmem:s10], [sflag:$0x2] =	stream.indirect_vreg.gather [hbm4b:s3+s2], $0x80, v4, vm0, $0xb8;
	[tilespmem:$0x10100] =	vst v63  }
0x6f: {  	_ = 	snop  }
0x70: {  	[tilespmem:s11], [sflag:$0x2] =	stream.indirect_vreg.gather [hbm4b:s4+s2], $0x80, v4, vm0, $0xb8;
	[tilespmem:$0x10100] =	vst v63  }
0x71: {  	_ = 	snop  }
0x72: {  	[tilespmem:s12], [sflag:$0x2] =	stream.indirect_vreg.gather [hbm4b:s3+s2], $0x80, v3, vm0, $0xb8;
	[tilespmem:$0x10100] =	vst v63  }
0x73: {  	_ = 	snop  }
0x74: {  	[tilespmem:s13], [sflag:$0x2] =	stream.indirect_vreg.gather [hbm4b:s4+s2], $0x80, v3, vm0, $0xb8;
	[tilespmem:$0x10100] =	vst v63  }
0x75: {  	v3 =	vld [tilespmem:$0x90];
	_ =	sdelay $0x4  }
0x76: {  	v61 =	vshll.u32 v3, $0x2  }
0x77: {  	v3 =	vand.u32 $0x7, v3;
	v4 =	vand.u32 $0xFFFFFFE0, v61  }
0x78: {  	v3 =	vor.u32 v3, v4  }
0x79: {  	v4 =	vperm.xlane v3, v0;
	_ =	sdelay $0x1  }
0x7a: {  	v4 =	vadd.s32 v1, v4;
	_ =	sdelay $0x1  }
0x7b: {  	v3 =	vperm.xlane v3, v2;
	_ =	sdelay $0x1  }
0x7c: {  	v3 =	vadd.s32 v1, v3  }
0x7d: {  	[tilespmem:s14], [sflag:$0x2] =	stream.indirect_vreg.gather [hbm4b:s3+s2], $0x80, v4, vm0, $0xb8;
	[tilespmem:$0x10100] =	vst v63  }
0x7e: {  	_ = 	snop  }
0x7f: {  	[tilespmem:s15], [sflag:$0x2] =	stream.indirect_vreg.gather [hbm4b:s4+s2], $0x80, v4, vm0, $0xb8;
	[tilespmem:$0x10100] =	vst v63  }
0x80: {  	_ = 	snop  }
0x81: {  	[tilespmem:s16], [sflag:$0x2] =	stream.indirect_vreg.gather [hbm4b:s3+s2], $0x80, v3, vm0, $0xb8;
	[tilespmem:$0x10100] =	vst v63  }
0x82: {  	_ = 	snop  }
0x83: {  	[tilespmem:s17], [sflag:$0x2] =	stream.indirect_vreg.gather [hbm4b:s4+s2], $0x80, v3, vm0, $0xb8;
	[tilespmem:$0x10100] =	vst v63  }
0x84: {  	v3 =	vld [tilespmem:$0xA0];
	_ =	sdelay $0x4  }
0x85: {  	v62 =	vshll.u32 v3, $0x2  }
0x86: {  	v3 =	vand.u32 $0x7, v3;
	v4 =	vand.u32 $0xFFFFFFE0, v62  }
0x87: {  	v3 =	vor.u32 v3, v4  }
0x88: {  	v4 =	vperm.xlane v3, v0;
	_ =	sdelay $0x1  }
0x89: {  	v4 =	vadd.s32 v1, v4;
	_ =	sdelay $0x1  }
0x8a: {  	v3 =	vperm.xlane v3, v2;
	_ =	sdelay $0x1  }
0x8b: {  	v3 =	vadd.s32 v1, v3  }
0x8c: {  	[tilespmem:s18], [sflag:$0x2] =	stream.indirect_vreg.gather [hbm4b:s3+s2], $0x80, v4, vm0, $0xb8;
	[tilespmem:$0x10100] =	vst v63  }
0x8d: {  	_ = 	snop  }
0x8e: {  	[tilespmem:s19], [sflag:$0x2] =	stream.indirect_vreg.gather [hbm4b:s4+s2], $0x80, v4, vm0, $0xb8;
	[tilespmem:$0x10100] =	vst v63  }
0x8f: {  	_ = 	snop  }
0x90: {  	[tilespmem:s20], [sflag:$0x2] =	stream.indirect_vreg.gather [hbm4b:s3+s2], $0x80, v3, vm0, $0xb8;
	[tilespmem:$0x10100] =	vst v63  }
0x91: {  	_ = 	snop  }
0x92: {  	[tilespmem:s21], [sflag:$0x2] =	stream.indirect_vreg.gather [hbm4b:s4+s2], $0x80, v3, vm0, $0xb8;
	[tilespmem:$0x10100] =	vst v63  }
0x93: {  	v3 =	vld [tilespmem:$0xB0];
	_ =	sdelay $0x4  }
0x94: {  	v63 =	vshll.u32 v3, $0x2  }
0x95: {  	v3 =	vand.u32 $0x7, v3;
	v4 =	vand.u32 $0xFFFFFFE0, v63  }
0x96: {  	v3 =	vor.u32 v3, v4  }
0x97: {  	v4 =	vperm.xlane v3, v0;
	_ =	sdelay $0x1  }
0x98: {  	v4 =	vadd.s32 v1, v4;
	_ =	sdelay $0x1  }
0x99: {  	v3 =	vperm.xlane v3, v2;
	_ =	sdelay $0x1  }
0x9a: {  	v3 =	vadd.s32 v1, v3  }
0x9b: {  	[tilespmem:s22], [sflag:$0x2] =	stream.indirect_vreg.gather [hbm4b:s3+s2], $0x80, v4, vm0, $0xb8;
	[tilespmem:$0x10100] =	vst v63  }
0x9c: {  	_ = 	snop  }
0x9d: {  	[tilespmem:s23], [sflag:$0x2] =	stream.indirect_vreg.gather [hbm4b:s4+s2], $0x80, v4, vm0, $0xb8;
	[tilespmem:$0x10100] =	vst v63  }
0x9e: {  	_ = 	snop  }
0x9f: {  	[tilespmem:s24], [sflag:$0x2] =	stream.indirect_vreg.gather [hbm4b:s3+s2], $0x80, v3, vm0, $0xb8;
	[tilespmem:$0x10100] =	vst v63  }
0xa0: {  	_ = 	snop  }
0xa1: {  	[tilespmem:s25], [sflag:$0x2] =	stream.indirect_vreg.gather [hbm4b:s4+s2], $0x80, v3, vm0, $0xb8;
	[tilespmem:$0x10100] =	vst v63  }
0xa2: {  	_ =	swait.ge [sflag:s26], $0x8000  }
0xa3: {  	[sflag:s26] =	ssyncset.done $0x0  }
0xa4: {  	[sflag:s26] =	ssyncadd.s32 $0xFFFF8000  }
0xa5: {  	[hbm4b:s30+s2] =	stream.linear.scatter [tilespmem:s8], [sflag:$0x3], $0x8000, $0x38;
	[tilespmem:$0x10100] =	vst v63  }
0xa6: {  	_ =	swait.ge [sflag:s7], $0x8000  }
0xa7: {  	[sflag:s7] =	ssyncset.done $0x0  }
0xa8: {  	[sflag:s7] =	ssyncadd.s32 $0xFFFF8000  }
0xa9: {  	_ =	swait.ge [sflag:s28], $0x8000  }
0xaa: {  	p0 =	sne.s32 s31, $0x70;
	[sflag:s28] =	ssyncset.done $0x0  }
.Ltmp0:
0xab: {  	s1 =	sadd.s32 $0x1000, s30;
	[sflag:s28] =	ssyncadd.s32 $0xFFFF8000;
	(pc) =	sbr.rel @p0 .LBB2_2-.Ltmp0, $4  }
0xac: {  	[hbm4b:s1+s2] =	stream.linear.scatter [tilespmem:s10], [sflag:$0x3], $0x8000, $0x38;
	[tilespmem:$0x10100] =	vst v63  }
0xad: {  	_ =	swait.ge [sflag:s7], $0x8000  }
0xae: {  	[sflag:s7] =	ssyncset.done $0x0  }
0xaf: {  	s31 =	sadd.s32 $0x10, s31;
	s30 =	sadd.s32 $0x2000, s30;
	[sflag:s7] =	ssyncadd.s32 $0xFFFF8000  }
0xb0: {  	s29 =	sadd.s32 $0x1, s29  }
0xb1: {  	p0 =	sne.s32 s29, s5  }
.Ltmp1:
0xb2: {  	_ = 	snop;
	(pc) =	sbr.rel @p0 .LBB2_1-.Ltmp1, $1  }
0xb3: {  	_ =	sdelay $0x3  }
0xb4: {  	_ =	sfence.sel $0x180000  }
0xb5: {  	[bflag:$0x0] =	sbarrier.arrive $0xFFFF  }
0xb6: {  	_ =	strace $0x9000004A  }
0xb7: {  	s0 =	stileid.u32;
	[bflag:$0x2] =	sbarrier.arrive $0xFFFF  }
0xb8: {  	p0 =	sne.s32 s0, $0x0;
	s0 =	rddreg [dreg:$0x1]  }
0xb9: {  	s0 =	sadd.s32 @!p0 $0x100000, s0  }
0xba: {  	[sflag:s0] =	ssyncadd.tile.s32 @!p0 $0x1;
	_ =	shalt  }
.Lfunc_end2:
_tile_overlayer_lowered:
.L_overlay_start_2:
0xbb: {  	(tag) =	ssettag $0x2  }
0xbc: {  	s0 =	rddreg [dreg:$0x0];
	s2 =	stileid.u32  }
0xbd: {  	s1 =	rddreg [dreg:$0x1];
	p0 =	sne.s32 s2, $0x0  }
0xbe: {  	s3 =	rddreg [dreg:$0x2];
	[bflag:$0x3] =	sbarrier.arrive $0xFFFF;
	s2 =	simm.s32 @!p0 $0x1C03  }
0xbf: {  	[timem:s3], [sflag:s2] =	dma.local @!p0 [hbm:s0], s1  }
0xc0: {  	s0 =	simm.s32 @!p0 $0x3  }
0xc1: {  	_ =	swait.ge @!p0 [sflag:s0], s1  }
0xc2: {  	s1 =	ssub.s32 @!p0 $0x0, s1;
	[sflag:s0] =	ssyncset.done @!p0 $0x0  }
0xc3: {  	[sflag:s0] =	ssyncadd.s32 @!p0 s1  }
0xc4: {  	[bflag:$0x3] =	sbarrier.arrive $0xFFFF  }
0xc5: {  	_ =	shalt  }

// kernel: kernel.15.cloned.1.call-start
scs
__scs_entry_jumppad:
0x0: {  	(pc) =	sbr.rel $0x88, $3  }
0x1: {  	(tag) =	ssettag $0x0;
	lr =	simm.s32 $0x1  }
0x2: {  	[smem:$0x3F8D] =	sst lr;
	_ =	strace $0xD0000000  }
0x3: {  	_ = 	snop  }
0x4: {  	_ = 	snop  }
0x5: {  	_ = 	snop  }
0x6: {  	_ = 	snop  }
0x7: {  	_ = 	snop  }
__scs_overlays_trampoline_lowered:
0x8: {  	[smem:$0x3F9C] =	sst s0  }
0x9: {  	[smem:$0x3F9D] =	sst s1  }
0xa: {  	[smem:$0x3F9E] =	sst s2  }
0xb: {  	[smem:$0x3F9F] =	sst s3  }
0xc: {  	[smem:$0x3FA0] =	sst s4  }
0xd: {  	[smem:$0x3FA1] =	sst s5  }
0xe: {  	[smem:$0x3FA2] =	sst s6  }
0xf: {  	[smem:$0x3FA3] =	sst s7  }
0x10: {  	[smem:$0x3FA4] =	sst s8  }
0x11: {  	[smem:$0x3FA5] =	sst s9;
	s0 =	simm.s32 @!p0 $0x0  }
0x12: {  	s1 =	sld [smem:$0x3F8B];
	s0 =	simm.s32 @p0 $0x1  }
0x13: {  	[smem:$0x3FA6] =	sst s0;
	s0 =	simm.s32 @!p1 $0x0  }
0x14: {  	s2 =	sld [smem:$0x3F8A];
	s0 =	simm.s32 @p1 $0x1  }
0x15: {  	[smem:$0x3FA7] =	sst s0;
	s0 =	simm.s32 @!p2 $0x0  }
0x16: {  	s3 =	sld [smem:$0x3FDB];
	s0 =	simm.s32 @p2 $0x1  }
0x17: {  	s4 =	simm.s32 $0x1BF5;
	[smem:$0x3FA9] =	sst s0  }
0x18: {  	s0 =	sld [smem:$0x3F8C];
	_ =	swait.ge [sflag:s4], $0x0  }
0x19: {  	s7 =	sld [smem:$0x3F8D]  }
0x1a: {  	s8 =	sadd.s32 $0xFFFFE003, lr  }
0x1b: {  	s9 =	sadd.s32 $0xFFFFFEF7, lr;
	s5 =	simm.s32 $0xFFFFFFFF;
	p2 =	slt.u32 s8, $0xFFFFF086  }
0x1c: {  	p1 =	slt.u32 s9, $0xF7A;
	s5 =	simm.s32 @!p2 $0x0  }
0x1d: {  	s5 =	simm.s32 @p1 $0x1;
	p0 =	seq.s32 s7, s2  }
0x1e: {  	s7 =	smul.u32 @!p0 $0xF7A, s2;
	p2 =	seq.s32 @!p0 s5, $0x0  }
0x1f: {  	s9 =	smul.u32 $0xF7A, s1;
	s8 =	simm.s32 @!p0 $0x1BF5;
	p2 =	por !p2, p0  }
0x20: {  	[sflag:s8] =	ssyncset.s32 @!p0 $0xFFFFF086;
	s6 =	sadd.s32 @!p0 s3, s7;
	s7 =	simm.s32 @!p0 $0x108  }
0x21: {  	s3 =	sadd.s32 s3, s9;
	s6 =	sadd.s32 @!p0 $0x88, s6;
	s7 =	simm.s32 @p2 $0x1082  }
0x22: {  	[simem:s7], [sflag:s8] =	dma.local @!p0 [hbm:s6], $0xF7A  }
0x23: {  	s9 =	sor.u32 $0xD0000000, s2;
	s6 =	simm.s32 $0x108;
	_ =	swait.ge @!p0 [sflag:s8], $0x0  }
0x24: {  	s3 =	sadd.s32 $0x88, s3;
	s6 =	simm.s32 @!p1 $0x1082;
	[sflag:s4] =	ssyncset.s32 $0xFFFFF086  }
0x25: {  	[simem:s6], [sflag:s4] =	dma.local [hbm:s3], $0xF7A  }
0x26: {  	[smem:$0x3F8D] =	sst s1;
	(tag) =	ssettag s2;
	_ =	strace s9  }
0x27: {  	s1 =	sld [smem:$0x3F9D]  }
0x28: {  	s2 =	sld [smem:$0x3F9E]  }
0x29: {  	s4 =	sld [smem:$0x3FA0]  }
0x2a: {  	p0 =	seq.s32 s5, $0x0;
	s5 =	sld [smem:$0x3FA1]  }
0x2b: {  	s6 =	sld [smem:$0x3FA2]  }
0x2c: {  	s7 =	sld [smem:$0x3FA3]  }
0x2d: {  	s3 =	simm.s32 $0x108;
	s8 =	sld [smem:$0x3FA4]  }
0x2e: {  	s3 =	simm.s32 @!p0 $0x1082;
	s9 =	sld [smem:$0x3FA5]  }
0x2f: {  	lr =	sadd.s32 s0, s3;
	s0 =	sld [smem:$0x3F9C]  }
0x30: {  	s3 =	sld [smem:$0x3F9F]  }
0x31: {  	[smem:$0x3FA8] =	sst s10  }
0x32: {  	s10 =	sld [smem:$0x3FA6];
	_ =	sdelay $0x3  }
0x33: {  	p0 =	seq.s32 s10, $0x1;
	s10 =	sld [smem:$0x3FA8];
	_ =	sdelay $0x3  }
0x34: {  	[smem:$0x3FA8] =	sst s10  }
0x35: {  	s10 =	sld [smem:$0x3FA7];
	_ =	sdelay $0x3  }
0x36: {  	p1 =	seq.s32 s10, $0x1;
	s10 =	sld [smem:$0x3FA8];
	_ =	sdelay $0x3  }
0x37: {  	[smem:$0x3FA8] =	sst s10  }
0x38: {  	s10 =	sld [smem:$0x3FA9]  }
0x39: {  	_ = 	snop;
	(pc) =	sbr.ind lr, $3  }
0x3a: {  	_ = 	snop  }
0x3b: {  	_ = 	snop  }
0x3c: {  	p2 =	seq.s32 s10, $0x1;
	s10 =	sld [smem:$0x3FA8]  }
0x3d: {  	_ =	shalt  }
0x3e: {  	_ =	shalt  }
0x3f: {  	_ =	shalt  }
0x40: {  	_ =	shalt  }
0x41: {  	_ =	shalt  }
0x42: {  	_ =	shalt  }
0x43: {  	_ =	shalt  }
0x44: {  	_ =	shalt  }
0x45: {  	_ =	shalt  }
0x46: {  	_ =	shalt  }
0x47: {  	_ =	shalt  }
0x48: {  	_ =	shalt  }
0x49: {  	_ =	shalt  }
0x4a: {  	_ =	shalt  }
0x4b: {  	_ =	shalt  }
0x4c: {  	_ =	shalt  }
0x4d: {  	_ =	shalt  }
0x4e: {  	_ =	shalt  }
0x4f: {  	_ =	shalt  }
0x50: {  	_ =	shalt  }
0x51: {  	_ =	shalt  }
0x52: {  	_ =	shalt  }
0x53: {  	_ =	shalt  }
0x54: {  	_ =	shalt  }
0x55: {  	_ =	shalt  }
0x56: {  	_ =	shalt  }
0x57: {  	_ =	shalt  }
0x58: {  	_ =	shalt  }
0x59: {  	_ =	shalt  }
0x5a: {  	_ =	shalt  }
0x5b: {  	_ =	shalt  }
0x5c: {  	_ =	shalt  }
0x5d: {  	_ =	shalt  }
0x5e: {  	_ =	shalt  }
0x5f: {  	_ =	shalt  }
0x60: {  	_ =	shalt  }
0x61: {  	_ =	shalt  }
0x62: {  	_ =	shalt  }
0x63: {  	_ =	shalt  }
0x64: {  	_ =	shalt  }
0x65: {  	_ =	shalt  }
0x66: {  	_ =	shalt  }
0x67: {  	_ =	shalt  }
0x68: {  	_ =	shalt  }
0x69: {  	_ =	shalt  }
0x6a: {  	_ =	shalt  }
0x6b: {  	_ =	shalt  }
0x6c: {  	_ =	shalt  }
0x6d: {  	_ =	shalt  }
0x6e: {  	_ =	shalt  }
0x6f: {  	_ =	shalt  }
0x70: {  	_ =	shalt  }
0x71: {  	_ =	shalt  }
0x72: {  	_ =	shalt  }
0x73: {  	_ =	shalt  }
0x74: {  	_ =	shalt  }
0x75: {  	_ =	shalt  }
0x76: {  	_ =	shalt  }
0x77: {  	_ =	shalt  }
0x78: {  	_ =	shalt  }
0x79: {  	_ =	shalt  }
0x7a: {  	_ =	shalt  }
0x7b: {  	_ =	shalt  }
0x7c: {  	_ =	shalt  }
0x7d: {  	_ =	shalt  }
0x7e: {  	_ =	shalt  }
0x7f: {  	_ =	shalt  }
0x80: {  	_ =	shalt  }
0x81: {  	_ =	shalt  }
0x82: {  	_ =	shalt  }
0x83: {  	_ =	shalt  }
0x84: {  	_ =	shalt  }
0x85: {  	_ =	shalt  }
0x86: {  	_ =	shalt  }
0x87: {  	_ =	shalt  }
.Lfunc_end0:
.L_simem_size_0:
called_computation.1_lowered:
.L_overlay_start_0:
0x88: {  	s2 =	sld [smem:$0x3FD9]  }
0x89: {  	s3 =	sld [smem:$0x3FFE];
	_ =	sdelay $0x1  }
0x8a: {  	s1 =	srdreg.scid  }
0x8b: {  	s0 =	sand.u32 $0x1, s1  }
0x8c: {  	s16 =	sshll.u32 s0, $0xA;
	s2 =	sadd.s32 s3, s2  }
0x8d: {  	s2 =	sadd.s32 s2, s16  }
0x8e: {  	[smem:$0x3FB4] =	sst s2  }
0x8f: {  	_ = 	snop  }
0x90: {  	(tm) =	ssettm $0x1  }
0x91: {  	s17 =	sld [smem:$0x3FFB];
	_ =	sdelay $0x3  }
0x92: {  	_ =	strace s17  }
0x93: {  	s2 =	sld [smem:$0x3FFC];
	_ =	sdelay $0x3  }
0x94: {  	_ =	strace s2  }
0x95: {  	s2 =	sld [smem:$0x3FFD];
	_ =	sdelay $0x3  }
0x96: {  	_ =	strace s2  }
0x97: {  	_ =	strace $0x8FFFFFFF  }
0x98: {  	s18 =	sld [smem:$0x3FDB];
	_ =	sdelay $0x1  }
0x99: {  	s19 =	simm.s32 $_scs_section_size  }
0x9a: {  	s4 =	simm.s32 $_size__tile_overlayer_lowered;
	s5 =	simm.s32 $_tile_overlayer_lowered  }
0x9b: {  	s22 =	simm.s32 $0x1BFF;
	s21 =	sshll.u32 s5, $0x1;
	s2 =	sadd.s32 s19, s18  }
0x9c: {  	s6 =	simm.s32 $0x0;
	s20 =	sshll.u32 s4, $0x1;
	s4 =	sadd.s32 s21, s2  }
0x9d: {  	[timem:s6], [sflag:s22] =	dma.local [hbm:s4], s20  }
0x9e: {  	_ =	swait.ge [sflag:s22], s20  }
0x9f: {  	s3 =	ssub.s32 $0x0, s20;
	[sflag:s22] =	ssyncset.done $0x0  }
0xa0: {  	[sflag:s22] =	ssyncadd.s32 s3;
	_ =	sdelay $0x1  }
0xa1: {  	s23 =	simm.s32 $0x1B8B  }
0xa2: {  	_ =	swait.ge [sflag:s23], $0x1  }
0xa3: {  	[sflag:s23] =	ssyncset.done $0x0  }
0xa4: {  	s25 =	simm.s32 $0x1B8E;
	s24 =	sld [smem:$0x3FFE];
	[sflag:s23] =	ssyncadd.s32 $0xFFFFFFFF  }
0xa5: {  	s26 =	simm.s32 $execute0_lowered;
	[smem:$0x3FD2] =	sst s25  }
0xa6: {  	s4 =	sshll.u32 s26, $0x1;
	_ =	strace $0x80000046;
	[dreg:$0x1] =	wrdreg $0xFFFFFFFF  }
0xa7: {  	s28 =	simm.s32 $_size_execute0_lowered;
	s2 =	sadd.s32 s2, s4;
	[dreg:$0x0] =	wrdreg $0x0  }
0xa8: {  	s4 =	sshll.u32 s28, $0x1;
	[dreg:$0x2] =	wrdreg s2  }
0xa9: {  	[dreg:$0x3] =	wrdreg s4  }
0xaa: {  	[dreg:$0x4] =	wrdreg $0xC0  }
0xab: {  	_ =	task [dreg:s6], $0x5FFFF  }
0xac: {  	[dreg:$0x1] =	wrdreg $0xFFFFFFFF  }
0xad: {  	[dreg:$0x0] =	wrdreg $0x60  }
0xae: {  	[dreg:$0x2] =	wrdreg s24  }
0xaf: {  	[dreg:$0x3] =	wrdreg $0xA  }
0xb0: {  	_ =	task.clear_ibuf [dreg:s6], $0x4FFFF;
	_ =	strace $0x90000046  }
0xb1: {  	s29 =	simm.s32 $0xA;
	_ =	strace $0x80000048  }
0xb2: {  	_ =	swait.ge [sflag:s29], $0x1  }
0xb3: {  	[sflag:s29] =	ssyncadd.s32 $0xFFFFFFFF  }
0xb4: {  	_ =	strace $0x90000048  }
0xb5: {  	_ =	sfence  }
0xb6: {  	s30 =	sld [smem:$0x0];
	_ =	sdelay $0x2  }
0xb7: {  	s31 =	sshll.u32 s1, $0xD;
	s1 =	sshrl.u32 s1, $0x2  }
0xb8: {  	s3 =	sand.u32 $0x4000, s31;
	s1 =	sadd.s32 s1, s30  }
0xb9: {  	s0 =	sor.u32 s3, s0;
	s1 =	sshll.u32 s1, $0x11  }
0xba: {  	s0 =	sor.u32 s1, s0  }
0xbb: {  	s0 =	sadd.s32 $0x8F2B, s0  }
0xbc: {  	[sflag:s0] =	ssyncadd.remote.s32 $0x1  }
0xbd: {  	_ =	sfence.sel $0xFFFF  }
0xbe: {  	[dreg:$0x0] =	wrdreg $0xFFFFFFFF;
	(pc) =	sbr.abs _section_cstart, $3  }
0xbf: {  	[dreg:$0x1] =	wrdreg $0xFFFFFFFF  }
0xc0: {  	_ =	task.clear_ibuf [dreg:s6], $0x2FFFF;
	_ =	strace $0x9FFFFFFF  }
0xc1: {  	(tm) =	ssettm $0x7FFFFFFF  }
tec
execute0_lowered:
.L_overlay_start_1:
0x0: {  	(tag) =	ssettag $0x1  }
0x1: {  	s1 =	srdreg.scid  }
0x2: {  	s0 =	stileid.u32;
	s6 =	sand.u32 $0x1, s1  }
0x3: {  	s4 =	rddreg [dreg:$0x0];
	s12 =	sshll.u32 s0, $0xB;
	s2 =	sshll.u32 s6, $0xA  }
0x4: {  	s13 =	simm.s32 $0x900;
	s3 =	sor.u32 s2, s12;
	s2 =	simm.s32 $0x0  }
0x5: {  	s14 =	simm.s32 $0x1100;
	s15 =	simm.s32 $0x1900;
	[smem:$0x7FF] =	sst s2  }
0x6: {  	s17 =	simm.s32 $0x2100;
	_ =	strace $0x80000047;
	[dreg:$0x4] =	wrdreg s13  }
0x7: {  	s18 =	simm.s32 $0x2900;
	s19 =	simm.s32 $0x3100;
	[dreg:$0x5] =	wrdreg s14  }
0x8: {  	s20 =	simm.s32 $0x3900;
	s21 =	simm.s32 $0x4100;
	[dreg:$0x6] =	wrdreg s15  }
0x9: {  	s22 =	simm.s32 $0x4900;
	s23 =	simm.s32 $0x5100;
	[dreg:$0x7] =	wrdreg s17  }
0xa: {  	s24 =	simm.s32 $0x5900;
	s25 =	simm.s32 $0x6100;
	[dreg:$0x8] =	wrdreg s18  }
0xb: {  	s26 =	simm.s32 $0x6900;
	s30 =	simm.s32 $0x7100;
	[dreg:$0x9] =	wrdreg s19  }
0xc: {  	s31 =	simm.s32 $0x7900;
	s10 =	simm.s32 $0x8100;
	[dreg:$0xa] =	wrdreg s20  }
0xd: {  	s11 =	simm.s32 $0x8900;
	s28 =	simm.s32 $0x2;
	[dreg:$0xb] =	wrdreg s21  }
0xe: {  	s29 =	simm.s32 $0x0;
	s7 =	sadd.s32 $0x24F000, s4;
	[dreg:$0xc] =	wrdreg s22  }
0xf: {  	s16 =	sshll.u32 s0, $0x11;
	s8 =	ssub.s32 $0x2, s6;
	[dreg:$0xd] =	wrdreg s23  }
0x10: {  	s6 =	sshll.u32 s6, $0x10;
	s9 =	sshrl.u32 s8, $0x1;
	[dreg:$0xe] =	wrdreg s24  }
0x11: {  	s12 =	simm.s32 $0x9100;
	s5 =	sor.u32 $0x40, s3;
	[dreg:$0xf] =	wrdreg s25  }
0x12: {  	s3 =	sshrl.u32 s3, $0x3;
	s8 =	ssub.s32 s8, s9;
	[dreg:$0x10] =	wrdreg s26  }
0x13: {  	s9 =	simm.s32 $0x80;
	s5 =	sshrl.u32 s5, $0x3;
	[dreg:$0x11] =	wrdreg s30  }
0x14: {  	s3 =	sadd.s32 s3, s7;
	[dreg:$0x12] =	wrdreg s31;
	s13 =	simm.s32 $0x9900  }
0x15: {  	s14 =	simm.s32 $0xA100;
	s15 =	simm.s32 $0xA900;
	s17 =	simm.s32 $0xB900  }
0x16: {  	s18 =	simm.s32 $0xC100;
	s19 =	simm.s32 $0xC900;
	s20 =	simm.s32 $0xD100  }
0x17: {  	s21 =	simm.s32 $0xD900;
	s22 =	simm.s32 $0xE100;
	s23 =	simm.s32 $0xE900  }
0x18: {  	s24 =	simm.s32 $0xF100;
	s25 =	simm.s32 $0xF900;
	s26 =	simm.s32 $0x1  }
0x19: {  	s5 =	sadd.s32 s5, s7;
	[dreg:$0x3] =	wrdreg s3;
	s3 =	sadd.s32 $0x10F000, s4  }
0x1a: {  	v2 =	vlaneseq.u32;
	s7 =	sadd.s32 s16, s4;
	s4 =	sadd.s32 $0x10F100, s4;
	s16 =	simm.s32 $0xB100  }
0x1b: {  	vm0 =	vmmov $0xffff;
	v1 =	vshrl.u32 v2, $0x3;
	[dreg:$0x2] =	wrdreg s5;
	s5 =	smax.u32 s8, $0x1;
	s6 =	sadd.s32 s6, s7  }
0x1c: {  	v0 =	vand.u32 $0x7, v2;
	v2 =	vor.u32 $0x8, v2;
	v1 =	vmul.u32 $0x8, v1;
	s7 =	simm.s32 $0x3;
	s8 =	simm.s32 $0x100;
	s6 =	sadd.s32 $0x250000, s6  }
.LBB2_1:
0x1d: {  	s30 =	smov.u32 s6;
	s31 =	simm.s32 $0x0  }
.LBB2_2:
0x1e: {  	s1 =	rddreg [dreg:$0x3]  }
0x1f: {  	s1 =	sadd.s32 s31, s1  }
0x20: {  	[tilespmem:s2], [sflag:$0x3] =	stream.linear.gather [hbm4b:s1+s2], $0x40, $0x38;
	[tilespmem:$0x10100] =	vst v63  }
0x21: {  	_ =	swait.ge [sflag:s7], $0x40  }
0x22: {  	[sflag:s7] =	ssyncset.done $0x0  }
0x23: {  	[sflag:s7] =	ssyncadd.s32 $0xFFFFFFC0  }
0x24: {  	v3 =	vld [tilespmem:$0x0];
	_ =	sdelay $0x4  }
0x25: {  	v4 =	vshll.u32 v3, $0x2  }
0x26: {  	v3 =	vand.u32 $0x7, v3;
	v4 =	vand.u32 $0xFFFFFFE0, v4  }
0x27: {  	v3 =	vor.u32 v3, v4  }
0x28: {  	v4 =	vperm.xlane v3, v0;
	_ =	sdelay $0x1  }
0x29: {  	v4 =	vadd.s32 v1, v4;
	_ =	sdelay $0x1  }
0x2a: {  	v3 =	vperm.xlane v3, v2;
	_ =	sdelay $0x1  }
0x2b: {  	v3 =	vadd.s32 v1, v3  }
0x2c: {  	[tilespmem:s8], [sflag:$0x1] =	stream.indirect_vreg.gather [hbm4b:s3+s2], $0x80, v4, vm0, $0xb8;
	[tilespmem:$0x10100] =	vst v63  }
0x2d: {  	s1 =	rddreg [dreg:$0x4]  }
0x2e: {  	[tilespmem:s1], [sflag:$0x1] =	stream.indirect_vreg.gather [hbm4b:s4+s2], $0x80, v4, vm0, $0xb8;
	[tilespmem:$0x10100] =	vst v63  }
0x2f: {  	s0 =	rddreg [dreg:$0x5]  }
0x30: {  	[tilespmem:s0], [sflag:$0x1] =	stream.indirect_vreg.gather [hbm4b:s3+s2], $0x80, v3, vm0, $0xb8;
	[tilespmem:$0x10100] =	vst v63  }
0x31: {  	s1 =	rddreg [dreg:$0x6]  }
0x32: {  	[tilespmem:s1], [sflag:$0x1] =	stream.indirect_vreg.gather [hbm4b:s4+s2], $0x80, v3, vm0, $0xb8;
	[tilespmem:$0x10100] =	vst v63  }
0x33: {  	v3 =	vld [tilespmem:$0x10];
	_ =	sdelay $0x4  }
0x34: {  	v57 =	vshll.u32 v3, $0x2  }
0x35: {  	v3 =	vand.u32 $0x7, v3;
	v4 =	vand.u32 $0xFFFFFFE0, v57  }
0x36: {  	v3 =	vor.u32 v3, v4  }
0x37: {  	v4 =	vperm.xlane v3, v0;
	_ =	sdelay $0x1  }
0x38: {  	v4 =	vadd.s32 v1, v4;
	_ =	sdelay $0x1  }
0x39: {  	v3 =	vperm.xlane v3, v2;
	_ =	sdelay $0x1  }
0x3a: {  	s0 =	rddreg [dreg:$0x7];
	v3 =	vadd.s32 v1, v3  }
0x3b: {  	[tilespmem:s0], [sflag:$0x1] =	stream.indirect_vreg.gather [hbm4b:s3+s2], $0x80, v4, vm0, $0xb8;
	[tilespmem:$0x10100] =	vst v63  }
0x3c: {  	s1 =	rddreg [dreg:$0x8]  }
0x3d: {  	[tilespmem:s1], [sflag:$0x1] =	stream.indirect_vreg.gather [hbm4b:s4+s2], $0x80, v4, vm0, $0xb8;
	[tilespmem:$0x10100] =	vst v63  }
0x3e: {  	s0 =	rddreg [dreg:$0x9]  }
0x3f: {  	[tilespmem:s0], [sflag:$0x1] =	stream.indirect_vreg.gather [hbm4b:s3+s2], $0x80, v3, vm0, $0xb8;
	[tilespmem:$0x10100] =	vst v63  }
0x40: {  	s1 =	rddreg [dreg:$0xa]  }
0x41: {  	[tilespmem:s1], [sflag:$0x1] =	stream.indirect_vreg.gather [hbm4b:s4+s2], $0x80, v3, vm0, $0xb8;
	[tilespmem:$0x10100] =	vst v63  }
0x42: {  	v3 =	vld [tilespmem:$0x20];
	_ =	sdelay $0x4  }
0x43: {  	v58 =	vshll.u32 v3, $0x2  }
0x44: {  	v3 =	vand.u32 $0x7, v3;
	v4 =	vand.u32 $0xFFFFFFE0, v58  }
0x45: {  	v3 =	vor.u32 v3, v4  }
0x46: {  	v4 =	vperm.xlane v3, v0;
	_ =	sdelay $0x1  }
0x47: {  	v4 =	vadd.s32 v1, v4;
	_ =	sdelay $0x1  }
0x48: {  	v3 =	vperm.xlane v3, v2;
	_ =	sdelay $0x1  }
0x49: {  	s0 =	rddreg [dreg:$0xb];
	v3 =	vadd.s32 v1, v3  }
0x4a: {  	[tilespmem:s0], [sflag:$0x1] =	stream.indirect_vreg.gather [hbm4b:s3+s2], $0x80, v4, vm0, $0xb8;
	[tilespmem:$0x10100] =	vst v63  }
0x4b: {  	s1 =	rddreg [dreg:$0xc]  }
0x4c: {  	[tilespmem:s1], [sflag:$0x1] =	stream.indirect_vreg.gather [hbm4b:s4+s2], $0x80, v4, vm0, $0xb8;
	[tilespmem:$0x10100] =	vst v63  }
0x4d: {  	s0 =	rddreg [dreg:$0xd]  }
0x4e: {  	[tilespmem:s0], [sflag:$0x1] =	stream.indirect_vreg.gather [hbm4b:s3+s2], $0x80, v3, vm0, $0xb8;
	[tilespmem:$0x10100] =	vst v63  }
0x4f: {  	s1 =	rddreg [dreg:$0xe]  }
0x50: {  	[tilespmem:s1], [sflag:$0x1] =	stream.indirect_vreg.gather [hbm4b:s4+s2], $0x80, v3, vm0, $0xb8;
	[tilespmem:$0x10100] =	vst v63  }
0x51: {  	v3 =	vld [tilespmem:$0x30];
	_ =	sdelay $0x4  }
0x52: {  	v59 =	vshll.u32 v3, $0x2  }
0x53: {  	v3 =	vand.u32 $0x7, v3;
	v4 =	vand.u32 $0xFFFFFFE0, v59  }
0x54: {  	v3 =	vor.u32 v3, v4  }
0x55: {  	v4 =	vperm.xlane v3, v0;
	_ =	sdelay $0x1  }
0x56: {  	v4 =	vadd.s32 v1, v4;
	_ =	sdelay $0x1  }
0x57: {  	v3 =	vperm.xlane v3, v2  }
0x58: {  	s0 =	rddreg [dreg:$0xf]  }
0x59: {  	s1 =	rddreg [dreg:$0x10];
	v3 =	vadd.s32 v1, v3  }
0x5a: {  	[tilespmem:s0], [sflag:$0x1] =	stream.indirect_vreg.gather [hbm4b:s3+s2], $0x80, v4, vm0, $0xb8;
	[tilespmem:$0x10100] =	vst v63  }
0x5b: {  	s0 =	rddreg [dreg:$0x11]  }
0x5c: {  	[tilespmem:s1], [sflag:$0x1] =	stream.indirect_vreg.gather [hbm4b:s4+s2], $0x80, v4, vm0, $0xb8;
	[tilespmem:$0x10100] =	vst v63  }
0x5d: {  	s1 =	rddreg [dreg:$0x2]  }
0x5e: {  	[tilespmem:s0], [sflag:$0x1] =	stream.indirect_vreg.gather [hbm4b:s3+s2], $0x80, v3, vm0, $0xb8;
	[tilespmem:$0x10100] =	vst v63  }
0x5f: {  	s0 =	rddreg [dreg:$0x12]  }
0x60: {  	[tilespmem:s0], [sflag:$0x1] =	stream.indirect_vreg.gather [hbm4b:s4+s2], $0x80, v3, vm0, $0xb8;
	[tilespmem:$0x10100] =	vst v63  }
0x61: {  	s1 =	sadd.s32 s31, s1  }
0x62: {  	[tilespmem:s9], [sflag:$0x3] =	stream.linear.gather [hbm4b:s1+s2], $0x40, $0x38;
	[tilespmem:$0x10100] =	vst v63  }
0x63: {  	_ =	swait.ge [sflag:s7], $0x40  }
0x64: {  	[sflag:s7] =	ssyncset.done $0x0  }
0x65: {  	[sflag:s7] =	ssyncadd.s32 $0xFFFFFFC0  }
0x66: {  	v3 =	vld [tilespmem:$0x80];
	_ =	sdelay $0x4  }
0x67: {  	v60 =	vshll.u32 v3, $0x2  }
0x68: {  	v3 =	vand.u32 $0x7, v3;
	v4 =	vand.u32 $0xFFFFFFE0, v60  }
0x69: {  	v3 =	vor.u32 v3, v4  }
0x6a: {  	v4 =	vperm.xlane v3, v0;
	_ =	sdelay $0x1  }
0x6b: {  	v4 =	vadd.s32 v1, v4;
	_ =	sdelay $0x1  }
0x6c: {  	v3 =	vperm.xlane v3, v2;
	_ =	sdelay $0x1  }
0x6d: {  	v3 =	vadd.s32 v1, v3  }
0x6e: {  	[tilespmem:s10], [sflag:$0x2] =	stream.indirect_vreg.gather [hbm4b:s3+s2], $0x80, v4, vm0, $0xb8;
	[tilespmem:$0x10100] =	vst v63  }
0x6f: {  	_ = 	snop  }
0x70: {  	[tilespmem:s11], [sflag:$0x2] =	stream.indirect_vreg.gather [hbm4b:s4+s2], $0x80, v4, vm0, $0xb8;
	[tilespmem:$0x10100] =	vst v63  }
0x71: {  	_ = 	snop  }
0x72: {  	[tilespmem:s12], [sflag:$0x2] =	stream.indirect_vreg.gather [hbm4b:s3+s2], $0x80, v3, vm0, $0xb8;
	[tilespmem:$0x10100] =	vst v63  }
0x73: {  	_ = 	snop  }
0x74: {  	[tilespmem:s13], [sflag:$0x2] =	stream.indirect_vreg.gather [hbm4b:s4+s2], $0x80, v3, vm0, $0xb8;
	[tilespmem:$0x10100] =	vst v63  }
0x75: {  	v3 =	vld [tilespmem:$0x90];
	_ =	sdelay $0x4  }
0x76: {  	v61 =	vshll.u32 v3, $0x2  }
0x77: {  	v3 =	vand.u32 $0x7, v3;
	v4 =	vand.u32 $0xFFFFFFE0, v61  }
0x78: {  	v3 =	vor.u32 v3, v4  }
0x79: {  	v4 =	vperm.xlane v3, v0;
	_ =	sdelay $0x1  }
0x7a: {  	v4 =	vadd.s32 v1, v4;
	_ =	sdelay $0x1  }
0x7b: {  	v3 =	vperm.xlane v3, v2;
	_ =	sdelay $0x1  }
0x7c: {  	v3 =	vadd.s32 v1, v3  }
0x7d: {  	[tilespmem:s14], [sflag:$0x2] =	stream.indirect_vreg.gather [hbm4b:s3+s2], $0x80, v4, vm0, $0xb8;
	[tilespmem:$0x10100] =	vst v63  }
0x7e: {  	_ = 	snop  }
0x7f: {  	[tilespmem:s15], [sflag:$0x2] =	stream.indirect_vreg.gather [hbm4b:s4+s2], $0x80, v4, vm0, $0xb8;
	[tilespmem:$0x10100] =	vst v63  }
0x80: {  	_ = 	snop  }
0x81: {  	[tilespmem:s16], [sflag:$0x2] =	stream.indirect_vreg.gather [hbm4b:s3+s2], $0x80, v3, vm0, $0xb8;
	[tilespmem:$0x10100] =	vst v63  }
0x82: {  	_ = 	snop  }
0x83: {  	[tilespmem:s17], [sflag:$0x2] =	stream.indirect_vreg.gather [hbm4b:s4+s2], $0x80, v3, vm0, $0xb8;
	[tilespmem:$0x10100] =	vst v63  }
0x84: {  	v3 =	vld [tilespmem:$0xA0];
	_ =	sdelay $0x4  }
0x85: {  	v62 =	vshll.u32 v3, $0x2  }
0x86: {  	v3 =	vand.u32 $0x7, v3;
	v4 =	vand.u32 $0xFFFFFFE0, v62  }
0x87: {  	v3 =	vor.u32 v3, v4  }
0x88: {  	v4 =	vperm.xlane v3, v0;
	_ =	sdelay $0x1  }
0x89: {  	v4 =	vadd.s32 v1, v4;
	_ =	sdelay $0x1  }
0x8a: {  	v3 =	vperm.xlane v3, v2;
	_ =	sdelay $0x1  }
0x8b: {  	v3 =	vadd.s32 v1, v3  }
0x8c: {  	[tilespmem:s18], [sflag:$0x2] =	stream.indirect_vreg.gather [hbm4b:s3+s2], $0x80, v4, vm0, $0xb8;
	[tilespmem:$0x10100] =	vst v63  }
0x8d: {  	_ = 	snop  }
0x8e: {  	[tilespmem:s19], [sflag:$0x2] =	stream.indirect_vreg.gather [hbm4b:s4+s2], $0x80, v4, vm0, $0xb8;
	[tilespmem:$0x10100] =	vst v63  }
0x8f: {  	_ = 	snop  }
0x90: {  	[tilespmem:s20], [sflag:$0x2] =	stream.indirect_vreg.gather [hbm4b:s3+s2], $0x80, v3, vm0, $0xb8;
	[tilespmem:$0x10100] =	vst v63  }
0x91: {  	_ = 	snop  }
0x92: {  	[tilespmem:s21], [sflag:$0x2] =	stream.indirect_vreg.gather [hbm4b:s4+s2], $0x80, v3, vm0, $0xb8;
	[tilespmem:$0x10100] =	vst v63  }
0x93: {  	v3 =	vld [tilespmem:$0xB0];
	_ =	sdelay $0x4  }
0x94: {  	v63 =	vshll.u32 v3, $0x2  }
0x95: {  	v3 =	vand.u32 $0x7, v3;
	v4 =	vand.u32 $0xFFFFFFE0, v63  }
0x96: {  	v3 =	vor.u32 v3, v4  }
0x97: {  	v4 =	vperm.xlane v3, v0;
	_ =	sdelay $0x1  }
0x98: {  	v4 =	vadd.s32 v1, v4;
	_ =	sdelay $0x1  }
0x99: {  	v3 =	vperm.xlane v3, v2;
	_ =	sdelay $0x1  }
0x9a: {  	v3 =	vadd.s32 v1, v3  }
0x9b: {  	[tilespmem:s22], [sflag:$0x2] =	stream.indirect_vreg.gather [hbm4b:s3+s2], $0x80, v4, vm0, $0xb8;
	[tilespmem:$0x10100] =	vst v63  }
0x9c: {  	_ = 	snop  }
0x9d: {  	[tilespmem:s23], [sflag:$0x2] =	stream.indirect_vreg.gather [hbm4b:s4+s2], $0x80, v4, vm0, $0xb8;
	[tilespmem:$0x10100] =	vst v63  }
0x9e: {  	_ = 	snop  }
0x9f: {  	[tilespmem:s24], [sflag:$0x2] =	stream.indirect_vreg.gather [hbm4b:s3+s2], $0x80, v3, vm0, $0xb8;
	[tilespmem:$0x10100] =	vst v63  }
0xa0: {  	_ = 	snop  }
0xa1: {  	[tilespmem:s25], [sflag:$0x2] =	stream.indirect_vreg.gather [hbm4b:s4+s2], $0x80, v3, vm0, $0xb8;
	[tilespmem:$0x10100] =	vst v63  }
0xa2: {  	_ =	swait.ge [sflag:s26], $0x8000  }
0xa3: {  	[sflag:s26] =	ssyncset.done $0x0  }
0xa4: {  	[sflag:s26] =	ssyncadd.s32 $0xFFFF8000  }
0xa5: {  	[hbm4b:s30+s2] =	stream.linear.scatter [tilespmem:s8], [sflag:$0x3], $0x8000, $0x38;
	[tilespmem:$0x10100] =	vst v63  }
0xa6: {  	_ =	swait.ge [sflag:s7], $0x8000  }
0xa7: {  	[sflag:s7] =	ssyncset.done $0x0  }
0xa8: {  	[sflag:s7] =	ssyncadd.s32 $0xFFFF8000  }
0xa9: {  	_ =	swait.ge [sflag:s28], $0x8000  }
0xaa: {  	p0 =	sne.s32 s31, $0x70;
	[sflag:s28] =	ssyncset.done $0x0  }
.Ltmp0:
0xab: {  	s1 =	sadd.s32 $0x1000, s30;
	[sflag:s28] =	ssyncadd.s32 $0xFFFF8000;
	(pc) =	sbr.rel @p0 .LBB2_2-.Ltmp0, $4  }
0xac: {  	[hbm4b:s1+s2] =	stream.linear.scatter [tilespmem:s10], [sflag:$0x3], $0x8000, $0x38;
	[tilespmem:$0x10100] =	vst v63  }
0xad: {  	_ =	swait.ge [sflag:s7], $0x8000  }
0xae: {  	[sflag:s7] =	ssyncset.done $0x0  }
0xaf: {  	s31 =	sadd.s32 $0x10, s31;
	s30 =	sadd.s32 $0x2000, s30;
	[sflag:s7] =	ssyncadd.s32 $0xFFFF8000  }
0xb0: {  	s29 =	sadd.s32 $0x1, s29  }
0xb1: {  	p0 =	sne.s32 s29, s5  }
.Ltmp1:
0xb2: {  	_ = 	snop;
	(pc) =	sbr.rel @p0 .LBB2_1-.Ltmp1, $1  }
0xb3: {  	_ =	sdelay $0x3  }
0xb4: {  	_ =	sfence.sel $0x180000  }
0xb5: {  	[bflag:$0x0] =	sbarrier.arrive $0xFFFF  }
0xb6: {  	_ =	strace $0x90000047  }
0xb7: {  	s0 =	stileid.u32;
	[bflag:$0x2] =	sbarrier.arrive $0xFFFF  }
0xb8: {  	p0 =	sne.s32 s0, $0x0;
	s0 =	rddreg [dreg:$0x1]  }
0xb9: {  	s0 =	sadd.s32 @!p0 $0x100000, s0  }
0xba: {  	[sflag:s0] =	ssyncadd.tile.s32 @!p0 $0x1;
	_ =	shalt  }
.Lfunc_end2:
_tile_overlayer_lowered:
.L_overlay_start_2:
0xbb: {  	(tag) =	ssettag $0x2  }
0xbc: {  	s0 =	rddreg [dreg:$0x0];
	s2 =	stileid.u32  }
0xbd: {  	s1 =	rddreg [dreg:$0x1];
	p0 =	sne.s32 s2, $0x0  }
0xbe: {  	s3 =	rddreg [dreg:$0x2];
	[bflag:$0x3] =	sbarrier.arrive $0xFFFF;
	s2 =	simm.s32 @!p0 $0x1C03  }
0xbf: {  	[timem:s3], [sflag:s2] =	dma.local @!p0 [hbm:s0], s1  }
0xc0: {  	s0 =	simm.s32 @!p0 $0x3  }
0xc1: {  	_ =	swait.ge @!p0 [sflag:s0], s1  }
0xc2: {  	s1 =	ssub.s32 @!p0 $0x0, s1;
	[sflag:s0] =	ssyncset.done @!p0 $0x0  }
0xc3: {  	[sflag:s0] =	ssyncadd.s32 @!p0 s1  }
0xc4: {  	[bflag:$0x3] =	sbarrier.arrive $0xFFFF  }
0xc5: {  	_ =	shalt  }

</sc_bundles>
